<compile_context>
chip_gen: v7x
topology: tpu7x:2x2x1
jax: 0.10.2.dev20260603
libtpu: 0.0.44.dev20260713+nightly
codegen_flags: <defaults>
</compile_context>

<pallas_src>
import functools

import jax
import jax.numpy as jnp
from jax import lax
from jax.experimental import pallas as pl
from jax.experimental.pallas import tpu as pltpu
from jax.experimental.pallas import tpu_sc as plsc

H = 200
W = 200
C = 256
R = 512
OUT_HW = 7
NBIN = OUT_HW * OUT_HW
NW = 32
RPW = R // NW
NSTEP = RPW * OUT_HW
NROW = 112
ROIBLK = C * NBIN

_DNUMS = lax.GatherDimensionNumbers(
    offset_dims=(), collapsed_slice_dims=(0,), start_index_map=(0,))


def _vtake(vec, idx):
    return lax.gather(vec, idx[:, None], _DNUMS, (1,),
                      mode=lax.GatherScatterMode.PROMISE_IN_BOUNDS)


def _sc_body(table, roisp, out, rois_v, idx0a, idx0b, idx1a, idx1b,
             rows0a, rows0b, rows1a, rows1b, ob, w0, w1,
             g0a, g0b, g1a, g1b, o0, o1):
    cid = lax.axis_index("c")
    sid = lax.axis_index("s")
    wid = sid * 2 + cid
    roi0 = wid * RPW
    pltpu.sync_copy(roisp.at[pl.ds(roi0, RPW)], rois_v)

    it = lax.iota(jnp.int32, 16)
    iy_pat = (it >> 3) & 1
    ix_pat = (it >> 2) & 1
    cy_m = ((it >> 1) & 1) == 1
    cx_m = (it & 1) == 1
    offs = (it >> 1).astype(jnp.float32) + ((it & 1).astype(jnp.float32) + 0.5) * 0.5
    iota98 = it * (2 * NBIN)

    def build(s, idx_buf, w_buf):
        i = s // OUT_HW
        p = s - i * OUT_HW
        vec = rois_v[i, :]
        b40k = _vtake(vec, jnp.zeros((16,), jnp.int32)).astype(jnp.int32) * (H * W)
        x1 = _vtake(vec, jnp.full((16,), 1, jnp.int32)) * 0.25 - 0.5
        y1 = _vtake(vec, jnp.full((16,), 2, jnp.int32)) * 0.25 - 0.5
        x2 = _vtake(vec, jnp.full((16,), 3, jnp.int32)) * 0.25 - 0.5
        y2 = _vtake(vec, jnp.full((16,), 4, jnp.int32)) * 0.25 - 0.5
        bh = (y2 - y1) * (1.0 / OUT_HW)
        bw = (x2 - x1) * (1.0 / OUT_HW)

        Yv = y1 + offs * bh
        vy = jnp.where((Yv >= -1.0) & (Yv <= 1.0 * H), 0.5, 0.0)
        ycl = jnp.clip(Yv, 0.0, H - 1.0)
        yq = ycl.astype(jnp.int32)
        ly = ycl - yq.astype(jnp.float32)
        ya = b40k + yq * W
        yb = b40k + jnp.minimum(yq + 1, H - 1) * W
        wyh = (1.0 - ly) * vy
        wyl = ly * vy

        Xv = x1 + offs * bw
        vx = jnp.where((Xv >= -1.0) & (Xv <= 1.0 * W), 0.5, 0.0)
        xcl = jnp.clip(Xv, 0.0, W - 1.0)
        xq = xcl.astype(jnp.int32)
        lx = xcl - xq.astype(jnp.float32)
        xb = jnp.minimum(xq + 1, W - 1)
        wxh = (1.0 - lx) * vx
        wxl = lx * vx

        lanes_t = 2 * p + iy_pat
        ysel = jnp.where(cy_m, _vtake(yb, lanes_t), _vtake(ya, lanes_t))
        wy_s = jnp.where(cy_m, _vtake(wyl, lanes_t), _vtake(wyh, lanes_t))
        idx_a, idx_b = idx_buf
        for pw in range(OUT_HW):
            lanes_u = 2 * pw + ix_pat
            xsel = jnp.where(cx_m, _vtake(xb, lanes_u), _vtake(xq, lanes_u))
            wx_s = jnp.where(cx_m, _vtake(wxl, lanes_u), _vtake(wxh, lanes_u))
            if pw < 4:
                idx_a[pl.ds(pw * 16, 16)] = ysel + xsel
            else:
                idx_b[pl.ds((pw - 4) * 16, 16)] = ysel + xsel
            w_buf[pl.ds(pw * 16, 16)] = wy_s * wx_s

    def consume(s, rows_a, rows_b, w_buf):
        i = s // OUT_HW
        p = s - i * OUT_HW
        par = i & 1
        pbase = par * ROIBLK

        @pl.when((p == 0) & (i >= 2) & (par == 0))
        def _():
            pltpu.make_async_copy(ob.at[pl.ds(0, ROIBLK)], out.at[0], o0).wait()

        @pl.when((p == 0) & (i >= 2) & (par == 1))
        def _():
            pltpu.make_async_copy(ob.at[pl.ds(0, ROIBLK)], out.at[0], o1).wait()

        def make_bin_body(rows_buf, pw_off):
          def bin_body(pw, carry):
            w16 = w_buf[pl.ds(pw * 16, 16)]
            zero = jnp.zeros((16,), jnp.float32)

            def j_body(j, accs):
                wj = _vtake(w16, jnp.broadcast_to(j, (16,)))
                row = (pw - pw_off) * 16 + j
                new = []
                for h in range(8):
                    ab = rows_buf[row, pl.ds(h * 32, 32)]
                    word = plsc.bitcast(ab, jnp.int32)
                    lo = plsc.bitcast(word << 16, jnp.float32)
                    hi = plsc.bitcast(word, jnp.float32)
                    new.append(accs[2 * h] + wj * lo)
                    new.append(accs[2 * h + 1] + wj * hi)
                return tuple(new)

            accs = lax.fori_loop(0, 16, j_body, (zero,) * 16)
            basev = iota98 + (pbase + p * OUT_HW + pw)
            for v in range(16):
                off = NBIN * 32 * (v // 2) + NBIN * (v % 2)
                plsc.store_scatter(ob, [basev + off], accs[v])
            return carry
          return bin_body

        lax.fori_loop(0, 4, make_bin_body(rows_a, 0), 0)
        lax.fori_loop(4, OUT_HW, make_bin_body(rows_b, 4), 0)

        @pl.when((p == OUT_HW - 1) & (par == 0))
        def _():
            pltpu.async_copy(ob.at[pl.ds(0, ROIBLK)], out.at[roi0 + i], o0)

        @pl.when((p == OUT_HW - 1) & (par == 1))
        def _():
            pltpu.async_copy(ob.at[pl.ds(ROIBLK, ROIBLK)], out.at[roi0 + i], o1)

    build(jnp.int32(0), (idx0a, idx0b), w0)
    pltpu.async_copy(table.at[idx0a], rows0a, g0a)
    pltpu.async_copy(table.at[idx0b], rows0b, g0b)

    def loop_body(g, carry):
        s = 2 * g
        build(s + 1, (idx1a, idx1b), w1)
        pltpu.async_copy(table.at[idx1a], rows1a, g1a)
        pltpu.async_copy(table.at[idx1b], rows1b, g1b)
        pltpu.make_async_copy(table.at[idx0a], rows0a, g0a).wait()
        pltpu.make_async_copy(table.at[idx0b], rows0b, g0b).wait()
        consume(s, rows0a, rows0b, w0)

        @pl.when(g < NSTEP // 2 - 1)
        def _():
            build(s + 2, (idx0a, idx0b), w0)
            pltpu.async_copy(table.at[idx0a], rows0a, g0a)
            pltpu.async_copy(table.at[idx0b], rows0b, g0b)

        pltpu.make_async_copy(table.at[idx1a], rows1a, g1a).wait()
        pltpu.make_async_copy(table.at[idx1b], rows1b, g1b).wait()
        consume(s + 1, rows1a, rows1b, w1)
        return carry

    lax.fori_loop(0, NSTEP // 2, loop_body, 0)
    pltpu.make_async_copy(ob.at[pl.ds(0, ROIBLK)], out.at[0], o0).wait()
    pltpu.make_async_copy(ob.at[pl.ds(0, ROIBLK)], out.at[0], o1).wait()


@functools.cache
def _sc_call():
    return functools.partial(
        pl.kernel,
        out_type=jax.ShapeDtypeStruct((R, ROIBLK), jnp.float32),
        mesh=plsc.VectorSubcoreMesh(core_axis_name="c", subcore_axis_name="s"),
        compiler_params=pltpu.CompilerParams(use_tc_tiling_on_sc=False,
                                             needs_layout_passes=False),
        scratch_types=[
            pltpu.VMEM((RPW, 16), jnp.float32),
            pltpu.VMEM((64,), jnp.int32),
            pltpu.VMEM((48,), jnp.int32),
            pltpu.VMEM((64,), jnp.int32),
            pltpu.VMEM((48,), jnp.int32),
            pltpu.VMEM((64, C), jnp.bfloat16),
            pltpu.VMEM((48, C), jnp.bfloat16),
            pltpu.VMEM((64, C), jnp.bfloat16),
            pltpu.VMEM((48, C), jnp.bfloat16),
            pltpu.VMEM((2 * ROIBLK,), jnp.float32),
            pltpu.VMEM((NROW,), jnp.float32),
            pltpu.VMEM((NROW,), jnp.float32),
            pltpu.SemaphoreType.DMA,
            pltpu.SemaphoreType.DMA,
            pltpu.SemaphoreType.DMA,
            pltpu.SemaphoreType.DMA,
            pltpu.SemaphoreType.DMA,
            pltpu.SemaphoreType.DMA,
        ],
    )(_sc_body)


def kernel(input, rois):
    table = jnp.transpose(input, (0, 2, 3, 1)).reshape(2 * H * W, C)
    table = table.astype(jnp.bfloat16)
    roisp = jnp.pad(rois, ((0, 0), (0, 11)))
    out = _sc_call()(table, roisp)
    return out.reshape(R, C, OUT_HW, OUT_HW)

# --- scband reference (transcript-rebuilt; emitter-appended) ---
"""Pipeline reference for scband-ro-ialign-13795434955021 (READ-ONLY COPY).

The authoritative reference and input builder live on the scoring server;
editing this copy changes nothing except your own understanding.
"""

import jax, jax.numpy as jnp
import numpy as np

OUT_H = 7
OUT_W = 7
SPATIAL_SCALE = 0.25
SAMPLING_RATIO = 2


def setup_inputs(seed: int = 0):
    key = jax.random.key(seed)
    k1, k2, k3, k4 = jax.random.split(key, 4)
    x = jax.random.normal(k1, (2, 256, 200, 200), dtype=jnp.float32)
    R = 512
    bidx = jax.random.randint(k2, (R,), 0, 2).astype(jnp.float32)
    ctr = jax.random.uniform(k3, (R, 2), minval=0.0, maxval=800.0)
    wh = jax.random.uniform(k4, (R, 2), minval=16.0, maxval=384.0)
    p1 = jnp.clip(ctr - wh / 2.0, 0.0, 800.0)
    p2 = jnp.clip(ctr + wh / 2.0, 0.0, 800.0)
    rois = jnp.concatenate([bidx[:, None], p1, p2], axis=1).astype(jnp.float32)
    return {"input": x, "rois": rois}


def _roi_align(x, rois):
    N, C, H, W = x.shape
    R = rois.shape[0]
    ratio = SAMPLING_RATIO
    bidx = rois[:, 0].astype(jnp.int32)
    x1 = rois[:, 1] * SPATIAL_SCALE - 0.5
    y1 = rois[:, 2] * SPATIAL_SCALE - 0.5
    x2 = rois[:, 3] * SPATIAL_SCALE - 0.5
    y2 = rois[:, 4] * SPATIAL_SCALE - 0.5
    roi_w = x2 - x1
    roi_h = y2 - y1
    bin_h = roi_h / OUT_H
    bin_w = roi_w / OUT_W
    offs_y = jnp.arange(OUT_H, dtype=jnp.float32)[:, None] + (jnp.arange(ratio, dtype=jnp.float32)[None, :] + 0.5) / ratio
    offs_x = jnp.arange(OUT_W, dtype=jnp.float32)[:, None] + (jnp.arange(ratio, dtype=jnp.float32)[None, :] + 0.5) / ratio
    ys = y1[:, None, None] + offs_y[None] * bin_h[:, None, None]
    xs = x1[:, None, None] + offs_x[None] * bin_w[:, None, None]
    P = OUT_H * OUT_W * ratio * ratio
    Y = jnp.broadcast_to(ys[:, :, None, :, None], (R, OUT_H, OUT_W, ratio, ratio)).reshape(R, P)
    X = jnp.broadcast_to(xs[:, None, :, None, :], (R, OUT_H, OUT_W, ratio, ratio)).reshape(R, P)
    valid = (Y >= -1.0) & (Y <= H) & (X >= -1.0) & (X <= W)
    y = jnp.clip(Y, 0.0, H - 1)
    xx = jnp.clip(X, 0.0, W - 1)
    y0 = jnp.floor(y).astype(jnp.int32)
    x0 = jnp.floor(xx).astype(jnp.int32)
    y1i = jnp.minimum(y0 + 1, H - 1)
    x1i = jnp.minimum(x0 + 1, W - 1)
    ly = y - y0.astype(jnp.float32)
    lx = xx - x0.astype(jnp.float32)
    hy = 1.0 - ly
    hx = 1.0 - lx
    b = bidx[:, None]
    v00 = x[b, :, y0, x0]
    v01 = x[b, :, y0, x1i]
    v10 = x[b, :, y1i, x0]
    v11 = x[b, :, y1i, x1i]
    w00 = (hy * hx)[:, :, None]
    w01 = (hy * lx)[:, :, None]
    w10 = (ly * hx)[:, :, None]
    w11 = (ly * lx)[:, :, None]
    val = w00 * v00 + w01 * v01 + w10 * v10 + w11 * v11
    val = jnp.where(valid[:, :, None], val, 0.0)
    out = val.reshape(R, OUT_H, OUT_W, ratio * ratio, C).mean(axis=3)
    return jnp.transpose(out, (0, 3, 1, 2))


def reference(input, rois):
    return _roi_align(input, rois)

if __name__ == "__main__":
    import jax
    _d = setup_inputs()
    print(jax.jit(kernel)(*tuple(_d.values())))

</pallas_src>

<mosaic_0001>
#map = affine_map<(d0, d1) -> (0, 0)>
module attributes {stable_mosaic.version = 14 : i64} {
  func.func @_sc_body(%arg0: i32, %arg1: i32, %arg2: memref<80000x256xbf16, #tpu.memory_space<hbm>>, %arg3: memref<512x16xf32, #tpu.memory_space<hbm>>, %arg4: memref<512x12544xf32, #tpu.memory_space<hbm>>, %arg5: memref<16x16xf32, #tpu.memory_space<vmem>>, %arg6: memref<64xi32, #tpu.memory_space<vmem>>, %arg7: memref<48xi32, #tpu.memory_space<vmem>>, %arg8: memref<64xi32, #tpu.memory_space<vmem>>, %arg9: memref<48xi32, #tpu.memory_space<vmem>>, %arg10: memref<64x256xbf16, #tpu.memory_space<vmem>>, %arg11: memref<48x256xbf16, #tpu.memory_space<vmem>>, %arg12: memref<64x256xbf16, #tpu.memory_space<vmem>>, %arg13: memref<48x256xbf16, #tpu.memory_space<vmem>>, %arg14: memref<25088xf32, #tpu.memory_space<vmem>>, %arg15: memref<112xf32, #tpu.memory_space<vmem>>, %arg16: memref<112xf32, #tpu.memory_space<vmem>>, %arg17: memref<!tpu.dma_semaphore, #tpu.memory_space<semaphore_mem>>, %arg18: memref<!tpu.dma_semaphore, #tpu.memory_space<semaphore_mem>>, %arg19: memref<!tpu.dma_semaphore, #tpu.memory_space<semaphore_mem>>, %arg20: memref<!tpu.dma_semaphore, #tpu.memory_space<semaphore_mem>>, %arg21: memref<!tpu.dma_semaphore, #tpu.memory_space<semaphore_mem>>, %arg22: memref<!tpu.dma_semaphore, #tpu.memory_space<semaphore_mem>>) attributes {dimension_semantics = [#tpu.dimension_semantics<core_parallel>, #tpu.dimension_semantics<subcore_parallel>], iteration_bounds = array<i64: 2, 16>, scalar_prefetch = 0 : i64, scratch_operands = 18 : i64, tpu.core_type = #tpu.core_type<sc_vector_subcore>, window_params = [{transform_indices = #map}, {transform_indices = #map}, {transform_indices = #map}]} {
    %mul3A = arith.constant 2 : i32
    %mul3A_0 = arith.muli %arg1, %mul3A : i32
    %add3A = arith.addi %mul3A_0, %arg0 : i32
    %mul3A_1 = arith.constant 16 : i32
    %mul3A_2 = arith.muli %add3A, %mul3A_1 : i32
    "tpu.region"() ({
      %run_scoped3A = tpu.sem_alloc : memref<!tpu.dma_semaphore, #tpu.memory_space<semaphore_mem>>
      %dma_start3A_408 = arith.constant 0 : i32
      %dma_start3A_409 = tpu.memref_slice %arg3[%mul3A_2, %dma_start3A_408] : memref<512x16xf32, #tpu.memory_space<hbm>> -> memref<16x16xf32, #tpu.memory_space<hbm>>
      %dma_start3A_410 = arith.constant 0 : i32
      %dma_start3A_411 = tpu.memref_slice %arg3[%mul3A_2, %dma_start3A_410] : memref<512x16xf32, #tpu.memory_space<hbm>> -> memref<16x16xf32, #tpu.memory_space<hbm>>
      tpu.enqueue_dma source(%dma_start3A_411 : memref<16x16xf32, #tpu.memory_space<hbm>>) target(%arg5 : memref<16x16xf32, #tpu.memory_space<vmem>>) target_semaphore(%run_scoped3A : memref<!tpu.dma_semaphore, #tpu.memory_space<semaphore_mem>>)
      %dma_wait3A_412 = arith.constant 0 : i32
      %dma_wait3A_413 = tpu.memref_slice %arg3[%mul3A_2, %dma_wait3A_412] : memref<512x16xf32, #tpu.memory_space<hbm>> -> memref<16x16xf32, #tpu.memory_space<hbm>>
      %dma_wait3A_414 = arith.constant 0 : i32
      %dma_wait3A_415 = tpu.memref_slice %arg3[%mul3A_2, %dma_wait3A_414] : memref<512x16xf32, #tpu.memory_space<hbm>> -> memref<16x16xf32, #tpu.memory_space<hbm>>
      tpu.wait_dma2 semaphore(%run_scoped3A : memref<!tpu.dma_semaphore, #tpu.memory_space<semaphore_mem>>) src(%dma_wait3A_415 : memref<16x16xf32, #tpu.memory_space<hbm>>) dst(%arg5 : memref<16x16xf32, #tpu.memory_space<vmem>>)
      tpu.yield
    }) : () -> ()
    %iota3A = tpu.iota {dimensions = array<i32: 0>} : vector<16xi32>
    %shift_right_arithmetic3A = arith.constant 3 : i32
    %shift_right_arithmetic3A_3 = vector.broadcast %shift_right_arithmetic3A : i32 to vector<16xi32>
    %shift_right_arithmetic3A_4 = arith.shrsi %iota3A, %shift_right_arithmetic3A_3 : vector<16xi32>
    %and3A = arith.constant 1 : i32
    %and3A_5 = vector.broadcast %and3A : i32 to vector<16xi32>
    %and3A_6 = arith.andi %shift_right_arithmetic3A_4, %and3A_5 : vector<16xi32>
    %shift_right_arithmetic3A_7 = arith.constant 2 : i32
    %shift_right_arithmetic3A_8 = vector.broadcast %shift_right_arithmetic3A_7 : i32 to vector<16xi32>
    %shift_right_arithmetic3A_9 = arith.shrsi %iota3A, %shift_right_arithmetic3A_8 : vector<16xi32>
    %and3A_10 = arith.constant 1 : i32
    %and3A_11 = vector.broadcast %and3A_10 : i32 to vector<16xi32>
    %and3A_12 = arith.andi %shift_right_arithmetic3A_9, %and3A_11 : vector<16xi32>
    %shift_right_arithmetic3A_13 = arith.constant 1 : i32
    %shift_right_arithmetic3A_14 = vector.broadcast %shift_right_arithmetic3A_13 : i32 to vector<16xi32>
    %shift_right_arithmetic3A_15 = arith.shrsi %iota3A, %shift_right_arithmetic3A_14 : vector<16xi32>
    %and3A_16 = arith.constant 1 : i32
    %and3A_17 = vector.broadcast %and3A_16 : i32 to vector<16xi32>
    %and3A_18 = arith.andi %shift_right_arithmetic3A_15, %and3A_17 : vector<16xi32>
    %eq3A = arith.constant 1 : i32
    %eq3A_19 = vector.broadcast %eq3A : i32 to vector<16xi32>
    %eq3A_20 = arith.cmpi eq, %and3A_18, %eq3A_19 : vector<16xi32>
    %and3A_21 = arith.constant 1 : i32
    %and3A_22 = vector.broadcast %and3A_21 : i32 to vector<16xi32>
    %and3A_23 = arith.andi %iota3A, %and3A_22 : vector<16xi32>
    %eq3A_24 = arith.constant 1 : i32
    %eq3A_25 = vector.broadcast %eq3A_24 : i32 to vector<16xi32>
    %eq3A_26 = arith.cmpi eq, %and3A_23, %eq3A_25 : vector<16xi32>
    %shift_right_arithmetic3A_27 = arith.constant 1 : i32
    %shift_right_arithmetic3A_28 = vector.broadcast %shift_right_arithmetic3A_27 : i32 to vector<16xi32>
    %shift_right_arithmetic3A_29 = arith.shrsi %iota3A, %shift_right_arithmetic3A_28 : vector<16xi32>
    %convert_element_type3A = arith.sitofp %shift_right_arithmetic3A_29 : vector<16xi32> to vector<16xf32>
    %and3A_30 = arith.constant 1 : i32
    %and3A_31 = vector.broadcast %and3A_30 : i32 to vector<16xi32>
    %and3A_32 = arith.andi %iota3A, %and3A_31 : vector<16xi32>
    %convert_element_type3A_33 = arith.sitofp %and3A_32 : vector<16xi32> to vector<16xf32>
    %add3A_34 = arith.constant 5.000000e-01 : f32
    %add3A_35 = vector.broadcast %add3A_34 : f32 to vector<16xf32>
    %add3A_36 = arith.addf %convert_element_type3A_33, %add3A_35 : vector<16xf32>
    %mul3A_37 = arith.constant 5.000000e-01 : f32
    %mul3A_38 = vector.broadcast %mul3A_37 : f32 to vector<16xf32>
    %mul3A_39 = arith.mulf %add3A_36, %mul3A_38 : vector<16xf32>
    %add3A_40 = arith.addf %convert_element_type3A, %mul3A_39 : vector<16xf32>
    %mul3A_41 = arith.constant 98 : i32
    %mul3A_42 = vector.broadcast %mul3A_41 : i32 to vector<16xi32>
    %mul3A_43 = arith.muli %iota3A, %mul3A_42 : vector<16xi32>
    %jit3A = arith.constant 0 : i32
    %jit3A_44 = arith.constant 7 : i32
    %div3A = arith.divsi %jit3A, %jit3A_44 : i32
    %sign3A = arith.constant 0 : i32
    %sign3A_45 = arith.cmpi sgt, %jit3A, %sign3A : i32
    %sign3A_46 = arith.extui %sign3A_45 : i1 to i32
    %sign3A_47 = arith.constant 0 : i32
    %sign3A_48 = arith.cmpi slt, %jit3A, %sign3A_47 : i32
    %sign3A_49 = arith.extui %sign3A_48 : i1 to i32
    %sign3A_50 = arith.subi %sign3A_46, %sign3A_49 : i32
    %sign3A_51 = arith.constant 0 : i32
    %sign3A_52 = arith.cmpi sgt, %jit3A_44, %sign3A_51 : i32
    %sign3A_53 = arith.extui %sign3A_52 : i1 to i32
    %sign3A_54 = arith.constant 0 : i32
    %sign3A_55 = arith.cmpi slt, %jit3A_44, %sign3A_54 : i32
    %sign3A_56 = arith.extui %sign3A_55 : i1 to i32
    %sign3A_57 = arith.subi %sign3A_53, %sign3A_56 : i32
    %ne3A = arith.cmpi ne, %sign3A_50, %sign3A_57 : i32
    %rem3A = arith.remsi %jit3A, %jit3A_44 : i32
    %ne3A_58 = arith.constant 0 : i32
    %ne3A_59 = arith.cmpi ne, %rem3A, %ne3A_58 : i32
    %and3A_60 = arith.andi %ne3A, %ne3A_59 : i1
    %sub3A = arith.constant 1 : i32
    %sub3A_61 = arith.subi %div3A, %sub3A : i32
    %select_n3A = arith.select %and3A_60, %sub3A_61, %div3A : i32
    %mul3A_62 = arith.constant 7 : i32
    %mul3A_63 = arith.muli %select_n3A, %mul3A_62 : i32
    %sub3A_64 = arith.constant 0 : i32
    %sub3A_65 = arith.subi %sub3A_64, %mul3A_63 : i32
    %get3A = arith.index_cast %select_n3A : i32 to index
    %get3A_66 = arith.constant 0 : index
    %get3A_67 = tpu.vector_load %arg5[%get3A, %get3A_66] {strides = array<i32>} : memref<16x16xf32, #tpu.memory_space<vmem>>, vector<16xf32>,
    %broadcast_in_dim3A = arith.constant 0 : i32
    %broadcast_in_dim3A_68 = vector.broadcast %broadcast_in_dim3A : i32 to vector<16xi32>
    %broadcast_in_dim3A_69 = vector.shape_cast %broadcast_in_dim3A_68 : vector<16xi32> to vector<16x1xi32>
    %gather3A = vector.shape_cast %broadcast_in_dim3A_69 : vector<16x1xi32> to vector<16xi32>
    %gather3A_70 = tpu.dynamic_gather %get3A_67[%gather3A] in [0] : vector<16xf32>, vector<16xi32> -> vector<16xf32>
    %convert_element_type3A_71 = arith.fptosi %gather3A_70 : vector<16xf32> to vector<16xi32>
    %mul3A_72 = arith.constant 40000 : i32
    %mul3A_73 = vector.broadcast %mul3A_72 : i32 to vector<16xi32>
    %mul3A_74 = arith.muli %convert_element_type3A_71, %mul3A_73 : vector<16xi32>
    %broadcast_in_dim3A_75 = arith.constant 1 : i32
    %broadcast_in_dim3A_76 = vector.broadcast %broadcast_in_dim3A_75 : i32 to vector<16xi32>
    %broadcast_in_dim3A_77 = vector.shape_cast %broadcast_in_dim3A_76 : vector<16xi32> to vector<16x1xi32>
    %gather3A_78 = vector.shape_cast %broadcast_in_dim3A_77 : vector<16x1xi32> to vector<16xi32>
    %gather3A_79 = tpu.dynamic_gather %get3A_67[%gather3A_78] in [0] : vector<16xf32>, vector<16xi32> -> vector<16xf32>
    %mul3A_80 = arith.constant 2.500000e-01 : f32
    %mul3A_81 = vector.broadcast %mul3A_80 : f32 to vector<16xf32>
    %mul3A_82 = arith.mulf %gather3A_79, %mul3A_81 : vector<16xf32>
    %sub3A_83 = arith.constant 5.000000e-01 : f32
    %sub3A_84 = vector.broadcast %sub3A_83 : f32 to vector<16xf32>
    %sub3A_85 = arith.subf %mul3A_82, %sub3A_84 : vector<16xf32>
    %broadcast_in_dim3A_86 = arith.constant 2 : i32
    %broadcast_in_dim3A_87 = vector.broadcast %broadcast_in_dim3A_86 : i32 to vector<16xi32>
    %broadcast_in_dim3A_88 = vector.shape_cast %broadcast_in_dim3A_87 : vector<16xi32> to vector<16x1xi32>
    %gather3A_89 = vector.shape_cast %broadcast_in_dim3A_88 : vector<16x1xi32> to vector<16xi32>
    %gather3A_90 = tpu.dynamic_gather %get3A_67[%gather3A_89] in [0] : vector<16xf32>, vector<16xi32> -> vector<16xf32>
    %mul3A_91 = arith.constant 2.500000e-01 : f32
    %mul3A_92 = vector.broadcast %mul3A_91 : f32 to vector<16xf32>
    %mul3A_93 = arith.mulf %gather3A_90, %mul3A_92 : vector<16xf32>
    %sub3A_94 = arith.constant 5.000000e-01 : f32
    %sub3A_95 = vector.broadcast %sub3A_94 : f32 to vector<16xf32>
    %sub3A_96 = arith.subf %mul3A_93, %sub3A_95 : vector<16xf32>
    %broadcast_in_dim3A_97 = arith.constant 3 : i32
    %broadcast_in_dim3A_98 = vector.broadcast %broadcast_in_dim3A_97 : i32 to vector<16xi32>
    %broadcast_in_dim3A_99 = vector.shape_cast %broadcast_in_dim3A_98 : vector<16xi32> to vector<16x1xi32>
    %gather3A_100 = vector.shape_cast %broadcast_in_dim3A_99 : vector<16x1xi32> to vector<16xi32>
    %gather3A_101 = tpu.dynamic_gather %get3A_67[%gather3A_100] in [0] : vector<16xf32>, vector<16xi32> -> vector<16xf32>
    %mul3A_102 = arith.constant 2.500000e-01 : f32
    %mul3A_103 = vector.broadcast %mul3A_102 : f32 to vector<16xf32>
    %mul3A_104 = arith.mulf %gather3A_101, %mul3A_103 : vector<16xf32>
    %sub3A_105 = arith.constant 5.000000e-01 : f32
    %sub3A_106 = vector.broadcast %sub3A_105 : f32 to vector<16xf32>
    %sub3A_107 = arith.subf %mul3A_104, %sub3A_106 : vector<16xf32>
    %broadcast_in_dim3A_108 = arith.constant 4 : i32
    %broadcast_in_dim3A_109 = vector.broadcast %broadcast_in_dim3A_108 : i32 to vector<16xi32>
    %broadcast_in_dim3A_110 = vector.shape_cast %broadcast_in_dim3A_109 : vector<16xi32> to vector<16x1xi32>
    %gather3A_111 = vector.shape_cast %broadcast_in_dim3A_110 : vector<16x1xi32> to vector<16xi32>
    %gather3A_112 = tpu.dynamic_gather %get3A_67[%gather3A_111] in [0] : vector<16xf32>, vector<16xi32> -> vector<16xf32>
    %mul3A_113 = arith.constant 2.500000e-01 : f32
    %mul3A_114 = vector.broadcast %mul3A_113 : f32 to vector<16xf32>
    %mul3A_115 = arith.mulf %gather3A_112, %mul3A_114 : vector<16xf32>
    %sub3A_116 = arith.constant 5.000000e-01 : f32
    %sub3A_117 = vector.broadcast %sub3A_116 : f32 to vector<16xf32>
    %sub3A_118 = arith.subf %mul3A_115, %sub3A_117 : vector<16xf32>
    %sub3A_119 = arith.subf %sub3A_118, %sub3A_96 : vector<16xf32>
    %mul3A_120 = arith.constant 0.142857149 : f32
    %mul3A_121 = vector.broadcast %mul3A_120 : f32 to vector<16xf32>
    %mul3A_122 = arith.mulf %sub3A_119, %mul3A_121 : vector<16xf32>
    %sub3A_123 = arith.subf %sub3A_107, %sub3A_85 : vector<16xf32>
    %mul3A_124 = arith.constant 0.142857149 : f32
    %mul3A_125 = vector.broadcast %mul3A_124 : f32 to vector<16xf32>
    %mul3A_126 = arith.mulf %sub3A_123, %mul3A_125 : vector<16xf32>
    %mul3A_127 = arith.mulf %add3A_40, %mul3A_122 : vector<16xf32>
    %add3A_128 = arith.addf %sub3A_96, %mul3A_127 : vector<16xf32>
    %ge3A = arith.constant -1.000000e+00 : f32
    %ge3A_129 = vector.broadcast %ge3A : f32 to vector<16xf32>
    %ge3A_130 = arith.cmpf oge, %add3A_128, %ge3A_129 : vector<16xf32>
    %le3A = arith.constant 2.000000e+02 : f32
    %le3A_131 = vector.broadcast %le3A : f32 to vector<16xf32>
    %le3A_132 = arith.cmpf ole, %add3A_128, %le3A_131 : vector<16xf32>
    %and3A_133 = arith.andi %ge3A_130, %le3A_132 : vector<16xi1>
    %jit3A_134 = arith.constant 5.000000e-01 : f32
    %jit3A_135 = arith.constant 0.000000e+00 : f32
    %broadcast_in_dim3A_136 = vector.broadcast %jit3A_134 : f32 to vector<16xf32>
    %broadcast_in_dim3A_137 = vector.broadcast %jit3A_135 : f32 to vector<16xf32>
    %select_n3A_138 = arith.select %and3A_133, %broadcast_in_dim3A_136, %broadcast_in_dim3A_137 : vector<16xi1>, vector<16xf32>
    %jit3A_139 = arith.constant 0.000000e+00 : f32
    %jit3A_140 = arith.constant 1.990000e+02 : f32
    %max3A = vector.broadcast %jit3A_139 : f32 to vector<16xf32>
    %max3A_141 = arith.maximumf %max3A, %add3A_128 : vector<16xf32>
    %min3A = vector.broadcast %jit3A_140 : f32 to vector<16xf32>
    %min3A_142 = arith.minimumf %min3A, %max3A_141 : vector<16xf32>
    %convert_element_type3A_143 = arith.fptosi %min3A_142 : vector<16xf32> to vector<16xi32>
    %convert_element_type3A_144 = arith.sitofp %convert_element_type3A_143 : vector<16xi32> to vector<16xf32>
    %sub3A_145 = arith.subf %min3A_142, %convert_element_type3A_144 : vector<16xf32>
    %mul3A_146 = arith.constant 200 : i32
    %mul3A_147 = vector.broadcast %mul3A_146 : i32 to vector<16xi32>
    %mul3A_148 = arith.muli %convert_element_type3A_143, %mul3A_147 : vector<16xi32>
    %add3A_149 = arith.addi %mul3A_74, %mul3A_148 : vector<16xi32>
    %add3A_150 = arith.constant 1 : i32
    %add3A_151 = vector.broadcast %add3A_150 : i32 to vector<16xi32>
    %add3A_152 = arith.addi %convert_element_type3A_143, %add3A_151 : vector<16xi32>
    %min3A_153 = arith.constant 199 : i32
    %min3A_154 = vector.broadcast %min3A_153 : i32 to vector<16xi32>
    %min3A_155 = arith.minsi %add3A_152, %min3A_154 : vector<16xi32>
    %mul3A_156 = arith.constant 200 : i32
    %mul3A_157 = vector.broadcast %mul3A_156 : i32 to vector<16xi32>
    %mul3A_158 = arith.muli %min3A_155, %mul3A_157 : vector<16xi32>
    %add3A_159 = arith.addi %mul3A_74, %mul3A_158 : vector<16xi32>
    %sub3A_160 = arith.constant 1.000000e+00 : f32
    %sub3A_161 = vector.broadcast %sub3A_160 : f32 to vector<16xf32>
    %sub3A_162 = arith.subf %sub3A_161, %sub3A_145 : vector<16xf32>
    %mul3A_163 = arith.mulf %sub3A_162, %select_n3A_138 : vector<16xf32>
    %mul3A_164 = arith.mulf %sub3A_145, %select_n3A_138 : vector<16xf32>
    %mul3A_165 = arith.mulf %add3A_40, %mul3A_126 : vector<16xf32>
    %add3A_166 = arith.addf %sub3A_85, %mul3A_165 : vector<16xf32>
    %ge3A_167 = arith.constant -1.000000e+00 : f32
    %ge3A_168 = vector.broadcast %ge3A_167 : f32 to vector<16xf32>
    %ge3A_169 = arith.cmpf oge, %add3A_166, %ge3A_168 : vector<16xf32>
    %le3A_170 = arith.constant 2.000000e+02 : f32
    %le3A_171 = vector.broadcast %le3A_170 : f32 to vector<16xf32>
    %le3A_172 = arith.cmpf ole, %add3A_166, %le3A_171 : vector<16xf32>
    %and3A_173 = arith.andi %ge3A_169, %le3A_172 : vector<16xi1>
    %jit3A_174 = arith.constant 5.000000e-01 : f32
    %jit3A_175 = arith.constant 0.000000e+00 : f32
    %broadcast_in_dim3A_176 = vector.broadcast %jit3A_174 : f32 to vector<16xf32>
    %broadcast_in_dim3A_177 = vector.broadcast %jit3A_175 : f32 to vector<16xf32>
    %select_n3A_178 = arith.select %and3A_173, %broadcast_in_dim3A_176, %broadcast_in_dim3A_177 : vector<16xi1>, vector<16xf32>
    %jit3A_179 = arith.constant 0.000000e+00 : f32
    %jit3A_180 = arith.constant 1.990000e+02 : f32
    %max3A_181 = vector.broadcast %jit3A_179 : f32 to vector<16xf32>
    %max3A_182 = arith.maximumf %max3A_181, %add3A_166 : vector<16xf32>
    %min3A_183 = vector.broadcast %jit3A_180 : f32 to vector<16xf32>
    %min3A_184 = arith.minimumf %min3A_183, %max3A_182 : vector<16xf32>
    %convert_element_type3A_185 = arith.fptosi %min3A_184 : vector<16xf32> to vector<16xi32>
    %convert_element_type3A_186 = arith.sitofp %convert_element_type3A_185 : vector<16xi32> to vector<16xf32>
    %sub3A_187 = arith.subf %min3A_184, %convert_element_type3A_186 : vector<16xf32>
    %add3A_188 = arith.constant 1 : i32
    %add3A_189 = vector.broadcast %add3A_188 : i32 to vector<16xi32>
    %add3A_190 = arith.addi %convert_element_type3A_185, %add3A_189 : vector<16xi32>
    %min3A_191 = arith.constant 199 : i32
    %min3A_192 = vector.broadcast %min3A_191 : i32 to vector<16xi32>
    %min3A_193 = arith.minsi %add3A_190, %min3A_192 : vector<16xi32>
    %sub3A_194 = arith.constant 1.000000e+00 : f32
    %sub3A_195 = vector.broadcast %sub3A_194 : f32 to vector<16xf32>
    %sub3A_196 = arith.subf %sub3A_195, %sub3A_187 : vector<16xf32>
    %mul3A_197 = arith.mulf %sub3A_196, %select_n3A_178 : vector<16xf32>
    %mul3A_198 = arith.mulf %sub3A_187, %select_n3A_178 : vector<16xf32>
    %mul3A_199 = arith.constant 2 : i32
    %mul3A_200 = arith.muli %mul3A_199, %sub3A_65 : i32
    %add3A_201 = vector.broadcast %mul3A_200 : i32 to vector<16xi32>
    %add3A_202 = arith.addi %add3A_201, %and3A_6 : vector<16xi32>
    %broadcast_in_dim3A_203 = vector.shape_cast %add3A_202 : vector<16xi32> to vector<16x1xi32>
    %gather3A_204 = vector.shape_cast %broadcast_in_dim3A_203 : vector<16x1xi32> to vector<16xi32>
    %gather3A_205 = tpu.dynamic_gather %add3A_159[%gather3A_204] in [0] : vector<16xi32>, vector<16xi32> -> vector<16xi32>
    %broadcast_in_dim3A_206 = vector.shape_cast %add3A_202 : vector<16xi32> to vector<16x1xi32>
    %gather3A_207 = vector.shape_cast %broadcast_in_dim3A_206 : vector<16x1xi32> to vector<16xi32>
    %gather3A_208 = tpu.dynamic_gather %add3A_149[%gather3A_207] in [0] : vector<16xi32>, vector<16xi32> -> vector<16xi32>
    %select_n3A_209 = arith.select %eq3A_20, %gather3A_205, %gather3A_208 : vector<16xi1>, vector<16xi32>
    %broadcast_in_dim3A_210 = vector.shape_cast %add3A_202 : vector<16xi32> to vector<16x1xi32>
    %gather3A_211 = vector.shape_cast %broadcast_in_dim3A_210 : vector<16x1xi32> to vector<16xi32>
    %gather3A_212 = tpu.dynamic_gather %mul3A_164[%gather3A_211] in [0] : vector<16xf32>, vector<16xi32> -> vector<16xf32>
    %broadcast_in_dim3A_213 = vector.shape_cast %add3A_202 : vector<16xi32> to vector<16x1xi32>
    %gather3A_214 = vector.shape_cast %broadcast_in_dim3A_213 : vector<16x1xi32> to vector<16xi32>
    %gather3A_215 = tpu.dynamic_gather %mul3A_163[%gather3A_214] in [0] : vector<16xf32>, vector<16xi32> -> vector<16xf32>
    %select_n3A_216 = arith.select %eq3A_20, %gather3A_212, %gather3A_215 : vector<16xi1>, vector<16xf32>
    %add3A_217 = arith.constant 0 : i32
    %add3A_218 = vector.broadcast %add3A_217 : i32 to vector<16xi32>
    %add3A_219 = arith.addi %add3A_218, %and3A_12 : vector<16xi32>
    %broadcast_in_dim3A_220 = vector.shape_cast %add3A_219 : vector<16xi32> to vector<16x1xi32>
    %gather3A_221 = vector.shape_cast %broadcast_in_dim3A_220 : vector<16x1xi32> to vector<16xi32>
    %gather3A_222 = tpu.dynamic_gather %min3A_193[%gather3A_221] in [0] : vector<16xi32>, vector<16xi32> -> vector<16xi32>
    %broadcast_in_dim3A_223 = vector.shape_cast %add3A_219 : vector<16xi32> to vector<16x1xi32>
    %gather3A_224 = vector.shape_cast %broadcast_in_dim3A_223 : vector<16x1xi32> to vector<16xi32>
    %gather3A_225 = tpu.dynamic_gather %convert_element_type3A_185[%gather3A_224] in [0] : vector<16xi32>, vector<16xi32> -> vector<16xi32>
    %select_n3A_226 = arith.select %eq3A_26, %gather3A_222, %gather3A_225 : vector<16xi1>, vector<16xi32>
    %broadcast_in_dim3A_227 = vector.shape_cast %add3A_219 : vector<16xi32> to vector<16x1xi32>
    %gather3A_228 = vector.shape_cast %broadcast_in_dim3A_227 : vector<16x1xi32> to vector<16xi32>
    %gather3A_229 = tpu.dynamic_gather %mul3A_198[%gather3A_228] in [0] : vector<16xf32>, vector<16xi32> -> vector<16xf32>
    %broadcast_in_dim3A_230 = vector.shape_cast %add3A_219 : vector<16xi32> to vector<16x1xi32>
    %gather3A_231 = vector.shape_cast %broadcast_in_dim3A_230 : vector<16x1xi32> to vector<16xi32>
    %gather3A_232 = tpu.dynamic_gather %mul3A_197[%gather3A_231] in [0] : vector<16xf32>, vector<16xi32> -> vector<16xf32>
    %select_n3A_233 = arith.select %eq3A_26, %gather3A_229, %gather3A_232 : vector<16xi1>, vector<16xf32>
    %add3A_234 = arith.addi %select_n3A_209, %select_n3A_226 : vector<16xi32>
    %swap3A = arith.constant 0 : index
    %swap3A_235 = tpu.vector_load %arg6[%swap3A] {strides = array<i32>} : memref<64xi32, #tpu.memory_space<vmem>>, vector<16xi32>,
    tpu.vector_store %arg6[%swap3A], %add3A_234 {strides = array<i32>} : memref<64xi32, #tpu.memory_space<vmem>>, vector<16xi32>,
    %mul3A_236 = arith.mulf %select_n3A_216, %select_n3A_233 : vector<16xf32>
    %swap3A_237 = arith.constant 0 : index
    %swap3A_238 = tpu.vector_load %arg15[%swap3A_237] {strides = array<i32>} : memref<112xf32, #tpu.memory_space<vmem>>, vector<16xf32>,
    tpu.vector_store %arg15[%swap3A_237], %mul3A_236 {strides = array<i32>} : memref<112xf32, #tpu.memory_space<vmem>>, vector<16xf32>,
    %add3A_239 = arith.constant 2 : i32
    %add3A_240 = vector.broadcast %add3A_239 : i32 to vector<16xi32>
    %add3A_241 = arith.addi %add3A_240, %and3A_12 : vector<16xi32>
    %broadcast_in_dim3A_242 = vector.shape_cast %add3A_241 : vector<16xi32> to vector<16x1xi32>
    %gather3A_243 = vector.shape_cast %broadcast_in_dim3A_242 : vector<16x1xi32> to vector<16xi32>
    %gather3A_244 = tpu.dynamic_gather %min3A_193[%gather3A_243] in [0] : vector<16xi32>, vector<16xi32> -> vector<16xi32>
    %broadcast_in_dim3A_245 = vector.shape_cast %add3A_241 : vector<16xi32> to vector<16x1xi32>
    %gather3A_246 = vector.shape_cast %broadcast_in_dim3A_245 : vector<16x1xi32> to vector<16xi32>
    %gather3A_247 = tpu.dynamic_gather %convert_element_type3A_185[%gather3A_246] in [0] : vector<16xi32>, vector<16xi32> -> vector<16xi32>
    %select_n3A_248 = arith.select %eq3A_26, %gather3A_244, %gather3A_247 : vector<16xi1>, vector<16xi32>
    %broadcast_in_dim3A_249 = vector.shape_cast %add3A_241 : vector<16xi32> to vector<16x1xi32>
    %gather3A_250 = vector.shape_cast %broadcast_in_dim3A_249 : vector<16x1xi32> to vector<16xi32>
    %gather3A_251 = tpu.dynamic_gather %mul3A_198[%gather3A_250] in [0] : vector<16xf32>, vector<16xi32> -> vector<16xf32>
    %broadcast_in_dim3A_252 = vector.shape_cast %add3A_241 : vector<16xi32> to vector<16x1xi32>
    %gather3A_253 = vector.shape_cast %broadcast_in_dim3A_252 : vector<16x1xi32> to vector<16xi32>
    %gather3A_254 = tpu.dynamic_gather %mul3A_197[%gather3A_253] in [0] : vector<16xf32>, vector<16xi32> -> vector<16xf32>
    %select_n3A_255 = arith.select %eq3A_26, %gather3A_251, %gather3A_254 : vector<16xi1>, vector<16xf32>
    %add3A_256 = arith.addi %select_n3A_209, %select_n3A_248 : vector<16xi32>
    %swap3A_257 = arith.constant 16 : index
    %swap3A_258 = tpu.vector_load %arg6[%swap3A_257] {strides = array<i32>} : memref<64xi32, #tpu.memory_space<vmem>>, vector<16xi32>,
    tpu.vector_store %arg6[%swap3A_257], %add3A_256 {strides = array<i32>} : memref<64xi32, #tpu.memory_space<vmem>>, vector<16xi32>,
    %mul3A_259 = arith.mulf %select_n3A_216, %select_n3A_255 : vector<16xf32>
    %swap3A_260 = arith.constant 16 : index
    %swap3A_261 = tpu.vector_load %arg15[%swap3A_260] {strides = array<i32>} : memref<112xf32, #tpu.memory_space<vmem>>, vector<16xf32>,
    tpu.vector_store %arg15[%swap3A_260], %mul3A_259 {strides = array<i32>} : memref<112xf32, #tpu.memory_space<vmem>>, vector<16xf32>,
    %add3A_262 = arith.constant 4 : i32
    %add3A_263 = vector.broadcast %add3A_262 : i32 to vector<16xi32>
    %add3A_264 = arith.addi %add3A_263, %and3A_12 : vector<16xi32>
    %broadcast_in_dim3A_265 = vector.shape_cast %add3A_264 : vector<16xi32> to vector<16x1xi32>
    %gather3A_266 = vector.shape_cast %broadcast_in_dim3A_265 : vector<16x1xi32> to vector<16xi32>
    %gather3A_267 = tpu.dynamic_gather %min3A_193[%gather3A_266] in [0] : vector<16xi32>, vector<16xi32> -> vector<16xi32>
    %broadcast_in_dim3A_268 = vector.shape_cast %add3A_264 : vector<16xi32> to vector<16x1xi32>
    %gather3A_269 = vector.shape_cast %broadcast_in_dim3A_268 : vector<16x1xi32> to vector<16xi32>
    %gather3A_270 = tpu.dynamic_gather %convert_element_type3A_185[%gather3A_269] in [0] : vector<16xi32>, vector<16xi32> -> vector<16xi32>
    %select_n3A_271 = arith.select %eq3A_26, %gather3A_267, %gather3A_270 : vector<16xi1>, vector<16xi32>
    %broadcast_in_dim3A_272 = vector.shape_cast %add3A_264 : vector<16xi32> to vector<16x1xi32>
    %gather3A_273 = vector.shape_cast %broadcast_in_dim3A_272 : vector<16x1xi32> to vector<16xi32>
    %gather3A_274 = tpu.dynamic_gather %mul3A_198[%gather3A_273] in [0] : vector<16xf32>, vector<16xi32> -> vector<16xf32>
    %broadcast_in_dim3A_275 = vector.shape_cast %add3A_264 : vector<16xi32> to vector<16x1xi32>
    %gather3A_276 = vector.shape_cast %broadcast_in_dim3A_275 : vector<16x1xi32> to vector<16xi32>
    %gather3A_277 = tpu.dynamic_gather %mul3A_197[%gather3A_276] in [0] : vector<16xf32>, vector<16xi32> -> vector<16xf32>
    %select_n3A_278 = arith.select %eq3A_26, %gather3A_274, %gather3A_277 : vector<16xi1>, vector<16xf32>
    %add3A_279 = arith.addi %select_n3A_209, %select_n3A_271 : vector<16xi32>
    %swap3A_280 = arith.constant 32 : index
    %swap3A_281 = tpu.vector_load %arg6[%swap3A_280] {strides = array<i32>} : memref<64xi32, #tpu.memory_space<vmem>>, vector<16xi32>,
    tpu.vector_store %arg6[%swap3A_280], %add3A_279 {strides = array<i32>} : memref<64xi32, #tpu.memory_space<vmem>>, vector<16xi32>,
    %mul3A_282 = arith.mulf %select_n3A_216, %select_n3A_278 : vector<16xf32>
    %swap3A_283 = arith.constant 32 : index
    %swap3A_284 = tpu.vector_load %arg15[%swap3A_283] {strides = array<i32>} : memref<112xf32, #tpu.memory_space<vmem>>, vector<16xf32>,
    tpu.vector_store %arg15[%swap3A_283], %mul3A_282 {strides = array<i32>} : memref<112xf32, #tpu.memory_space<vmem>>, vector<16xf32>,
    %add3A_285 = arith.constant 6 : i32
    %add3A_286 = vector.broadcast %add3A_285 : i32 to vector<16xi32>
    %add3A_287 = arith.addi %add3A_286, %and3A_12 : vector<16xi32>
    %broadcast_in_dim3A_288 = vector.shape_cast %add3A_287 : vector<16xi32> to vector<16x1xi32>
    %gather3A_289 = vector.shape_cast %broadcast_in_dim3A_288 : vector<16x1xi32> to vector<16xi32>
    %gather3A_290 = tpu.dynamic_gather %min3A_193[%gather3A_289] in [0] : vector<16xi32>, vector<16xi32> -> vector<16xi32>
    %broadcast_in_dim3A_291 = vector.shape_cast %add3A_287 : vector<16xi32> to vector<16x1xi32>
    %gather3A_292 = vector.shape_cast %broadcast_in_dim3A_291 : vector<16x1xi32> to vector<16xi32>
    %gather3A_293 = tpu.dynamic_gather %convert_element_type3A_185[%gather3A_292] in [0] : vector<16xi32>, vector<16xi32> -> vector<16xi32>
    %select_n3A_294 = arith.select %eq3A_26, %gather3A_290, %gather3A_293 : vector<16xi1>, vector<16xi32>
    %broadcast_in_dim3A_295 = vector.shape_cast %add3A_287 : vector<16xi32> to vector<16x1xi32>
    %gather3A_296 = vector.shape_cast %broadcast_in_dim3A_295 : vector<16x1xi32> to vector<16xi32>
    %gather3A_297 = tpu.dynamic_gather %mul3A_198[%gather3A_296] in [0] : vector<16xf32>, vector<16xi32> -> vector<16xf32>
    %broadcast_in_dim3A_298 = vector.shape_cast %add3A_287 : vector<16xi32> to vector<16x1xi32>
    %gather3A_299 = vector.shape_cast %broadcast_in_dim3A_298 : vector<16x1xi32> to vector<16xi32>
    %gather3A_300 = tpu.dynamic_gather %mul3A_197[%gather3A_299] in [0] : vector<16xf32>, vector<16xi32> -> vector<16xf32>
    %select_n3A_301 = arith.select %eq3A_26, %gather3A_297, %gather3A_300 : vector<16xi1>, vector<16xf32>
    %add3A_302 = arith.addi %select_n3A_209, %select_n3A_294 : vector<16xi32>
    %swap3A_303 = arith.constant 48 : index
    %swap3A_304 = tpu.vector_load %arg6[%swap3A_303] {strides = array<i32>} : memref<64xi32, #tpu.memory_space<vmem>>, vector<16xi32>,
    tpu.vector_store %arg6[%swap3A_303], %add3A_302 {strides = array<i32>} : memref<64xi32, #tpu.memory_space<vmem>>, vector<16xi32>,
    %mul3A_305 = arith.mulf %select_n3A_216, %select_n3A_301 : vector<16xf32>
    %swap3A_306 = arith.constant 48 : index
    %swap3A_307 = tpu.vector_load %arg15[%swap3A_306] {strides = array<i32>} : memref<112xf32, #tpu.memory_space<vmem>>, vector<16xf32>,
    tpu.vector_store %arg15[%swap3A_306], %mul3A_305 {strides = array<i32>} : memref<112xf32, #tpu.memory_space<vmem>>, vector<16xf32>,
    %add3A_308 = arith.constant 8 : i32
    %add3A_309 = vector.broadcast %add3A_308 : i32 to vector<16xi32>
    %add3A_310 = arith.addi %add3A_309, %and3A_12 : vector<16xi32>
    %broadcast_in_dim3A_311 = vector.shape_cast %add3A_310 : vector<16xi32> to vector<16x1xi32>
    %gather3A_312 = vector.shape_cast %broadcast_in_dim3A_311 : vector<16x1xi32> to vector<16xi32>
    %gather3A_313 = tpu.dynamic_gather %min3A_193[%gather3A_312] in [0] : vector<16xi32>, vector<16xi32> -> vector<16xi32>
    %broadcast_in_dim3A_314 = vector.shape_cast %add3A_310 : vector<16xi32> to vector<16x1xi32>
    %gather3A_315 = vector.shape_cast %broadcast_in_dim3A_314 : vector<16x1xi32> to vector<16xi32>
    %gather3A_316 = tpu.dynamic_gather %convert_element_type3A_185[%gather3A_315] in [0] : vector<16xi32>, vector<16xi32> -> vector<16xi32>
    %select_n3A_317 = arith.select %eq3A_26, %gather3A_313, %gather3A_316 : vector<16xi1>, vector<16xi32>
    %broadcast_in_dim3A_318 = vector.shape_cast %add3A_310 : vector<16xi32> to vector<16x1xi32>
    %gather3A_319 = vector.shape_cast %broadcast_in_dim3A_318 : vector<16x1xi32> to vector<16xi32>
    %gather3A_320 = tpu.dynamic_gather %mul3A_198[%gather3A_319] in [0] : vector<16xf32>, vector<16xi32> -> vector<16xf32>
    %broadcast_in_dim3A_321 = vector.shape_cast %add3A_310 : vector<16xi32> to vector<16x1xi32>
    %gather3A_322 = vector.shape_cast %broadcast_in_dim3A_321 : vector<16x1xi32> to vector<16xi32>
    %gather3A_323 = tpu.dynamic_gather %mul3A_197[%gather3A_322] in [0] : vector<16xf32>, vector<16xi32> -> vector<16xf32>
    %select_n3A_324 = arith.select %eq3A_26, %gather3A_320, %gather3A_323 : vector<16xi1>, vector<16xf32>
    %add3A_325 = arith.addi %select_n3A_209, %select_n3A_317 : vector<16xi32>
    %swap3A_326 = arith.constant 0 : index
    %swap3A_327 = tpu.vector_load %arg7[%swap3A_326] {strides = array<i32>} : memref<48xi32, #tpu.memory_space<vmem>>, vector<16xi32>,
    tpu.vector_store %arg7[%swap3A_326], %add3A_325 {strides = array<i32>} : memref<48xi32, #tpu.memory_space<vmem>>, vector<16xi32>,
    %mul3A_328 = arith.mulf %select_n3A_216, %select_n3A_324 : vector<16xf32>
    %swap3A_329 = arith.constant 64 : index
    %swap3A_330 = tpu.vector_load %arg15[%swap3A_329] {strides = array<i32>} : memref<112xf32, #tpu.memory_space<vmem>>, vector<16xf32>,
    tpu.vector_store %arg15[%swap3A_329], %mul3A_328 {strides = array<i32>} : memref<112xf32, #tpu.memory_space<vmem>>, vector<16xf32>,
    %add3A_331 = arith.constant 10 : i32
    %add3A_332 = vector.broadcast %add3A_331 : i32 to vector<16xi32>
    %add3A_333 = arith.addi %add3A_332, %and3A_12 : vector<16xi32>
    %broadcast_in_dim3A_334 = vector.shape_cast %add3A_333 : vector<16xi32> to vector<16x1xi32>
    %gather3A_335 = vector.shape_cast %broadcast_in_dim3A_334 : vector<16x1xi32> to vector<16xi32>
    %gather3A_336 = tpu.dynamic_gather %min3A_193[%gather3A_335] in [0] : vector<16xi32>, vector<16xi32> -> vector<16xi32>
    %broadcast_in_dim3A_337 = vector.shape_cast %add3A_333 : vector<16xi32> to vector<16x1xi32>
    %gather3A_338 = vector.shape_cast %broadcast_in_dim3A_337 : vector<16x1xi32> to vector<16xi32>
    %gather3A_339 = tpu.dynamic_gather %convert_element_type3A_185[%gather3A_338] in [0] : vector<16xi32>, vector<16xi32> -> vector<16xi32>
    %select_n3A_340 = arith.select %eq3A_26, %gather3A_336, %gather3A_339 : vector<16xi1>, vector<16xi32>
    %broadcast_in_dim3A_341 = vector.shape_cast %add3A_333 : vector<16xi32> to vector<16x1xi32>
    %gather3A_342 = vector.shape_cast %broadcast_in_dim3A_341 : vector<16x1xi32> to vector<16xi32>
    %gather3A_343 = tpu.dynamic_gather %mul3A_198[%gather3A_342] in [0] : vector<16xf32>, vector<16xi32> -> vector<16xf32>
    %broadcast_in_dim3A_344 = vector.shape_cast %add3A_333 : vector<16xi32> to vector<16x1xi32>
    %gather3A_345 = vector.shape_cast %broadcast_in_dim3A_344 : vector<16x1xi32> to vector<16xi32>
    %gather3A_346 = tpu.dynamic_gather %mul3A_197[%gather3A_345] in [0] : vector<16xf32>, vector<16xi32> -> vector<16xf32>
    %select_n3A_347 = arith.select %eq3A_26, %gather3A_343, %gather3A_346 : vector<16xi1>, vector<16xf32>
    %add3A_348 = arith.addi %select_n3A_209, %select_n3A_340 : vector<16xi32>
    %swap3A_349 = arith.constant 16 : index
    %swap3A_350 = tpu.vector_load %arg7[%swap3A_349] {strides = array<i32>} : memref<48xi32, #tpu.memory_space<vmem>>, vector<16xi32>,
    tpu.vector_store %arg7[%swap3A_349], %add3A_348 {strides = array<i32>} : memref<48xi32, #tpu.memory_space<vmem>>, vector<16xi32>,
    %mul3A_351 = arith.mulf %select_n3A_216, %select_n3A_347 : vector<16xf32>
    %swap3A_352 = arith.constant 80 : index
    %swap3A_353 = tpu.vector_load %arg15[%swap3A_352] {strides = array<i32>} : memref<112xf32, #tpu.memory_space<vmem>>, vector<16xf32>,
    tpu.vector_store %arg15[%swap3A_352], %mul3A_351 {strides = array<i32>} : memref<112xf32, #tpu.memory_space<vmem>>, vector<16xf32>,
    %add3A_354 = arith.constant 12 : i32
    %add3A_355 = vector.broadcast %add3A_354 : i32 to vector<16xi32>
    %add3A_356 = arith.addi %add3A_355, %and3A_12 : vector<16xi32>
    %broadcast_in_dim3A_357 = vector.shape_cast %add3A_356 : vector<16xi32> to vector<16x1xi32>
    %gather3A_358 = vector.shape_cast %broadcast_in_dim3A_357 : vector<16x1xi32> to vector<16xi32>
    %gather3A_359 = tpu.dynamic_gather %min3A_193[%gather3A_358] in [0] : vector<16xi32>, vector<16xi32> -> vector<16xi32>
    %broadcast_in_dim3A_360 = vector.shape_cast %add3A_356 : vector<16xi32> to vector<16x1xi32>
    %gather3A_361 = vector.shape_cast %broadcast_in_dim3A_360 : vector<16x1xi32> to vector<16xi32>
    %gather3A_362 = tpu.dynamic_gather %convert_element_type3A_185[%gather3A_361] in [0] : vector<16xi32>, vector<16xi32> -> vector<16xi32>
    %select_n3A_363 = arith.select %eq3A_26, %gather3A_359, %gather3A_362 : vector<16xi1>, vector<16xi32>
    %broadcast_in_dim3A_364 = vector.shape_cast %add3A_356 : vector<16xi32> to vector<16x1xi32>
    %gather3A_365 = vector.shape_cast %broadcast_in_dim3A_364 : vector<16x1xi32> to vector<16xi32>
    %gather3A_366 = tpu.dynamic_gather %mul3A_198[%gather3A_365] in [0] : vector<16xf32>, vector<16xi32> -> vector<16xf32>
    %broadcast_in_dim3A_367 = vector.shape_cast %add3A_356 : vector<16xi32> to vector<16x1xi32>
    %gather3A_368 = vector.shape_cast %broadcast_in_dim3A_367 : vector<16x1xi32> to vector<16xi32>
    %gather3A_369 = tpu.dynamic_gather %mul3A_197[%gather3A_368] in [0] : vector<16xf32>, vector<16xi32> -> vector<16xf32>
    %select_n3A_370 = arith.select %eq3A_26, %gather3A_366, %gather3A_369 : vector<16xi1>, vector<16xf32>
    %add3A_371 = arith.addi %select_n3A_209, %select_n3A_363 : vector<16xi32>
    %swap3A_372 = arith.constant 32 : index
    %swap3A_373 = tpu.vector_load %arg7[%swap3A_372] {strides = array<i32>} : memref<48xi32, #tpu.memory_space<vmem>>, vector<16xi32>,
    tpu.vector_store %arg7[%swap3A_372], %add3A_371 {strides = array<i32>} : memref<48xi32, #tpu.memory_space<vmem>>, vector<16xi32>,
    %mul3A_374 = arith.mulf %select_n3A_216, %select_n3A_370 : vector<16xf32>
    %swap3A_375 = arith.constant 96 : index
    %swap3A_376 = tpu.vector_load %arg15[%swap3A_375] {strides = array<i32>} : memref<112xf32, #tpu.memory_space<vmem>>, vector<16xf32>,
    tpu.vector_store %arg15[%swap3A_375], %mul3A_374 {strides = array<i32>} : memref<112xf32, #tpu.memory_space<vmem>>, vector<16xf32>,
    %dma_start3A = arith.constant 0 : i32
    %dma_start3A_377 = arith.constant 0 : i32
    %dma_start3A_378 = tpu.memref_slice %arg2[%dma_start3A, %dma_start3A_377] : memref<80000x256xbf16, #tpu.memory_space<hbm>> -> memref<80000x256xbf16, #tpu.memory_space<hbm>>
    tpu.enqueue_indirect_dma source(%dma_start3A_378 : memref<80000x256xbf16, #tpu.memory_space<hbm>>) target(%arg10 : memref<64x256xbf16, #tpu.memory_space<vmem>>) offsets(%arg6 : memref<64xi32, #tpu.memory_space<vmem>>) semaphore(%arg17 : memref<!tpu.dma_semaphore, #tpu.memory_space<semaphore_mem>>)
    %dma_start3A_379 = arith.constant 0 : i32
    %dma_start3A_380 = arith.constant 0 : i32
    %dma_start3A_381 = tpu.memref_slice %arg2[%dma_start3A_379, %dma_start3A_380] : memref<80000x256xbf16, #tpu.memory_space<hbm>> -> memref<80000x256xbf16, #tpu.memory_space<hbm>>
    tpu.enqueue_indirect_dma source(%dma_start3A_381 : memref<80000x256xbf16, #tpu.memory_space<hbm>>) target(%arg11 : memref<48x256xbf16, #tpu.memory_space<vmem>>) offsets(%arg7 : memref<48xi32, #tpu.memory_space<vmem>>) semaphore(%arg18 : memref<!tpu.dma_semaphore, #tpu.memory_space<semaphore_mem>>)
    %scan3A = arith.constant 0 : i32
    %scan3A_382 = arith.constant 0 : i32
    %scan3A_383 = arith.constant 56 : i32
    %scan3A_384 = arith.addi %scan3A_382, %scan3A_383 : i32
    %scan3A_385 = arith.constant 1 : i32
    scf.for %scan3A_408 = %scan3A_382 to %scan3A_384 step %scan3A_385  : i32 {
      %mul3A_409 = arith.constant 2 : i32
      %mul3A_410 = arith.muli %mul3A_409, %scan3A_408 : i32
      %add3A_411 = arith.constant 1 : i32
      %add3A_412 = arith.addi %mul3A_410, %add3A_411 : i32
      %jit3A_413 = arith.constant 7 : i32
      %div3A_414 = arith.divsi %add3A_412, %jit3A_413 : i32
      %sign3A_415 = arith.constant 0 : i32
      %sign3A_416 = arith.cmpi sgt, %add3A_412, %sign3A_415 : i32
      %sign3A_417 = arith.extui %sign3A_416 : i1 to i32
      %sign3A_418 = arith.constant 0 : i32
      %sign3A_419 = arith.cmpi slt, %add3A_412, %sign3A_418 : i32
      %sign3A_420 = arith.extui %sign3A_419 : i1 to i32
      %sign3A_421 = arith.subi %sign3A_417, %sign3A_420 : i32
      %sign3A_422 = arith.constant 0 : i32
      %sign3A_423 = arith.cmpi sgt, %jit3A_413, %sign3A_422 : i32
      %sign3A_424 = arith.extui %sign3A_423 : i1 to i32
      %sign3A_425 = arith.constant 0 : i32
      %sign3A_426 = arith.cmpi slt, %jit3A_413, %sign3A_425 : i32
      %sign3A_427 = arith.extui %sign3A_426 : i1 to i32
      %sign3A_428 = arith.subi %sign3A_424, %sign3A_427 : i32
      %ne3A_429 = arith.cmpi ne, %sign3A_421, %sign3A_428 : i32
      %rem3A_430 = arith.remsi %add3A_412, %jit3A_413 : i32
      %ne3A_431 = arith.constant 0 : i32
      %ne3A_432 = arith.cmpi ne, %rem3A_430, %ne3A_431 : i32
      %and3A_433 = arith.andi %ne3A_429, %ne3A_432 : i1
      %sub3A_434 = arith.constant 1 : i32
      %sub3A_435 = arith.subi %div3A_414, %sub3A_434 : i32
      %select_n3A_436 = arith.select %and3A_433, %sub3A_435, %div3A_414 : i32
      %mul3A_437 = arith.constant 7 : i32
      %mul3A_438 = arith.muli %select_n3A_436, %mul3A_437 : i32
      %sub3A_439 = arith.subi %add3A_412, %mul3A_438 : i32
      %get3A_440 = arith.index_cast %select_n3A_436 : i32 to index
      %get3A_441 = arith.constant 0 : index
      %get3A_442 = tpu.vector_load %arg5[%get3A_440, %get3A_441] {strides = array<i32>} : memref<16x16xf32, #tpu.memory_space<vmem>>, vector<16xf32>,
      %broadcast_in_dim3A_443 = arith.constant 0 : i32
      %broadcast_in_dim3A_444 = vector.broadcast %broadcast_in_dim3A_443 : i32 to vector<16xi32>
      %broadcast_in_dim3A_445 = vector.shape_cast %broadcast_in_dim3A_444 : vector<16xi32> to vector<16x1xi32>
      %gather3A_446 = vector.shape_cast %broadcast_in_dim3A_445 : vector<16x1xi32> to vector<16xi32>
      %gather3A_447 = tpu.dynamic_gather %get3A_442[%gather3A_446] in [0] : vector<16xf32>, vector<16xi32> -> vector<16xf32>
      %convert_element_type3A_448 = arith.fptosi %gather3A_447 : vector<16xf32> to vector<16xi32>
      %mul3A_449 = arith.constant 40000 : i32
      %mul3A_450 = vector.broadcast %mul3A_449 : i32 to vector<16xi32>
      %mul3A_451 = arith.muli %convert_element_type3A_448, %mul3A_450 : vector<16xi32>
      %broadcast_in_dim3A_452 = arith.constant 1 : i32
      %broadcast_in_dim3A_453 = vector.broadcast %broadcast_in_dim3A_452 : i32 to vector<16xi32>
      %broadcast_in_dim3A_454 = vector.shape_cast %broadcast_in_dim3A_453 : vector<16xi32> to vector<16x1xi32>
      %gather3A_455 = vector.shape_cast %broadcast_in_dim3A_454 : vector<16x1xi32> to vector<16xi32>
      %gather3A_456 = tpu.dynamic_gather %get3A_442[%gather3A_455] in [0] : vector<16xf32>, vector<16xi32> -> vector<16xf32>
      %mul3A_457 = arith.constant 2.500000e-01 : f32
      %mul3A_458 = vector.broadcast %mul3A_457 : f32 to vector<16xf32>
      %mul3A_459 = arith.mulf %gather3A_456, %mul3A_458 : vector<16xf32>
      %sub3A_460 = arith.constant 5.000000e-01 : f32
      %sub3A_461 = vector.broadcast %sub3A_460 : f32 to vector<16xf32>
      %sub3A_462 = arith.subf %mul3A_459, %sub3A_461 : vector<16xf32>
      %broadcast_in_dim3A_463 = arith.constant 2 : i32
      %broadcast_in_dim3A_464 = vector.broadcast %broadcast_in_dim3A_463 : i32 to vector<16xi32>
      %broadcast_in_dim3A_465 = vector.shape_cast %broadcast_in_dim3A_464 : vector<16xi32> to vector<16x1xi32>
      %gather3A_466 = vector.shape_cast %broadcast_in_dim3A_465 : vector<16x1xi32> to vector<16xi32>
      %gather3A_467 = tpu.dynamic_gather %get3A_442[%gather3A_466] in [0] : vector<16xf32>, vector<16xi32> -> vector<16xf32>
      %mul3A_468 = arith.constant 2.500000e-01 : f32
      %mul3A_469 = vector.broadcast %mul3A_468 : f32 to vector<16xf32>
      %mul3A_470 = arith.mulf %gather3A_467, %mul3A_469 : vector<16xf32>
      %sub3A_471 = arith.constant 5.000000e-01 : f32
      %sub3A_472 = vector.broadcast %sub3A_471 : f32 to vector<16xf32>
      %sub3A_473 = arith.subf %mul3A_470, %sub3A_472 : vector<16xf32>
      %broadcast_in_dim3A_474 = arith.constant 3 : i32
      %broadcast_in_dim3A_475 = vector.broadcast %broadcast_in_dim3A_474 : i32 to vector<16xi32>
      %broadcast_in_dim3A_476 = vector.shape_cast %broadcast_in_dim3A_475 : vector<16xi32> to vector<16x1xi32>
      %gather3A_477 = vector.shape_cast %broadcast_in_dim3A_476 : vector<16x1xi32> to vector<16xi32>
      %gather3A_478 = tpu.dynamic_gather %get3A_442[%gather3A_477] in [0] : vector<16xf32>, vector<16xi32> -> vector<16xf32>
      %mul3A_479 = arith.constant 2.500000e-01 : f32
      %mul3A_480 = vector.broadcast %mul3A_479 : f32 to vector<16xf32>
      %mul3A_481 = arith.mulf %gather3A_478, %mul3A_480 : vector<16xf32>
      %sub3A_482 = arith.constant 5.000000e-01 : f32
      %sub3A_483 = vector.broadcast %sub3A_482 : f32 to vector<16xf32>
      %sub3A_484 = arith.subf %mul3A_481, %sub3A_483 : vector<16xf32>
      %broadcast_in_dim3A_485 = arith.constant 4 : i32
      %broadcast_in_dim3A_486 = vector.broadcast %broadcast_in_dim3A_485 : i32 to vector<16xi32>
      %broadcast_in_dim3A_487 = vector.shape_cast %broadcast_in_dim3A_486 : vector<16xi32> to vector<16x1xi32>
      %gather3A_488 = vector.shape_cast %broadcast_in_dim3A_487 : vector<16x1xi32> to vector<16xi32>
      %gather3A_489 = tpu.dynamic_gather %get3A_442[%gather3A_488] in [0] : vector<16xf32>, vector<16xi32> -> vector<16xf32>
      %mul3A_490 = arith.constant 2.500000e-01 : f32
      %mul3A_491 = vector.broadcast %mul3A_490 : f32 to vector<16xf32>
      %mul3A_492 = arith.mulf %gather3A_489, %mul3A_491 : vector<16xf32>
      %sub3A_493 = arith.constant 5.000000e-01 : f32
      %sub3A_494 = vector.broadcast %sub3A_493 : f32 to vector<16xf32>
      %sub3A_495 = arith.subf %mul3A_492, %sub3A_494 : vector<16xf32>
      %sub3A_496 = arith.subf %sub3A_495, %sub3A_473 : vector<16xf32>
      %mul3A_497 = arith.constant 0.142857149 : f32
      %mul3A_498 = vector.broadcast %mul3A_497 : f32 to vector<16xf32>
      %mul3A_499 = arith.mulf %sub3A_496, %mul3A_498 : vector<16xf32>
      %sub3A_500 = arith.subf %sub3A_484, %sub3A_462 : vector<16xf32>
      %mul3A_501 = arith.constant 0.142857149 : f32
      %mul3A_502 = vector.broadcast %mul3A_501 : f32 to vector<16xf32>
      %mul3A_503 = arith.mulf %sub3A_500, %mul3A_502 : vector<16xf32>
      %mul3A_504 = arith.mulf %add3A_40, %mul3A_499 : vector<16xf32>
      %add3A_505 = arith.addf %sub3A_473, %mul3A_504 : vector<16xf32>
      %ge3A_506 = arith.constant -1.000000e+00 : f32
      %ge3A_507 = vector.broadcast %ge3A_506 : f32 to vector<16xf32>
      %ge3A_508 = arith.cmpf oge, %add3A_505, %ge3A_507 : vector<16xf32>
      %le3A_509 = arith.constant 2.000000e+02 : f32
      %le3A_510 = vector.broadcast %le3A_509 : f32 to vector<16xf32>
      %le3A_511 = arith.cmpf ole, %add3A_505, %le3A_510 : vector<16xf32>
      %and3A_512 = arith.andi %ge3A_508, %le3A_511 : vector<16xi1>
      %jit3A_513 = arith.constant 5.000000e-01 : f32
      %jit3A_514 = arith.constant 0.000000e+00 : f32
      %broadcast_in_dim3A_515 = vector.broadcast %jit3A_513 : f32 to vector<16xf32>
      %broadcast_in_dim3A_516 = vector.broadcast %jit3A_514 : f32 to vector<16xf32>
      %select_n3A_517 = arith.select %and3A_512, %broadcast_in_dim3A_515, %broadcast_in_dim3A_516 : vector<16xi1>, vector<16xf32>
      %jit3A_518 = arith.constant 0.000000e+00 : f32
      %jit3A_519 = arith.constant 1.990000e+02 : f32
      %max3A_520 = vector.broadcast %jit3A_518 : f32 to vector<16xf32>
      %max3A_521 = arith.maximumf %max3A_520, %add3A_505 : vector<16xf32>
      %min3A_522 = vector.broadcast %jit3A_519 : f32 to vector<16xf32>
      %min3A_523 = arith.minimumf %min3A_522, %max3A_521 : vector<16xf32>
      %convert_element_type3A_524 = arith.fptosi %min3A_523 : vector<16xf32> to vector<16xi32>
      %convert_element_type3A_525 = arith.sitofp %convert_element_type3A_524 : vector<16xi32> to vector<16xf32>
      %sub3A_526 = arith.subf %min3A_523, %convert_element_type3A_525 : vector<16xf32>
      %mul3A_527 = arith.constant 200 : i32
      %mul3A_528 = vector.broadcast %mul3A_527 : i32 to vector<16xi32>
      %mul3A_529 = arith.muli %convert_element_type3A_524, %mul3A_528 : vector<16xi32>
      %add3A_530 = arith.addi %mul3A_451, %mul3A_529 : vector<16xi32>
      %add3A_531 = arith.constant 1 : i32
      %add3A_532 = vector.broadcast %add3A_531 : i32 to vector<16xi32>
      %add3A_533 = arith.addi %convert_element_type3A_524, %add3A_532 : vector<16xi32>
      %min3A_534 = arith.constant 199 : i32
      %min3A_535 = vector.broadcast %min3A_534 : i32 to vector<16xi32>
      %min3A_536 = arith.minsi %add3A_533, %min3A_535 : vector<16xi32>
      %mul3A_537 = arith.constant 200 : i32
      %mul3A_538 = vector.broadcast %mul3A_537 : i32 to vector<16xi32>
      %mul3A_539 = arith.muli %min3A_536, %mul3A_538 : vector<16xi32>
      %add3A_540 = arith.addi %mul3A_451, %mul3A_539 : vector<16xi32>
      %sub3A_541 = arith.constant 1.000000e+00 : f32
      %sub3A_542 = vector.broadcast %sub3A_541 : f32 to vector<16xf32>
      %sub3A_543 = arith.subf %sub3A_542, %sub3A_526 : vector<16xf32>
      %mul3A_544 = arith.mulf %sub3A_543, %select_n3A_517 : vector<16xf32>
      %mul3A_545 = arith.mulf %sub3A_526, %select_n3A_517 : vector<16xf32>
      %mul3A_546 = arith.mulf %add3A_40, %mul3A_503 : vector<16xf32>
      %add3A_547 = arith.addf %sub3A_462, %mul3A_546 : vector<16xf32>
      %ge3A_548 = arith.constant -1.000000e+00 : f32
      %ge3A_549 = vector.broadcast %ge3A_548 : f32 to vector<16xf32>
      %ge3A_550 = arith.cmpf oge, %add3A_547, %ge3A_549 : vector<16xf32>
      %le3A_551 = arith.constant 2.000000e+02 : f32
      %le3A_552 = vector.broadcast %le3A_551 : f32 to vector<16xf32>
      %le3A_553 = arith.cmpf ole, %add3A_547, %le3A_552 : vector<16xf32>
      %and3A_554 = arith.andi %ge3A_550, %le3A_553 : vector<16xi1>
      %jit3A_555 = arith.constant 5.000000e-01 : f32
      %jit3A_556 = arith.constant 0.000000e+00 : f32
      %broadcast_in_dim3A_557 = vector.broadcast %jit3A_555 : f32 to vector<16xf32>
      %broadcast_in_dim3A_558 = vector.broadcast %jit3A_556 : f32 to vector<16xf32>
      %select_n3A_559 = arith.select %and3A_554, %broadcast_in_dim3A_557, %broadcast_in_dim3A_558 : vector<16xi1>, vector<16xf32>
      %jit3A_560 = arith.constant 0.000000e+00 : f32
      %jit3A_561 = arith.constant 1.990000e+02 : f32
      %max3A_562 = vector.broadcast %jit3A_560 : f32 to vector<16xf32>
      %max3A_563 = arith.maximumf %max3A_562, %add3A_547 : vector<16xf32>
      %min3A_564 = vector.broadcast %jit3A_561 : f32 to vector<16xf32>
      %min3A_565 = arith.minimumf %min3A_564, %max3A_563 : vector<16xf32>
      %convert_element_type3A_566 = arith.fptosi %min3A_565 : vector<16xf32> to vector<16xi32>
      %convert_element_type3A_567 = arith.sitofp %convert_element_type3A_566 : vector<16xi32> to vector<16xf32>
      %sub3A_568 = arith.subf %min3A_565, %convert_element_type3A_567 : vector<16xf32>
      %add3A_569 = arith.constant 1 : i32
      %add3A_570 = vector.broadcast %add3A_569 : i32 to vector<16xi32>
      %add3A_571 = arith.addi %convert_element_type3A_566, %add3A_570 : vector<16xi32>
      %min3A_572 = arith.constant 199 : i32
      %min3A_573 = vector.broadcast %min3A_572 : i32 to vector<16xi32>
      %min3A_574 = arith.minsi %add3A_571, %min3A_573 : vector<16xi32>
      %sub3A_575 = arith.constant 1.000000e+00 : f32
      %sub3A_576 = vector.broadcast %sub3A_575 : f32 to vector<16xf32>
      %sub3A_577 = arith.subf %sub3A_576, %sub3A_568 : vector<16xf32>
      %mul3A_578 = arith.mulf %sub3A_577, %select_n3A_559 : vector<16xf32>
      %mul3A_579 = arith.mulf %sub3A_568, %select_n3A_559 : vector<16xf32>
      %mul3A_580 = arith.constant 2 : i32
      %mul3A_581 = arith.muli %mul3A_580, %sub3A_439 : i32
      %add3A_582 = vector.broadcast %mul3A_581 : i32 to vector<16xi32>
      %add3A_583 = arith.addi %add3A_582, %and3A_6 : vector<16xi32>
      %broadcast_in_dim3A_584 = vector.shape_cast %add3A_583 : vector<16xi32> to vector<16x1xi32>
      %gather3A_585 = vector.shape_cast %broadcast_in_dim3A_584 : vector<16x1xi32> to vector<16xi32>
      %gather3A_586 = tpu.dynamic_gather %add3A_540[%gather3A_585] in [0] : vector<16xi32>, vector<16xi32> -> vector<16xi32>
      %broadcast_in_dim3A_587 = vector.shape_cast %add3A_583 : vector<16xi32> to vector<16x1xi32>
      %gather3A_588 = vector.shape_cast %broadcast_in_dim3A_587 : vector<16x1xi32> to vector<16xi32>
      %gather3A_589 = tpu.dynamic_gather %add3A_530[%gather3A_588] in [0] : vector<16xi32>, vector<16xi32> -> vector<16xi32>
      %select_n3A_590 = arith.select %eq3A_20, %gather3A_586, %gather3A_589 : vector<16xi1>, vector<16xi32>
      %broadcast_in_dim3A_591 = vector.shape_cast %add3A_583 : vector<16xi32> to vector<16x1xi32>
      %gather3A_592 = vector.shape_cast %broadcast_in_dim3A_591 : vector<16x1xi32> to vector<16xi32>
      %gather3A_593 = tpu.dynamic_gather %mul3A_545[%gather3A_592] in [0] : vector<16xf32>, vector<16xi32> -> vector<16xf32>
      %broadcast_in_dim3A_594 = vector.shape_cast %add3A_583 : vector<16xi32> to vector<16x1xi32>
      %gather3A_595 = vector.shape_cast %broadcast_in_dim3A_594 : vector<16x1xi32> to vector<16xi32>
      %gather3A_596 = tpu.dynamic_gather %mul3A_544[%gather3A_595] in [0] : vector<16xf32>, vector<16xi32> -> vector<16xf32>
      %select_n3A_597 = arith.select %eq3A_20, %gather3A_593, %gather3A_596 : vector<16xi1>, vector<16xf32>
      %add3A_598 = arith.constant 0 : i32
      %add3A_599 = vector.broadcast %add3A_598 : i32 to vector<16xi32>
      %add3A_600 = arith.addi %add3A_599, %and3A_12 : vector<16xi32>
      %broadcast_in_dim3A_601 = vector.shape_cast %add3A_600 : vector<16xi32> to vector<16x1xi32>
      %gather3A_602 = vector.shape_cast %broadcast_in_dim3A_601 : vector<16x1xi32> to vector<16xi32>
      %gather3A_603 = tpu.dynamic_gather %min3A_574[%gather3A_602] in [0] : vector<16xi32>, vector<16xi32> -> vector<16xi32>
      %broadcast_in_dim3A_604 = vector.shape_cast %add3A_600 : vector<16xi32> to vector<16x1xi32>
      %gather3A_605 = vector.shape_cast %broadcast_in_dim3A_604 : vector<16x1xi32> to vector<16xi32>
      %gather3A_606 = tpu.dynamic_gather %convert_element_type3A_566[%gather3A_605] in [0] : vector<16xi32>, vector<16xi32> -> vector<16xi32>
      %select_n3A_607 = arith.select %eq3A_26, %gather3A_603, %gather3A_606 : vector<16xi1>, vector<16xi32>
      %broadcast_in_dim3A_608 = vector.shape_cast %add3A_600 : vector<16xi32> to vector<16x1xi32>
      %gather3A_609 = vector.shape_cast %broadcast_in_dim3A_608 : vector<16x1xi32> to vector<16xi32>
      %gather3A_610 = tpu.dynamic_gather %mul3A_579[%gather3A_609] in [0] : vector<16xf32>, vector<16xi32> -> vector<16xf32>
      %broadcast_in_dim3A_611 = vector.shape_cast %add3A_600 : vector<16xi32> to vector<16x1xi32>
      %gather3A_612 = vector.shape_cast %broadcast_in_dim3A_611 : vector<16x1xi32> to vector<16xi32>
      %gather3A_613 = tpu.dynamic_gather %mul3A_578[%gather3A_612] in [0] : vector<16xf32>, vector<16xi32> -> vector<16xf32>
      %select_n3A_614 = arith.select %eq3A_26, %gather3A_610, %gather3A_613 : vector<16xi1>, vector<16xf32>
      %add3A_615 = arith.addi %select_n3A_590, %select_n3A_607 : vector<16xi32>
      %swap3A_616 = arith.constant 0 : index
      %swap3A_617 = tpu.vector_load %arg8[%swap3A_616] {strides = array<i32>} : memref<64xi32, #tpu.memory_space<vmem>>, vector<16xi32>,
      tpu.vector_store %arg8[%swap3A_616], %add3A_615 {strides = array<i32>} : memref<64xi32, #tpu.memory_space<vmem>>, vector<16xi32>,
      %mul3A_618 = arith.mulf %select_n3A_597, %select_n3A_614 : vector<16xf32>
      %swap3A_619 = arith.constant 0 : index
      %swap3A_620 = tpu.vector_load %arg16[%swap3A_619] {strides = array<i32>} : memref<112xf32, #tpu.memory_space<vmem>>, vector<16xf32>,
      tpu.vector_store %arg16[%swap3A_619], %mul3A_618 {strides = array<i32>} : memref<112xf32, #tpu.memory_space<vmem>>, vector<16xf32>,
      %add3A_621 = arith.constant 2 : i32
      %add3A_622 = vector.broadcast %add3A_621 : i32 to vector<16xi32>
      %add3A_623 = arith.addi %add3A_622, %and3A_12 : vector<16xi32>
      %broadcast_in_dim3A_624 = vector.shape_cast %add3A_623 : vector<16xi32> to vector<16x1xi32>
      %gather3A_625 = vector.shape_cast %broadcast_in_dim3A_624 : vector<16x1xi32> to vector<16xi32>
      %gather3A_626 = tpu.dynamic_gather %min3A_574[%gather3A_625] in [0] : vector<16xi32>, vector<16xi32> -> vector<16xi32>
      %broadcast_in_dim3A_627 = vector.shape_cast %add3A_623 : vector<16xi32> to vector<16x1xi32>
      %gather3A_628 = vector.shape_cast %broadcast_in_dim3A_627 : vector<16x1xi32> to vector<16xi32>
      %gather3A_629 = tpu.dynamic_gather %convert_element_type3A_566[%gather3A_628] in [0] : vector<16xi32>, vector<16xi32> -> vector<16xi32>
      %select_n3A_630 = arith.select %eq3A_26, %gather3A_626, %gather3A_629 : vector<16xi1>, vector<16xi32>
      %broadcast_in_dim3A_631 = vector.shape_cast %add3A_623 : vector<16xi32> to vector<16x1xi32>
      %gather3A_632 = vector.shape_cast %broadcast_in_dim3A_631 : vector<16x1xi32> to vector<16xi32>
      %gather3A_633 = tpu.dynamic_gather %mul3A_579[%gather3A_632] in [0] : vector<16xf32>, vector<16xi32> -> vector<16xf32>
      %broadcast_in_dim3A_634 = vector.shape_cast %add3A_623 : vector<16xi32> to vector<16x1xi32>
      %gather3A_635 = vector.shape_cast %broadcast_in_dim3A_634 : vector<16x1xi32> to vector<16xi32>
      %gather3A_636 = tpu.dynamic_gather %mul3A_578[%gather3A_635] in [0] : vector<16xf32>, vector<16xi32> -> vector<16xf32>
      %select_n3A_637 = arith.select %eq3A_26, %gather3A_633, %gather3A_636 : vector<16xi1>, vector<16xf32>
      %add3A_638 = arith.addi %select_n3A_590, %select_n3A_630 : vector<16xi32>
      %swap3A_639 = arith.constant 16 : index
      %swap3A_640 = tpu.vector_load %arg8[%swap3A_639] {strides = array<i32>} : memref<64xi32, #tpu.memory_space<vmem>>, vector<16xi32>,
      tpu.vector_store %arg8[%swap3A_639], %add3A_638 {strides = array<i32>} : memref<64xi32, #tpu.memory_space<vmem>>, vector<16xi32>,
      %mul3A_641 = arith.mulf %select_n3A_597, %select_n3A_637 : vector<16xf32>
      %swap3A_642 = arith.constant 16 : index
      %swap3A_643 = tpu.vector_load %arg16[%swap3A_642] {strides = array<i32>} : memref<112xf32, #tpu.memory_space<vmem>>, vector<16xf32>,
      tpu.vector_store %arg16[%swap3A_642], %mul3A_641 {strides = array<i32>} : memref<112xf32, #tpu.memory_space<vmem>>, vector<16xf32>,
      %add3A_644 = arith.constant 4 : i32
      %add3A_645 = vector.broadcast %add3A_644 : i32 to vector<16xi32>
      %add3A_646 = arith.addi %add3A_645, %and3A_12 : vector<16xi32>
      %broadcast_in_dim3A_647 = vector.shape_cast %add3A_646 : vector<16xi32> to vector<16x1xi32>
      %gather3A_648 = vector.shape_cast %broadcast_in_dim3A_647 : vector<16x1xi32> to vector<16xi32>
      %gather3A_649 = tpu.dynamic_gather %min3A_574[%gather3A_648] in [0] : vector<16xi32>, vector<16xi32> -> vector<16xi32>
      %broadcast_in_dim3A_650 = vector.shape_cast %add3A_646 : vector<16xi32> to vector<16x1xi32>
      %gather3A_651 = vector.shape_cast %broadcast_in_dim3A_650 : vector<16x1xi32> to vector<16xi32>
      %gather3A_652 = tpu.dynamic_gather %convert_element_type3A_566[%gather3A_651] in [0] : vector<16xi32>, vector<16xi32> -> vector<16xi32>
      %select_n3A_653 = arith.select %eq3A_26, %gather3A_649, %gather3A_652 : vector<16xi1>, vector<16xi32>
      %broadcast_in_dim3A_654 = vector.shape_cast %add3A_646 : vector<16xi32> to vector<16x1xi32>
      %gather3A_655 = vector.shape_cast %broadcast_in_dim3A_654 : vector<16x1xi32> to vector<16xi32>
      %gather3A_656 = tpu.dynamic_gather %mul3A_579[%gather3A_655] in [0] : vector<16xf32>, vector<16xi32> -> vector<16xf32>
      %broadcast_in_dim3A_657 = vector.shape_cast %add3A_646 : vector<16xi32> to vector<16x1xi32>
      %gather3A_658 = vector.shape_cast %broadcast_in_dim3A_657 : vector<16x1xi32> to vector<16xi32>
      %gather3A_659 = tpu.dynamic_gather %mul3A_578[%gather3A_658] in [0] : vector<16xf32>, vector<16xi32> -> vector<16xf32>
      %select_n3A_660 = arith.select %eq3A_26, %gather3A_656, %gather3A_659 : vector<16xi1>, vector<16xf32>
      %add3A_661 = arith.addi %select_n3A_590, %select_n3A_653 : vector<16xi32>
      %swap3A_662 = arith.constant 32 : index
      %swap3A_663 = tpu.vector_load %arg8[%swap3A_662] {strides = array<i32>} : memref<64xi32, #tpu.memory_space<vmem>>, vector<16xi32>,
      tpu.vector_store %arg8[%swap3A_662], %add3A_661 {strides = array<i32>} : memref<64xi32, #tpu.memory_space<vmem>>, vector<16xi32>,
      %mul3A_664 = arith.mulf %select_n3A_597, %select_n3A_660 : vector<16xf32>
      %swap3A_665 = arith.constant 32 : index
      %swap3A_666 = tpu.vector_load %arg16[%swap3A_665] {strides = array<i32>} : memref<112xf32, #tpu.memory_space<vmem>>, vector<16xf32>,
      tpu.vector_store %arg16[%swap3A_665], %mul3A_664 {strides = array<i32>} : memref<112xf32, #tpu.memory_space<vmem>>, vector<16xf32>,
      %add3A_667 = arith.constant 6 : i32
      %add3A_668 = vector.broadcast %add3A_667 : i32 to vector<16xi32>
      %add3A_669 = arith.addi %add3A_668, %and3A_12 : vector<16xi32>
      %broadcast_in_dim3A_670 = vector.shape_cast %add3A_669 : vector<16xi32> to vector<16x1xi32>
      %gather3A_671 = vector.shape_cast %broadcast_in_dim3A_670 : vector<16x1xi32> to vector<16xi32>
      %gather3A_672 = tpu.dynamic_gather %min3A_574[%gather3A_671] in [0] : vector<16xi32>, vector<16xi32> -> vector<16xi32>
      %broadcast_in_dim3A_673 = vector.shape_cast %add3A_669 : vector<16xi32> to vector<16x1xi32>
      %gather3A_674 = vector.shape_cast %broadcast_in_dim3A_673 : vector<16x1xi32> to vector<16xi32>
      %gather3A_675 = tpu.dynamic_gather %convert_element_type3A_566[%gather3A_674] in [0] : vector<16xi32>, vector<16xi32> -> vector<16xi32>
      %select_n3A_676 = arith.select %eq3A_26, %gather3A_672, %gather3A_675 : vector<16xi1>, vector<16xi32>
      %broadcast_in_dim3A_677 = vector.shape_cast %add3A_669 : vector<16xi32> to vector<16x1xi32>
      %gather3A_678 = vector.shape_cast %broadcast_in_dim3A_677 : vector<16x1xi32> to vector<16xi32>
      %gather3A_679 = tpu.dynamic_gather %mul3A_579[%gather3A_678] in [0] : vector<16xf32>, vector<16xi32> -> vector<16xf32>
      %broadcast_in_dim3A_680 = vector.shape_cast %add3A_669 : vector<16xi32> to vector<16x1xi32>
      %gather3A_681 = vector.shape_cast %broadcast_in_dim3A_680 : vector<16x1xi32> to vector<16xi32>
      %gather3A_682 = tpu.dynamic_gather %mul3A_578[%gather3A_681] in [0] : vector<16xf32>, vector<16xi32> -> vector<16xf32>
      %select_n3A_683 = arith.select %eq3A_26, %gather3A_679, %gather3A_682 : vector<16xi1>, vector<16xf32>
      %add3A_684 = arith.addi %select_n3A_590, %select_n3A_676 : vector<16xi32>
      %swap3A_685 = arith.constant 48 : index
      %swap3A_686 = tpu.vector_load %arg8[%swap3A_685] {strides = array<i32>} : memref<64xi32, #tpu.memory_space<vmem>>, vector<16xi32>,
      tpu.vector_store %arg8[%swap3A_685], %add3A_684 {strides = array<i32>} : memref<64xi32, #tpu.memory_space<vmem>>, vector<16xi32>,
      %mul3A_687 = arith.mulf %select_n3A_597, %select_n3A_683 : vector<16xf32>
      %swap3A_688 = arith.constant 48 : index
      %swap3A_689 = tpu.vector_load %arg16[%swap3A_688] {strides = array<i32>} : memref<112xf32, #tpu.memory_space<vmem>>, vector<16xf32>,
      tpu.vector_store %arg16[%swap3A_688], %mul3A_687 {strides = array<i32>} : memref<112xf32, #tpu.memory_space<vmem>>, vector<16xf32>,
      %add3A_690 = arith.constant 8 : i32
      %add3A_691 = vector.broadcast %add3A_690 : i32 to vector<16xi32>
      %add3A_692 = arith.addi %add3A_691, %and3A_12 : vector<16xi32>
      %broadcast_in_dim3A_693 = vector.shape_cast %add3A_692 : vector<16xi32> to vector<16x1xi32>
      %gather3A_694 = vector.shape_cast %broadcast_in_dim3A_693 : vector<16x1xi32> to vector<16xi32>
      %gather3A_695 = tpu.dynamic_gather %min3A_574[%gather3A_694] in [0] : vector<16xi32>, vector<16xi32> -> vector<16xi32>
      %broadcast_in_dim3A_696 = vector.shape_cast %add3A_692 : vector<16xi32> to vector<16x1xi32>
      %gather3A_697 = vector.shape_cast %broadcast_in_dim3A_696 : vector<16x1xi32> to vector<16xi32>
      %gather3A_698 = tpu.dynamic_gather %convert_element_type3A_566[%gather3A_697] in [0] : vector<16xi32>, vector<16xi32> -> vector<16xi32>
      %select_n3A_699 = arith.select %eq3A_26, %gather3A_695, %gather3A_698 : vector<16xi1>, vector<16xi32>
      %broadcast_in_dim3A_700 = vector.shape_cast %add3A_692 : vector<16xi32> to vector<16x1xi32>
      %gather3A_701 = vector.shape_cast %broadcast_in_dim3A_700 : vector<16x1xi32> to vector<16xi32>
      %gather3A_702 = tpu.dynamic_gather %mul3A_579[%gather3A_701] in [0] : vector<16xf32>, vector<16xi32> -> vector<16xf32>
      %broadcast_in_dim3A_703 = vector.shape_cast %add3A_692 : vector<16xi32> to vector<16x1xi32>
      %gather3A_704 = vector.shape_cast %broadcast_in_dim3A_703 : vector<16x1xi32> to vector<16xi32>
      %gather3A_705 = tpu.dynamic_gather %mul3A_578[%gather3A_704] in [0] : vector<16xf32>, vector<16xi32> -> vector<16xf32>
      %select_n3A_706 = arith.select %eq3A_26, %gather3A_702, %gather3A_705 : vector<16xi1>, vector<16xf32>
      %add3A_707 = arith.addi %select_n3A_590, %select_n3A_699 : vector<16xi32>
      %swap3A_708 = arith.constant 0 : index
      %swap3A_709 = tpu.vector_load %arg9[%swap3A_708] {strides = array<i32>} : memref<48xi32, #tpu.memory_space<vmem>>, vector<16xi32>,
      tpu.vector_store %arg9[%swap3A_708], %add3A_707 {strides = array<i32>} : memref<48xi32, #tpu.memory_space<vmem>>, vector<16xi32>,
      %mul3A_710 = arith.mulf %select_n3A_597, %select_n3A_706 : vector<16xf32>
      %swap3A_711 = arith.constant 64 : index
      %swap3A_712 = tpu.vector_load %arg16[%swap3A_711] {strides = array<i32>} : memref<112xf32, #tpu.memory_space<vmem>>, vector<16xf32>,
      tpu.vector_store %arg16[%swap3A_711], %mul3A_710 {strides = array<i32>} : memref<112xf32, #tpu.memory_space<vmem>>, vector<16xf32>,
      %add3A_713 = arith.constant 10 : i32
      %add3A_714 = vector.broadcast %add3A_713 : i32 to vector<16xi32>
      %add3A_715 = arith.addi %add3A_714, %and3A_12 : vector<16xi32>
      %broadcast_in_dim3A_716 = vector.shape_cast %add3A_715 : vector<16xi32> to vector<16x1xi32>
      %gather3A_717 = vector.shape_cast %broadcast_in_dim3A_716 : vector<16x1xi32> to vector<16xi32>
      %gather3A_718 = tpu.dynamic_gather %min3A_574[%gather3A_717] in [0] : vector<16xi32>, vector<16xi32> -> vector<16xi32>
      %broadcast_in_dim3A_719 = vector.shape_cast %add3A_715 : vector<16xi32> to vector<16x1xi32>
      %gather3A_720 = vector.shape_cast %broadcast_in_dim3A_719 : vector<16x1xi32> to vector<16xi32>
      %gather3A_721 = tpu.dynamic_gather %convert_element_type3A_566[%gather3A_720] in [0] : vector<16xi32>, vector<16xi32> -> vector<16xi32>
      %select_n3A_722 = arith.select %eq3A_26, %gather3A_718, %gather3A_721 : vector<16xi1>, vector<16xi32>
      %broadcast_in_dim3A_723 = vector.shape_cast %add3A_715 : vector<16xi32> to vector<16x1xi32>
      %gather3A_724 = vector.shape_cast %broadcast_in_dim3A_723 : vector<16x1xi32> to vector<16xi32>
      %gather3A_725 = tpu.dynamic_gather %mul3A_579[%gather3A_724] in [0] : vector<16xf32>, vector<16xi32> -> vector<16xf32>
      %broadcast_in_dim3A_726 = vector.shape_cast %add3A_715 : vector<16xi32> to vector<16x1xi32>
      %gather3A_727 = vector.shape_cast %broadcast_in_dim3A_726 : vector<16x1xi32> to vector<16xi32>
      %gather3A_728 = tpu.dynamic_gather %mul3A_578[%gather3A_727] in [0] : vector<16xf32>, vector<16xi32> -> vector<16xf32>
      %select_n3A_729 = arith.select %eq3A_26, %gather3A_725, %gather3A_728 : vector<16xi1>, vector<16xf32>
      %add3A_730 = arith.addi %select_n3A_590, %select_n3A_722 : vector<16xi32>
      %swap3A_731 = arith.constant 16 : index
      %swap3A_732 = tpu.vector_load %arg9[%swap3A_731] {strides = array<i32>} : memref<48xi32, #tpu.memory_space<vmem>>, vector<16xi32>,
      tpu.vector_store %arg9[%swap3A_731], %add3A_730 {strides = array<i32>} : memref<48xi32, #tpu.memory_space<vmem>>, vector<16xi32>,
      %mul3A_733 = arith.mulf %select_n3A_597, %select_n3A_729 : vector<16xf32>
      %swap3A_734 = arith.constant 80 : index
      %swap3A_735 = tpu.vector_load %arg16[%swap3A_734] {strides = array<i32>} : memref<112xf32, #tpu.memory_space<vmem>>, vector<16xf32>,
      tpu.vector_store %arg16[%swap3A_734], %mul3A_733 {strides = array<i32>} : memref<112xf32, #tpu.memory_space<vmem>>, vector<16xf32>,
      %add3A_736 = arith.constant 12 : i32
      %add3A_737 = vector.broadcast %add3A_736 : i32 to vector<16xi32>
      %add3A_738 = arith.addi %add3A_737, %and3A_12 : vector<16xi32>
      %broadcast_in_dim3A_739 = vector.shape_cast %add3A_738 : vector<16xi32> to vector<16x1xi32>
      %gather3A_740 = vector.shape_cast %broadcast_in_dim3A_739 : vector<16x1xi32> to vector<16xi32>
      %gather3A_741 = tpu.dynamic_gather %min3A_574[%gather3A_740] in [0] : vector<16xi32>, vector<16xi32> -> vector<16xi32>
      %broadcast_in_dim3A_742 = vector.shape_cast %add3A_738 : vector<16xi32> to vector<16x1xi32>
      %gather3A_743 = vector.shape_cast %broadcast_in_dim3A_742 : vector<16x1xi32> to vector<16xi32>
      %gather3A_744 = tpu.dynamic_gather %convert_element_type3A_566[%gather3A_743] in [0] : vector<16xi32>, vector<16xi32> -> vector<16xi32>
      %select_n3A_745 = arith.select %eq3A_26, %gather3A_741, %gather3A_744 : vector<16xi1>, vector<16xi32>
      %broadcast_in_dim3A_746 = vector.shape_cast %add3A_738 : vector<16xi32> to vector<16x1xi32>
      %gather3A_747 = vector.shape_cast %broadcast_in_dim3A_746 : vector<16x1xi32> to vector<16xi32>
      %gather3A_748 = tpu.dynamic_gather %mul3A_579[%gather3A_747] in [0] : vector<16xf32>, vector<16xi32> -> vector<16xf32>
      %broadcast_in_dim3A_749 = vector.shape_cast %add3A_738 : vector<16xi32> to vector<16x1xi32>
      %gather3A_750 = vector.shape_cast %broadcast_in_dim3A_749 : vector<16x1xi32> to vector<16xi32>
      %gather3A_751 = tpu.dynamic_gather %mul3A_578[%gather3A_750] in [0] : vector<16xf32>, vector<16xi32> -> vector<16xf32>
      %select_n3A_752 = arith.select %eq3A_26, %gather3A_748, %gather3A_751 : vector<16xi1>, vector<16xf32>
      %add3A_753 = arith.addi %select_n3A_590, %select_n3A_745 : vector<16xi32>
      %swap3A_754 = arith.constant 32 : index
      %swap3A_755 = tpu.vector_load %arg9[%swap3A_754] {strides = array<i32>} : memref<48xi32, #tpu.memory_space<vmem>>, vector<16xi32>,
      tpu.vector_store %arg9[%swap3A_754], %add3A_753 {strides = array<i32>} : memref<48xi32, #tpu.memory_space<vmem>>, vector<16xi32>,
      %mul3A_756 = arith.mulf %select_n3A_597, %select_n3A_752 : vector<16xf32>
      %swap3A_757 = arith.constant 96 : index
      %swap3A_758 = tpu.vector_load %arg16[%swap3A_757] {strides = array<i32>} : memref<112xf32, #tpu.memory_space<vmem>>, vector<16xf32>,
      tpu.vector_store %arg16[%swap3A_757], %mul3A_756 {strides = array<i32>} : memref<112xf32, #tpu.memory_space<vmem>>, vector<16xf32>,
      %dma_start3A_759 = arith.constant 0 : i32
      %dma_start3A_760 = arith.constant 0 : i32
      %dma_start3A_761 = tpu.memref_slice %arg2[%dma_start3A_759, %dma_start3A_760] : memref<80000x256xbf16, #tpu.memory_space<hbm>> -> memref<80000x256xbf16, #tpu.memory_space<hbm>>
      tpu.enqueue_indirect_dma source(%dma_start3A_761 : memref<80000x256xbf16, #tpu.memory_space<hbm>>) target(%arg12 : memref<64x256xbf16, #tpu.memory_space<vmem>>) offsets(%arg8 : memref<64xi32, #tpu.memory_space<vmem>>) semaphore(%arg19 : memref<!tpu.dma_semaphore, #tpu.memory_space<semaphore_mem>>)
      %dma_start3A_762 = arith.constant 0 : i32
      %dma_start3A_763 = arith.constant 0 : i32
      %dma_start3A_764 = tpu.memref_slice %arg2[%dma_start3A_762, %dma_start3A_763] : memref<80000x256xbf16, #tpu.memory_space<hbm>> -> memref<80000x256xbf16, #tpu.memory_space<hbm>>
      tpu.enqueue_indirect_dma source(%dma_start3A_764 : memref<80000x256xbf16, #tpu.memory_space<hbm>>) target(%arg13 : memref<48x256xbf16, #tpu.memory_space<vmem>>) offsets(%arg9 : memref<48xi32, #tpu.memory_space<vmem>>) semaphore(%arg20 : memref<!tpu.dma_semaphore, #tpu.memory_space<semaphore_mem>>)
      %dma_wait3A_765 = arith.constant 0 : i32
      %dma_wait3A_766 = arith.constant 0 : i32
      %dma_wait3A_767 = tpu.memref_slice %arg2[%dma_wait3A_765, %dma_wait3A_766] : memref<80000x256xbf16, #tpu.memory_space<hbm>> -> memref<80000x256xbf16, #tpu.memory_space<hbm>>
      tpu.wait_indirect_dma semaphore(%arg17 : memref<!tpu.dma_semaphore, #tpu.memory_space<semaphore_mem>>) src(%dma_wait3A_767 : memref<80000x256xbf16, #tpu.memory_space<hbm>>) dst(%arg10 : memref<64x256xbf16, #tpu.memory_space<vmem>>)
      %dma_wait3A_768 = arith.constant 0 : i32
      %dma_wait3A_769 = arith.constant 0 : i32
      %dma_wait3A_770 = tpu.memref_slice %arg2[%dma_wait3A_768, %dma_wait3A_769] : memref<80000x256xbf16, #tpu.memory_space<hbm>> -> memref<80000x256xbf16, #tpu.memory_space<hbm>>
      tpu.wait_indirect_dma semaphore(%arg18 : memref<!tpu.dma_semaphore, #tpu.memory_space<semaphore_mem>>) src(%dma_wait3A_770 : memref<80000x256xbf16, #tpu.memory_space<hbm>>) dst(%arg11 : memref<48x256xbf16, #tpu.memory_space<vmem>>)
      %jit3A_771 = arith.constant 7 : i32
      %div3A_772 = arith.divsi %mul3A_410, %jit3A_771 : i32
      %sign3A_773 = arith.constant 0 : i32
      %sign3A_774 = arith.cmpi sgt, %mul3A_410, %sign3A_773 : i32
      %sign3A_775 = arith.extui %sign3A_774 : i1 to i32
      %sign3A_776 = arith.constant 0 : i32
      %sign3A_777 = arith.cmpi slt, %mul3A_410, %sign3A_776 : i32
      %sign3A_778 = arith.extui %sign3A_777 : i1 to i32
      %sign3A_779 = arith.subi %sign3A_775, %sign3A_778 : i32
      %sign3A_780 = arith.constant 0 : i32
      %sign3A_781 = arith.cmpi sgt, %jit3A_771, %sign3A_780 : i32
      %sign3A_782 = arith.extui %sign3A_781 : i1 to i32
      %sign3A_783 = arith.constant 0 : i32
      %sign3A_784 = arith.cmpi slt, %jit3A_771, %sign3A_783 : i32
      %sign3A_785 = arith.extui %sign3A_784 : i1 to i32
      %sign3A_786 = arith.subi %sign3A_782, %sign3A_785 : i32
      %ne3A_787 = arith.cmpi ne, %sign3A_779, %sign3A_786 : i32
      %rem3A_788 = arith.remsi %mul3A_410, %jit3A_771 : i32
      %ne3A_789 = arith.constant 0 : i32
      %ne3A_790 = arith.cmpi ne, %rem3A_788, %ne3A_789 : i32
      %and3A_791 = arith.andi %ne3A_787, %ne3A_790 : i1
      %sub3A_792 = arith.constant 1 : i32
      %sub3A_793 = arith.subi %div3A_772, %sub3A_792 : i32
      %select_n3A_794 = arith.select %and3A_791, %sub3A_793, %div3A_772 : i32
      %mul3A_795 = arith.constant 7 : i32
      %mul3A_796 = arith.muli %select_n3A_794, %mul3A_795 : i32
      %sub3A_797 = arith.subi %mul3A_410, %mul3A_796 : i32
      %and3A_798 = arith.constant 1 : i32
      %and3A_799 = arith.andi %select_n3A_794, %and3A_798 : i32
      %mul3A_800 = arith.constant 12544 : i32
      %mul3A_801 = arith.muli %and3A_799, %mul3A_800 : i32
      %eq3A_802 = arith.constant 0 : i32
      %eq3A_803 = arith.cmpi eq, %sub3A_797, %eq3A_802 : i32
      %ge3A_804 = arith.constant 2 : i32
      %ge3A_805 = arith.cmpi sge, %select_n3A_794, %ge3A_804 : i32
      %and3A_806 = arith.andi %eq3A_803, %ge3A_805 : i1
      %eq3A_807 = arith.constant 0 : i32
      %eq3A_808 = arith.cmpi eq, %and3A_799, %eq3A_807 : i32
      %and3A_809 = arith.andi %and3A_806, %eq3A_808 : i1
      %convert_element_type3A_810 = arith.extui %and3A_809 : i1 to i32
      %cond3A = arith.constant 0 : i32
      %cond3A_811 = arith.cmpi ne, %convert_element_type3A_810, %cond3A : i32
      scf.if %cond3A_811 {
        %dma_wait3A_944 = arith.constant 0 : i32
        %dma_wait3A_945 = arith.constant 0 : i32
        %dma_wait3A_946 = tpu.memref_slice %arg14[%dma_wait3A_945] : memref<25088xf32, #tpu.memory_space<vmem>> -> memref<12544xf32, #tpu.memory_space<vmem>>
        %dma_wait3A_947 = arith.constant 0 : i32
        %dma_wait3A_948 = tpu.memref_slice %arg4[%dma_wait3A_944, %dma_wait3A_947] : memref<512x12544xf32, #tpu.memory_space<hbm>> -> memref<1x12544xf32, #tpu.memory_space<hbm>>
        %dma_wait3A_949 = tpu.memref_squeeze %dma_wait3A_948 : memref<1x12544xf32, #tpu.memory_space<hbm>> -> memref<12544xf32, #tpu.memory_space<hbm>>
        %dma_wait3A_950 = arith.constant 0 : i32
        %dma_wait3A_951 = tpu.memref_slice %arg4[%dma_wait3A_944, %dma_wait3A_950] : memref<512x12544xf32, #tpu.memory_space<hbm>> -> memref<1x12544xf32, #tpu.memory_space<hbm>>
        %dma_wait3A_952 = tpu.memref_squeeze %dma_wait3A_951 : memref<1x12544xf32, #tpu.memory_space<hbm>> -> memref<12544xf32, #tpu.memory_space<hbm>>
        %dma_wait3A_953 = arith.constant 0 : i32
        %dma_wait3A_954 = tpu.memref_slice %arg14[%dma_wait3A_953] : memref<25088xf32, #tpu.memory_space<vmem>> -> memref<12544xf32, #tpu.memory_space<vmem>>
        tpu.wait_dma2 semaphore(%arg21 : memref<!tpu.dma_semaphore, #tpu.memory_space<semaphore_mem>>) src(%dma_wait3A_954 : memref<12544xf32, #tpu.memory_space<vmem>>) dst(%dma_wait3A_952 : memref<12544xf32, #tpu.memory_space<hbm>>)
      } else {
      }
      %eq3A_812 = arith.constant 0 : i32
      %eq3A_813 = arith.cmpi eq, %sub3A_797, %eq3A_812 : i32
      %ge3A_814 = arith.constant 2 : i32
      %ge3A_815 = arith.cmpi sge, %select_n3A_794, %ge3A_814 : i32
      %and3A_816 = arith.andi %eq3A_813, %ge3A_815 : i1
      %eq3A_817 = arith.constant 1 : i32
      %eq3A_818 = arith.cmpi eq, %and3A_799, %eq3A_817 : i32
      %and3A_819 = arith.andi %and3A_816, %eq3A_818 : i1
      %convert_element_type3A_820 = arith.extui %and3A_819 : i1 to i32
      %cond3A_821 = arith.constant 0 : i32
      %cond3A_822 = arith.cmpi ne, %convert_element_type3A_820, %cond3A_821 : i32
      scf.if %cond3A_822 {
        %dma_wait3A_944 = arith.constant 0 : i32
        %dma_wait3A_945 = arith.constant 0 : i32
        %dma_wait3A_946 = tpu.memref_slice %arg14[%dma_wait3A_945] : memref<25088xf32, #tpu.memory_space<vmem>> -> memref<12544xf32, #tpu.memory_space<vmem>>
        %dma_wait3A_947 = arith.constant 0 : i32
        %dma_wait3A_948 = tpu.memref_slice %arg4[%dma_wait3A_944, %dma_wait3A_947] : memref<512x12544xf32, #tpu.memory_space<hbm>> -> memref<1x12544xf32, #tpu.memory_space<hbm>>
        %dma_wait3A_949 = tpu.memref_squeeze %dma_wait3A_948 : memref<1x12544xf32, #tpu.memory_space<hbm>> -> memref<12544xf32, #tpu.memory_space<hbm>>
        %dma_wait3A_950 = arith.constant 0 : i32
        %dma_wait3A_951 = tpu.memref_slice %arg4[%dma_wait3A_944, %dma_wait3A_950] : memref<512x12544xf32, #tpu.memory_space<hbm>> -> memref<1x12544xf32, #tpu.memory_space<hbm>>
        %dma_wait3A_952 = tpu.memref_squeeze %dma_wait3A_951 : memref<1x12544xf32, #tpu.memory_space<hbm>> -> memref<12544xf32, #tpu.memory_space<hbm>>
        %dma_wait3A_953 = arith.constant 0 : i32
        %dma_wait3A_954 = tpu.memref_slice %arg14[%dma_wait3A_953] : memref<25088xf32, #tpu.memory_space<vmem>> -> memref<12544xf32, #tpu.memory_space<vmem>>
        tpu.wait_dma2 semaphore(%arg22 : memref<!tpu.dma_semaphore, #tpu.memory_space<semaphore_mem>>) src(%dma_wait3A_954 : memref<12544xf32, #tpu.memory_space<vmem>>) dst(%dma_wait3A_952 : memref<12544xf32, #tpu.memory_space<hbm>>)
      } else {
      }
      %scan3A_823 = arith.constant 0 : i32
      %scan3A_824 = arith.constant 0 : i32
      %scan3A_825 = arith.constant 4 : i32
      %scan3A_826 = arith.addi %scan3A_824, %scan3A_825 : i32
      %scan3A_827 = arith.constant 1 : i32
      scf.for %scan3A_944 = %scan3A_824 to %scan3A_826 step %scan3A_827  : i32 {
        %mul3A_945 = arith.constant 16 : i32
        %mul3A_946 = arith.muli %scan3A_944, %mul3A_945 : i32
        %get3A_947 = arith.index_cast %mul3A_946 : i32 to index
        %get3A_948 = tpu.vector_load %arg15[%get3A_947] {strides = array<i32>} : memref<112xf32, #tpu.memory_space<vmem>>, vector<16xf32>,
        %broadcast_in_dim3A_949 = arith.constant 0.000000e+00 : f32
        %broadcast_in_dim3A_950 = vector.broadcast %broadcast_in_dim3A_949 : f32 to vector<16xf32>
        %scan3A_951 = arith.constant 0 : i32
        %scan3A_952 = arith.constant 16 : i32
        %scan3A_953 = arith.addi %scan3A_951, %scan3A_952 : i32
        %scan3A_954 = arith.constant 1 : i32
        %scan3A_955:16 = scf.for %scan3A_1011 = %scan3A_951 to %scan3A_953 step %scan3A_954 iter_args(%scan3A_1012 = %broadcast_in_dim3A_950, %scan3A_1013 = %broadcast_in_dim3A_950, %scan3A_1014 = %broadcast_in_dim3A_950, %scan3A_1015 = %broadcast_in_dim3A_950, %scan3A_1016 = %broadcast_in_dim3A_950, %scan3A_1017 = %broadcast_in_dim3A_950, %scan3A_1018 = %broadcast_in_dim3A_950, %scan3A_1019 = %broadcast_in_dim3A_950, %scan3A_1020 = %broadcast_in_dim3A_950, %scan3A_1021 = %broadcast_in_dim3A_950, %scan3A_1022 = %broadcast_in_dim3A_950, %scan3A_1023 = %broadcast_in_dim3A_950, %scan3A_1024 = %broadcast_in_dim3A_950, %scan3A_1025 = %broadcast_in_dim3A_950, %scan3A_1026 = %broadcast_in_dim3A_950, %scan3A_1027 = %broadcast_in_dim3A_950) -> (vector<16xf32>, vector<16xf32>, vector<16xf32>, vector<16xf32>, vector<16xf32>, vector<16xf32>, vector<16xf32>, vector<16xf32>, vector<16xf32>, vector<16xf32>, vector<16xf32>, vector<16xf32>, vector<16xf32>, vector<16xf32>, vector<16xf32>, vector<16xf32>)  : i32 {
          %broadcast_in_dim3A_1028 = vector.broadcast %scan3A_1011 : i32 to vector<16xi32>
          %broadcast_in_dim3A_1029 = vector.shape_cast %broadcast_in_dim3A_1028 : vector<16xi32> to vector<16x1xi32>
          %gather3A_1030 = vector.shape_cast %broadcast_in_dim3A_1029 : vector<16x1xi32> to vector<16xi32>
          %gather3A_1031 = tpu.dynamic_gather %get3A_948[%gather3A_1030] in [0] : vector<16xf32>, vector<16xi32> -> vector<16xf32>
          %sub3A_1032 = arith.constant 0 : i32
          %sub3A_1033 = arith.subi %scan3A_944, %sub3A_1032 : i32
          %mul3A_1034 = arith.constant 16 : i32
          %mul3A_1035 = arith.muli %sub3A_1033, %mul3A_1034 : i32
          %add3A_1036 = arith.addi %mul3A_1035, %scan3A_1011 : i32
          %get3A_1037 = arith.index_cast %add3A_1036 : i32 to index
          %get3A_1038 = arith.constant 0 : index
          %get3A_1039 = tpu.vector_load %arg10[%get3A_1037, %get3A_1038] {strides = array<i32>} : memref<64x256xbf16, #tpu.memory_space<vmem>>, vector<32xbf16>,
          %bitcast3A = vector.bitcast %get3A_1039 : vector<32xbf16> to vector<16xi32>
          %shift_left3A = arith.constant 16 : i32
          %shift_left3A_1040 = vector.broadcast %shift_left3A : i32 to vector<16xi32>
          %shift_left3A_1041 = arith.shli %bitcast3A, %shift_left3A_1040 : vector<16xi32>
          %bitcast3A_1042 = vector.bitcast %shift_left3A_1041 : vector<16xi32> to vector<16xf32>
          %bitcast3A_1043 = vector.bitcast %bitcast3A : vector<16xi32> to vector<16xf32>
          %mul3A_1044 = arith.mulf %gather3A_1031, %bitcast3A_1042 : vector<16xf32>
          %add3A_1045 = arith.addf %scan3A_1012, %mul3A_1044 : vector<16xf32>
          %mul3A_1046 = arith.mulf %gather3A_1031, %bitcast3A_1043 : vector<16xf32>
          %add3A_1047 = arith.addf %scan3A_1013, %mul3A_1046 : vector<16xf32>
          %get3A_1048 = arith.index_cast %add3A_1036 : i32 to index
          %get3A_1049 = arith.constant 32 : index
          %get3A_1050 = tpu.vector_load %arg10[%get3A_1048, %get3A_1049] {strides = array<i32>} : memref<64x256xbf16, #tpu.memory_space<vmem>>, vector<32xbf16>,
          %bitcast3A_1051 = vector.bitcast %get3A_1050 : vector<32xbf16> to vector<16xi32>
          %shift_left3A_1052 = arith.constant 16 : i32
          %shift_left3A_1053 = vector.broadcast %shift_left3A_1052 : i32 to vector<16xi32>
          %shift_left3A_1054 = arith.shli %bitcast3A_1051, %shift_left3A_1053 : vector<16xi32>
          %bitcast3A_1055 = vector.bitcast %shift_left3A_1054 : vector<16xi32> to vector<16xf32>
          %bitcast3A_1056 = vector.bitcast %bitcast3A_1051 : vector<16xi32> to vector<16xf32>
          %mul3A_1057 = arith.mulf %gather3A_1031, %bitcast3A_1055 : vector<16xf32>
          %add3A_1058 = arith.addf %scan3A_1014, %mul3A_1057 : vector<16xf32>
          %mul3A_1059 = arith.mulf %gather3A_1031, %bitcast3A_1056 : vector<16xf32>
          %add3A_1060 = arith.addf %scan3A_1015, %mul3A_1059 : vector<16xf32>
          %get3A_1061 = arith.index_cast %add3A_1036 : i32 to index
          %get3A_1062 = arith.constant 64 : index
          %get3A_1063 = tpu.vector_load %arg10[%get3A_1061, %get3A_1062] {strides = array<i32>} : memref<64x256xbf16, #tpu.memory_space<vmem>>, vector<32xbf16>,
          %bitcast3A_1064 = vector.bitcast %get3A_1063 : vector<32xbf16> to vector<16xi32>
          %shift_left3A_1065 = arith.constant 16 : i32
          %shift_left3A_1066 = vector.broadcast %shift_left3A_1065 : i32 to vector<16xi32>
          %shift_left3A_1067 = arith.shli %bitcast3A_1064, %shift_left3A_1066 : vector<16xi32>
          %bitcast3A_1068 = vector.bitcast %shift_left3A_1067 : vector<16xi32> to vector<16xf32>
          %bitcast3A_1069 = vector.bitcast %bitcast3A_1064 : vector<16xi32> to vector<16xf32>
          %mul3A_1070 = arith.mulf %gather3A_1031, %bitcast3A_1068 : vector<16xf32>
          %add3A_1071 = arith.addf %scan3A_1016, %mul3A_1070 : vector<16xf32>
          %mul3A_1072 = arith.mulf %gather3A_1031, %bitcast3A_1069 : vector<16xf32>
          %add3A_1073 = arith.addf %scan3A_1017, %mul3A_1072 : vector<16xf32>
          %get3A_1074 = arith.index_cast %add3A_1036 : i32 to index
          %get3A_1075 = arith.constant 96 : index
          %get3A_1076 = tpu.vector_load %arg10[%get3A_1074, %get3A_1075] {strides = array<i32>} : memref<64x256xbf16, #tpu.memory_space<vmem>>, vector<32xbf16>,
          %bitcast3A_1077 = vector.bitcast %get3A_1076 : vector<32xbf16> to vector<16xi32>
          %shift_left3A_1078 = arith.constant 16 : i32
          %shift_left3A_1079 = vector.broadcast %shift_left3A_1078 : i32 to vector<16xi32>
          %shift_left3A_1080 = arith.shli %bitcast3A_1077, %shift_left3A_1079 : vector<16xi32>
          %bitcast3A_1081 = vector.bitcast %shift_left3A_1080 : vector<16xi32> to vector<16xf32>
          %bitcast3A_1082 = vector.bitcast %bitcast3A_1077 : vector<16xi32> to vector<16xf32>
          %mul3A_1083 = arith.mulf %gather3A_1031, %bitcast3A_1081 : vector<16xf32>
          %add3A_1084 = arith.addf %scan3A_1018, %mul3A_1083 : vector<16xf32>
          %mul3A_1085 = arith.mulf %gather3A_1031, %bitcast3A_1082 : vector<16xf32>
          %add3A_1086 = arith.addf %scan3A_1019, %mul3A_1085 : vector<16xf32>
          %get3A_1087 = arith.index_cast %add3A_1036 : i32 to index
          %get3A_1088 = arith.constant 128 : index
          %get3A_1089 = tpu.vector_load %arg10[%get3A_1087, %get3A_1088] {strides = array<i32>} : memref<64x256xbf16, #tpu.memory_space<vmem>>, vector<32xbf16>,
          %bitcast3A_1090 = vector.bitcast %get3A_1089 : vector<32xbf16> to vector<16xi32>
          %shift_left3A_1091 = arith.constant 16 : i32
          %shift_left3A_1092 = vector.broadcast %shift_left3A_1091 : i32 to vector<16xi32>
          %shift_left3A_1093 = arith.shli %bitcast3A_1090, %shift_left3A_1092 : vector<16xi32>
          %bitcast3A_1094 = vector.bitcast %shift_left3A_1093 : vector<16xi32> to vector<16xf32>
          %bitcast3A_1095 = vector.bitcast %bitcast3A_1090 : vector<16xi32> to vector<16xf32>
          %mul3A_1096 = arith.mulf %gather3A_1031, %bitcast3A_1094 : vector<16xf32>
          %add3A_1097 = arith.addf %scan3A_1020, %mul3A_1096 : vector<16xf32>
          %mul3A_1098 = arith.mulf %gather3A_1031, %bitcast3A_1095 : vector<16xf32>
          %add3A_1099 = arith.addf %scan3A_1021, %mul3A_1098 : vector<16xf32>
          %get3A_1100 = arith.index_cast %add3A_1036 : i32 to index
          %get3A_1101 = arith.constant 160 : index
          %get3A_1102 = tpu.vector_load %arg10[%get3A_1100, %get3A_1101] {strides = array<i32>} : memref<64x256xbf16, #tpu.memory_space<vmem>>, vector<32xbf16>,
          %bitcast3A_1103 = vector.bitcast %get3A_1102 : vector<32xbf16> to vector<16xi32>
          %shift_left3A_1104 = arith.constant 16 : i32
          %shift_left3A_1105 = vector.broadcast %shift_left3A_1104 : i32 to vector<16xi32>
          %shift_left3A_1106 = arith.shli %bitcast3A_1103, %shift_left3A_1105 : vector<16xi32>
          %bitcast3A_1107 = vector.bitcast %shift_left3A_1106 : vector<16xi32> to vector<16xf32>
          %bitcast3A_1108 = vector.bitcast %bitcast3A_1103 : vector<16xi32> to vector<16xf32>
          %mul3A_1109 = arith.mulf %gather3A_1031, %bitcast3A_1107 : vector<16xf32>
          %add3A_1110 = arith.addf %scan3A_1022, %mul3A_1109 : vector<16xf32>
          %mul3A_1111 = arith.mulf %gather3A_1031, %bitcast3A_1108 : vector<16xf32>
          %add3A_1112 = arith.addf %scan3A_1023, %mul3A_1111 : vector<16xf32>
          %get3A_1113 = arith.index_cast %add3A_1036 : i32 to index
          %get3A_1114 = arith.constant 192 : index
          %get3A_1115 = tpu.vector_load %arg10[%get3A_1113, %get3A_1114] {strides = array<i32>} : memref<64x256xbf16, #tpu.memory_space<vmem>>, vector<32xbf16>,
          %bitcast3A_1116 = vector.bitcast %get3A_1115 : vector<32xbf16> to vector<16xi32>
          %shift_left3A_1117 = arith.constant 16 : i32
          %shift_left3A_1118 = vector.broadcast %shift_left3A_1117 : i32 to vector<16xi32>
          %shift_left3A_1119 = arith.shli %bitcast3A_1116, %shift_left3A_1118 : vector<16xi32>
          %bitcast3A_1120 = vector.bitcast %shift_left3A_1119 : vector<16xi32> to vector<16xf32>
          %bitcast3A_1121 = vector.bitcast %bitcast3A_1116 : vector<16xi32> to vector<16xf32>
          %mul3A_1122 = arith.mulf %gather3A_1031, %bitcast3A_1120 : vector<16xf32>
          %add3A_1123 = arith.addf %scan3A_1024, %mul3A_1122 : vector<16xf32>
          %mul3A_1124 = arith.mulf %gather3A_1031, %bitcast3A_1121 : vector<16xf32>
          %add3A_1125 = arith.addf %scan3A_1025, %mul3A_1124 : vector<16xf32>
          %get3A_1126 = arith.index_cast %add3A_1036 : i32 to index
          %get3A_1127 = arith.constant 224 : index
          %get3A_1128 = tpu.vector_load %arg10[%get3A_1126, %get3A_1127] {strides = array<i32>} : memref<64x256xbf16, #tpu.memory_space<vmem>>, vector<32xbf16>,
          %bitcast3A_1129 = vector.bitcast %get3A_1128 : vector<32xbf16> to vector<16xi32>
          %shift_left3A_1130 = arith.constant 16 : i32
          %shift_left3A_1131 = vector.broadcast %shift_left3A_1130 : i32 to vector<16xi32>
          %shift_left3A_1132 = arith.shli %bitcast3A_1129, %shift_left3A_1131 : vector<16xi32>
          %bitcast3A_1133 = vector.bitcast %shift_left3A_1132 : vector<16xi32> to vector<16xf32>
          %bitcast3A_1134 = vector.bitcast %bitcast3A_1129 : vector<16xi32> to vector<16xf32>
          %mul3A_1135 = arith.mulf %gather3A_1031, %bitcast3A_1133 : vector<16xf32>
          %add3A_1136 = arith.addf %scan3A_1026, %mul3A_1135 : vector<16xf32>
          %mul3A_1137 = arith.mulf %gather3A_1031, %bitcast3A_1134 : vector<16xf32>
          %add3A_1138 = arith.addf %scan3A_1027, %mul3A_1137 : vector<16xf32>
          scf.yield %add3A_1045, %add3A_1047, %add3A_1058, %add3A_1060, %add3A_1071, %add3A_1073, %add3A_1084, %add3A_1086, %add3A_1097, %add3A_1099, %add3A_1110, %add3A_1112, %add3A_1123, %add3A_1125, %add3A_1136, %add3A_1138 : vector<16xf32>, vector<16xf32>, vector<16xf32>, vector<16xf32>, vector<16xf32>, vector<16xf32>, vector<16xf32>, vector<16xf32>, vector<16xf32>, vector<16xf32>, vector<16xf32>, vector<16xf32>, vector<16xf32>, vector<16xf32>, vector<16xf32>, vector<16xf32>
        }
        %scan3A_956 = arith.constant 16 : i32
        %mul3A_957 = arith.constant 7 : i32
        %mul3A_958 = arith.muli %sub3A_797, %mul3A_957 : i32
        %add3A_959 = arith.addi %mul3A_801, %mul3A_958 : i32
        %add3A_960 = arith.addi %add3A_959, %scan3A_944 : i32
        %add3A_961 = vector.broadcast %add3A_960 : i32 to vector<16xi32>
        %add3A_962 = arith.addi %mul3A_43, %add3A_961 : vector<16xi32>
        %add3A_963 = arith.constant 0 : i32
        %add3A_964 = vector.broadcast %add3A_963 : i32 to vector<16xi32>
        %add3A_965 = arith.addi %add3A_962, %add3A_964 : vector<16xi32>
        tpu.vector_store_idx %arg14[%add3A_965], %scan3A_955#0 : memref<25088xf32, #tpu.memory_space<vmem>>[vector<16xi32>], vector<16xf32>,
        %add3A_966 = arith.constant 49 : i32
        %add3A_967 = vector.broadcast %add3A_966 : i32 to vector<16xi32>
        %add3A_968 = arith.addi %add3A_962, %add3A_967 : vector<16xi32>
        tpu.vector_store_idx %arg14[%add3A_968], %scan3A_955#1 : memref<25088xf32, #tpu.memory_space<vmem>>[vector<16xi32>], vector<16xf32>,
        %add3A_969 = arith.constant 1568 : i32
        %add3A_970 = vector.broadcast %add3A_969 : i32 to vector<16xi32>
        %add3A_971 = arith.addi %add3A_962, %add3A_970 : vector<16xi32>
        tpu.vector_store_idx %arg14[%add3A_971], %scan3A_955#2 : memref<25088xf32, #tpu.memory_space<vmem>>[vector<16xi32>], vector<16xf32>,
        %add3A_972 = arith.constant 1617 : i32
        %add3A_973 = vector.broadcast %add3A_972 : i32 to vector<16xi32>
        %add3A_974 = arith.addi %add3A_962, %add3A_973 : vector<16xi32>
        tpu.vector_store_idx %arg14[%add3A_974], %scan3A_955#3 : memref<25088xf32, #tpu.memory_space<vmem>>[vector<16xi32>], vector<16xf32>,
        %add3A_975 = arith.constant 3136 : i32
        %add3A_976 = vector.broadcast %add3A_975 : i32 to vector<16xi32>
        %add3A_977 = arith.addi %add3A_962, %add3A_976 : vector<16xi32>
        tpu.vector_store_idx %arg14[%add3A_977], %scan3A_955#4 : memref<25088xf32, #tpu.memory_space<vmem>>[vector<16xi32>], vector<16xf32>,
        %add3A_978 = arith.constant 3185 : i32
        %add3A_979 = vector.broadcast %add3A_978 : i32 to vector<16xi32>
        %add3A_980 = arith.addi %add3A_962, %add3A_979 : vector<16xi32>
        tpu.vector_store_idx %arg14[%add3A_980], %scan3A_955#5 : memref<25088xf32, #tpu.memory_space<vmem>>[vector<16xi32>], vector<16xf32>,
        %add3A_981 = arith.constant 4704 : i32
        %add3A_982 = vector.broadcast %add3A_981 : i32 to vector<16xi32>
        %add3A_983 = arith.addi %add3A_962, %add3A_982 : vector<16xi32>
        tpu.vector_store_idx %arg14[%add3A_983], %scan3A_955#6 : memref<25088xf32, #tpu.memory_space<vmem>>[vector<16xi32>], vector<16xf32>,
        %add3A_984 = arith.constant 4753 : i32
        %add3A_985 = vector.broadcast %add3A_984 : i32 to vector<16xi32>
        %add3A_986 = arith.addi %add3A_962, %add3A_985 : vector<16xi32>
        tpu.vector_store_idx %arg14[%add3A_986], %scan3A_955#7 : memref<25088xf32, #tpu.memory_space<vmem>>[vector<16xi32>], vector<16xf32>,
        %add3A_987 = arith.constant 6272 : i32
        %add3A_988 = vector.broadcast %add3A_987 : i32 to vector<16xi32>
        %add3A_989 = arith.addi %add3A_962, %add3A_988 : vector<16xi32>
        tpu.vector_store_idx %arg14[%add3A_989], %scan3A_955#8 : memref<25088xf32, #tpu.memory_space<vmem>>[vector<16xi32>], vector<16xf32>,
        %add3A_990 = arith.constant 6321 : i32
        %add3A_991 = vector.broadcast %add3A_990 : i32 to vector<16xi32>
        %add3A_992 = arith.addi %add3A_962, %add3A_991 : vector<16xi32>
        tpu.vector_store_idx %arg14[%add3A_992], %scan3A_955#9 : memref<25088xf32, #tpu.memory_space<vmem>>[vector<16xi32>], vector<16xf32>,
        %add3A_993 = arith.constant 7840 : i32
        %add3A_994 = vector.broadcast %add3A_993 : i32 to vector<16xi32>
        %add3A_995 = arith.addi %add3A_962, %add3A_994 : vector<16xi32>
        tpu.vector_store_idx %arg14[%add3A_995], %scan3A_955#10 : memref<25088xf32, #tpu.memory_space<vmem>>[vector<16xi32>], vector<16xf32>,
        %add3A_996 = arith.constant 7889 : i32
        %add3A_997 = vector.broadcast %add3A_996 : i32 to vector<16xi32>
        %add3A_998 = arith.addi %add3A_962, %add3A_997 : vector<16xi32>
        tpu.vector_store_idx %arg14[%add3A_998], %scan3A_955#11 : memref<25088xf32, #tpu.memory_space<vmem>>[vector<16xi32>], vector<16xf32>,
        %add3A_999 = arith.constant 9408 : i32
        %add3A_1000 = vector.broadcast %add3A_999 : i32 to vector<16xi32>
        %add3A_1001 = arith.addi %add3A_962, %add3A_1000 : vector<16xi32>
        tpu.vector_store_idx %arg14[%add3A_1001], %scan3A_955#12 : memref<25088xf32, #tpu.memory_space<vmem>>[vector<16xi32>], vector<16xf32>,
        %add3A_1002 = arith.constant 9457 : i32
        %add3A_1003 = vector.broadcast %add3A_1002 : i32 to vector<16xi32>
        %add3A_1004 = arith.addi %add3A_962, %add3A_1003 : vector<16xi32>
        tpu.vector_store_idx %arg14[%add3A_1004], %scan3A_955#13 : memref<25088xf32, #tpu.memory_space<vmem>>[vector<16xi32>], vector<16xf32>,
        %add3A_1005 = arith.constant 10976 : i32
        %add3A_1006 = vector.broadcast %add3A_1005 : i32 to vector<16xi32>
        %add3A_1007 = arith.addi %add3A_962, %add3A_1006 : vector<16xi32>
        tpu.vector_store_idx %arg14[%add3A_1007], %scan3A_955#14 : memref<25088xf32, #tpu.memory_space<vmem>>[vector<16xi32>], vector<16xf32>,
        %add3A_1008 = arith.constant 11025 : i32
        %add3A_1009 = vector.broadcast %add3A_1008 : i32 to vector<16xi32>
        %add3A_1010 = arith.addi %add3A_962, %add3A_1009 : vector<16xi32>
        tpu.vector_store_idx %arg14[%add3A_1010], %scan3A_955#15 : memref<25088xf32, #tpu.memory_space<vmem>>[vector<16xi32>], vector<16xf32>,
      }
      %scan3A_828 = arith.constant 4 : i32
      %scan3A_829 = arith.constant 0 : i32
      %scan3A_830 = arith.constant 4 : i32
      %scan3A_831 = arith.constant 3 : i32
      %scan3A_832 = arith.addi %scan3A_830, %scan3A_831 : i32
      %scan3A_833 = arith.constant 1 : i32
      scf.for %scan3A_944 = %scan3A_830 to %scan3A_832 step %scan3A_833  : i32 {
        %mul3A_945 = arith.constant 16 : i32
        %mul3A_946 = arith.muli %scan3A_944, %mul3A_945 : i32
        %get3A_947 = arith.index_cast %mul3A_946 : i32 to index
        %get3A_948 = tpu.vector_load %arg15[%get3A_947] {strides = array<i32>} : memref<112xf32, #tpu.memory_space<vmem>>, vector<16xf32>,
        %broadcast_in_dim3A_949 = arith.constant 0.000000e+00 : f32
        %broadcast_in_dim3A_950 = vector.broadcast %broadcast_in_dim3A_949 : f32 to vector<16xf32>
        %scan3A_951 = arith.constant 0 : i32
        %scan3A_952 = arith.constant 16 : i32
        %scan3A_953 = arith.addi %scan3A_951, %scan3A_952 : i32
        %scan3A_954 = arith.constant 1 : i32
        %scan3A_955:16 = scf.for %scan3A_1011 = %scan3A_951 to %scan3A_953 step %scan3A_954 iter_args(%scan3A_1012 = %broadcast_in_dim3A_950, %scan3A_1013 = %broadcast_in_dim3A_950, %scan3A_1014 = %broadcast_in_dim3A_950, %scan3A_1015 = %broadcast_in_dim3A_950, %scan3A_1016 = %broadcast_in_dim3A_950, %scan3A_1017 = %broadcast_in_dim3A_950, %scan3A_1018 = %broadcast_in_dim3A_950, %scan3A_1019 = %broadcast_in_dim3A_950, %scan3A_1020 = %broadcast_in_dim3A_950, %scan3A_1021 = %broadcast_in_dim3A_950, %scan3A_1022 = %broadcast_in_dim3A_950, %scan3A_1023 = %broadcast_in_dim3A_950, %scan3A_1024 = %broadcast_in_dim3A_950, %scan3A_1025 = %broadcast_in_dim3A_950, %scan3A_1026 = %broadcast_in_dim3A_950, %scan3A_1027 = %broadcast_in_dim3A_950) -> (vector<16xf32>, vector<16xf32>, vector<16xf32>, vector<16xf32>, vector<16xf32>, vector<16xf32>, vector<16xf32>, vector<16xf32>, vector<16xf32>, vector<16xf32>, vector<16xf32>, vector<16xf32>, vector<16xf32>, vector<16xf32>, vector<16xf32>, vector<16xf32>)  : i32 {
          %broadcast_in_dim3A_1028 = vector.broadcast %scan3A_1011 : i32 to vector<16xi32>
          %broadcast_in_dim3A_1029 = vector.shape_cast %broadcast_in_dim3A_1028 : vector<16xi32> to vector<16x1xi32>
          %gather3A_1030 = vector.shape_cast %broadcast_in_dim3A_1029 : vector<16x1xi32> to vector<16xi32>
          %gather3A_1031 = tpu.dynamic_gather %get3A_948[%gather3A_1030] in [0] : vector<16xf32>, vector<16xi32> -> vector<16xf32>
          %sub3A_1032 = arith.constant 4 : i32
          %sub3A_1033 = arith.subi %scan3A_944, %sub3A_1032 : i32
          %mul3A_1034 = arith.constant 16 : i32
          %mul3A_1035 = arith.muli %sub3A_1033, %mul3A_1034 : i32
          %add3A_1036 = arith.addi %mul3A_1035, %scan3A_1011 : i32
          %get3A_1037 = arith.index_cast %add3A_1036 : i32 to index
          %get3A_1038 = arith.constant 0 : index
          %get3A_1039 = tpu.vector_load %arg11[%get3A_1037, %get3A_1038] {strides = array<i32>} : memref<48x256xbf16, #tpu.memory_space<vmem>>, vector<32xbf16>,
          %bitcast3A = vector.bitcast %get3A_1039 : vector<32xbf16> to vector<16xi32>
          %shift_left3A = arith.constant 16 : i32
          %shift_left3A_1040 = vector.broadcast %shift_left3A : i32 to vector<16xi32>
          %shift_left3A_1041 = arith.shli %bitcast3A, %shift_left3A_1040 : vector<16xi32>
          %bitcast3A_1042 = vector.bitcast %shift_left3A_1041 : vector<16xi32> to vector<16xf32>
          %bitcast3A_1043 = vector.bitcast %bitcast3A : vector<16xi32> to vector<16xf32>
          %mul3A_1044 = arith.mulf %gather3A_1031, %bitcast3A_1042 : vector<16xf32>
          %add3A_1045 = arith.addf %scan3A_1012, %mul3A_1044 : vector<16xf32>
          %mul3A_1046 = arith.mulf %gather3A_1031, %bitcast3A_1043 : vector<16xf32>
          %add3A_1047 = arith.addf %scan3A_1013, %mul3A_1046 : vector<16xf32>
          %get3A_1048 = arith.index_cast %add3A_1036 : i32 to index
          %get3A_1049 = arith.constant 32 : index
          %get3A_1050 = tpu.vector_load %arg11[%get3A_1048, %get3A_1049] {strides = array<i32>} : memref<48x256xbf16, #tpu.memory_space<vmem>>, vector<32xbf16>,
          %bitcast3A_1051 = vector.bitcast %get3A_1050 : vector<32xbf16> to vector<16xi32>
          %shift_left3A_1052 = arith.constant 16 : i32
          %shift_left3A_1053 = vector.broadcast %shift_left3A_1052 : i32 to vector<16xi32>
          %shift_left3A_1054 = arith.shli %bitcast3A_1051, %shift_left3A_1053 : vector<16xi32>
          %bitcast3A_1055 = vector.bitcast %shift_left3A_1054 : vector<16xi32> to vector<16xf32>
          %bitcast3A_1056 = vector.bitcast %bitcast3A_1051 : vector<16xi32> to vector<16xf32>
          %mul3A_1057 = arith.mulf %gather3A_1031, %bitcast3A_1055 : vector<16xf32>
          %add3A_1058 = arith.addf %scan3A_1014, %mul3A_1057 : vector<16xf32>
          %mul3A_1059 = arith.mulf %gather3A_1031, %bitcast3A_1056 : vector<16xf32>
          %add3A_1060 = arith.addf %scan3A_1015, %mul3A_1059 : vector<16xf32>
          %get3A_1061 = arith.index_cast %add3A_1036 : i32 to index
          %get3A_1062 = arith.constant 64 : index
          %get3A_1063 = tpu.vector_load %arg11[%get3A_1061, %get3A_1062] {strides = array<i32>} : memref<48x256xbf16, #tpu.memory_space<vmem>>, vector<32xbf16>,
          %bitcast3A_1064 = vector.bitcast %get3A_1063 : vector<32xbf16> to vector<16xi32>
          %shift_left3A_1065 = arith.constant 16 : i32
          %shift_left3A_1066 = vector.broadcast %shift_left3A_1065 : i32 to vector<16xi32>
          %shift_left3A_1067 = arith.shli %bitcast3A_1064, %shift_left3A_1066 : vector<16xi32>
          %bitcast3A_1068 = vector.bitcast %shift_left3A_1067 : vector<16xi32> to vector<16xf32>
          %bitcast3A_1069 = vector.bitcast %bitcast3A_1064 : vector<16xi32> to vector<16xf32>
          %mul3A_1070 = arith.mulf %gather3A_1031, %bitcast3A_1068 : vector<16xf32>
          %add3A_1071 = arith.addf %scan3A_1016, %mul3A_1070 : vector<16xf32>
          %mul3A_1072 = arith.mulf %gather3A_1031, %bitcast3A_1069 : vector<16xf32>
          %add3A_1073 = arith.addf %scan3A_1017, %mul3A_1072 : vector<16xf32>
          %get3A_1074 = arith.index_cast %add3A_1036 : i32 to index
          %get3A_1075 = arith.constant 96 : index
          %get3A_1076 = tpu.vector_load %arg11[%get3A_1074, %get3A_1075] {strides = array<i32>} : memref<48x256xbf16, #tpu.memory_space<vmem>>, vector<32xbf16>,
          %bitcast3A_1077 = vector.bitcast %get3A_1076 : vector<32xbf16> to vector<16xi32>
          %shift_left3A_1078 = arith.constant 16 : i32
          %shift_left3A_1079 = vector.broadcast %shift_left3A_1078 : i32 to vector<16xi32>
          %shift_left3A_1080 = arith.shli %bitcast3A_1077, %shift_left3A_1079 : vector<16xi32>
          %bitcast3A_1081 = vector.bitcast %shift_left3A_1080 : vector<16xi32> to vector<16xf32>
          %bitcast3A_1082 = vector.bitcast %bitcast3A_1077 : vector<16xi32> to vector<16xf32>
          %mul3A_1083 = arith.mulf %gather3A_1031, %bitcast3A_1081 : vector<16xf32>
          %add3A_1084 = arith.addf %scan3A_1018, %mul3A_1083 : vector<16xf32>
          %mul3A_1085 = arith.mulf %gather3A_1031, %bitcast3A_1082 : vector<16xf32>
          %add3A_1086 = arith.addf %scan3A_1019, %mul3A_1085 : vector<16xf32>
          %get3A_1087 = arith.index_cast %add3A_1036 : i32 to index
          %get3A_1088 = arith.constant 128 : index
          %get3A_1089 = tpu.vector_load %arg11[%get3A_1087, %get3A_1088] {strides = array<i32>} : memref<48x256xbf16, #tpu.memory_space<vmem>>, vector<32xbf16>,
          %bitcast3A_1090 = vector.bitcast %get3A_1089 : vector<32xbf16> to vector<16xi32>
          %shift_left3A_1091 = arith.constant 16 : i32
          %shift_left3A_1092 = vector.broadcast %shift_left3A_1091 : i32 to vector<16xi32>
          %shift_left3A_1093 = arith.shli %bitcast3A_1090, %shift_left3A_1092 : vector<16xi32>
          %bitcast3A_1094 = vector.bitcast %shift_left3A_1093 : vector<16xi32> to vector<16xf32>
          %bitcast3A_1095 = vector.bitcast %bitcast3A_1090 : vector<16xi32> to vector<16xf32>
          %mul3A_1096 = arith.mulf %gather3A_1031, %bitcast3A_1094 : vector<16xf32>
          %add3A_1097 = arith.addf %scan3A_1020, %mul3A_1096 : vector<16xf32>
          %mul3A_1098 = arith.mulf %gather3A_1031, %bitcast3A_1095 : vector<16xf32>
          %add3A_1099 = arith.addf %scan3A_1021, %mul3A_1098 : vector<16xf32>
          %get3A_1100 = arith.index_cast %add3A_1036 : i32 to index
          %get3A_1101 = arith.constant 160 : index
          %get3A_1102 = tpu.vector_load %arg11[%get3A_1100, %get3A_1101] {strides = array<i32>} : memref<48x256xbf16, #tpu.memory_space<vmem>>, vector<32xbf16>,
          %bitcast3A_1103 = vector.bitcast %get3A_1102 : vector<32xbf16> to vector<16xi32>
          %shift_left3A_1104 = arith.constant 16 : i32
          %shift_left3A_1105 = vector.broadcast %shift_left3A_1104 : i32 to vector<16xi32>
          %shift_left3A_1106 = arith.shli %bitcast3A_1103, %shift_left3A_1105 : vector<16xi32>
          %bitcast3A_1107 = vector.bitcast %shift_left3A_1106 : vector<16xi32> to vector<16xf32>
          %bitcast3A_1108 = vector.bitcast %bitcast3A_1103 : vector<16xi32> to vector<16xf32>
          %mul3A_1109 = arith.mulf %gather3A_1031, %bitcast3A_1107 : vector<16xf32>
          %add3A_1110 = arith.addf %scan3A_1022, %mul3A_1109 : vector<16xf32>
          %mul3A_1111 = arith.mulf %gather3A_1031, %bitcast3A_1108 : vector<16xf32>
          %add3A_1112 = arith.addf %scan3A_1023, %mul3A_1111 : vector<16xf32>
          %get3A_1113 = arith.index_cast %add3A_1036 : i32 to index
          %get3A_1114 = arith.constant 192 : index
          %get3A_1115 = tpu.vector_load %arg11[%get3A_1113, %get3A_1114] {strides = array<i32>} : memref<48x256xbf16, #tpu.memory_space<vmem>>, vector<32xbf16>,
          %bitcast3A_1116 = vector.bitcast %get3A_1115 : vector<32xbf16> to vector<16xi32>
          %shift_left3A_1117 = arith.constant 16 : i32
          %shift_left3A_1118 = vector.broadcast %shift_left3A_1117 : i32 to vector<16xi32>
          %shift_left3A_1119 = arith.shli %bitcast3A_1116, %shift_left3A_1118 : vector<16xi32>
          %bitcast3A_1120 = vector.bitcast %shift_left3A_1119 : vector<16xi32> to vector<16xf32>
          %bitcast3A_1121 = vector.bitcast %bitcast3A_1116 : vector<16xi32> to vector<16xf32>
          %mul3A_1122 = arith.mulf %gather3A_1031, %bitcast3A_1120 : vector<16xf32>
          %add3A_1123 = arith.addf %scan3A_1024, %mul3A_1122 : vector<16xf32>
          %mul3A_1124 = arith.mulf %gather3A_1031, %bitcast3A_1121 : vector<16xf32>
          %add3A_1125 = arith.addf %scan3A_1025, %mul3A_1124 : vector<16xf32>
          %get3A_1126 = arith.index_cast %add3A_1036 : i32 to index
          %get3A_1127 = arith.constant 224 : index
          %get3A_1128 = tpu.vector_load %arg11[%get3A_1126, %get3A_1127] {strides = array<i32>} : memref<48x256xbf16, #tpu.memory_space<vmem>>, vector<32xbf16>,
          %bitcast3A_1129 = vector.bitcast %get3A_1128 : vector<32xbf16> to vector<16xi32>
          %shift_left3A_1130 = arith.constant 16 : i32
          %shift_left3A_1131 = vector.broadcast %shift_left3A_1130 : i32 to vector<16xi32>
          %shift_left3A_1132 = arith.shli %bitcast3A_1129, %shift_left3A_1131 : vector<16xi32>
          %bitcast3A_1133 = vector.bitcast %shift_left3A_1132 : vector<16xi32> to vector<16xf32>
          %bitcast3A_1134 = vector.bitcast %bitcast3A_1129 : vector<16xi32> to vector<16xf32>
          %mul3A_1135 = arith.mulf %gather3A_1031, %bitcast3A_1133 : vector<16xf32>
          %add3A_1136 = arith.addf %scan3A_1026, %mul3A_1135 : vector<16xf32>
          %mul3A_1137 = arith.mulf %gather3A_1031, %bitcast3A_1134 : vector<16xf32>
          %add3A_1138 = arith.addf %scan3A_1027, %mul3A_1137 : vector<16xf32>
          scf.yield %add3A_1045, %add3A_1047, %add3A_1058, %add3A_1060, %add3A_1071, %add3A_1073, %add3A_1084, %add3A_1086, %add3A_1097, %add3A_1099, %add3A_1110, %add3A_1112, %add3A_1123, %add3A_1125, %add3A_1136, %add3A_1138 : vector<16xf32>, vector<16xf32>, vector<16xf32>, vector<16xf32>, vector<16xf32>, vector<16xf32>, vector<16xf32>, vector<16xf32>, vector<16xf32>, vector<16xf32>, vector<16xf32>, vector<16xf32>, vector<16xf32>, vector<16xf32>, vector<16xf32>, vector<16xf32>
        }
        %scan3A_956 = arith.constant 16 : i32
        %mul3A_957 = arith.constant 7 : i32
        %mul3A_958 = arith.muli %sub3A_797, %mul3A_957 : i32
        %add3A_959 = arith.addi %mul3A_801, %mul3A_958 : i32
        %add3A_960 = arith.addi %add3A_959, %scan3A_944 : i32
        %add3A_961 = vector.broadcast %add3A_960 : i32 to vector<16xi32>
        %add3A_962 = arith.addi %mul3A_43, %add3A_961 : vector<16xi32>
        %add3A_963 = arith.constant 0 : i32
        %add3A_964 = vector.broadcast %add3A_963 : i32 to vector<16xi32>
        %add3A_965 = arith.addi %add3A_962, %add3A_964 : vector<16xi32>
        tpu.vector_store_idx %arg14[%add3A_965], %scan3A_955#0 : memref<25088xf32, #tpu.memory_space<vmem>>[vector<16xi32>], vector<16xf32>,
        %add3A_966 = arith.constant 49 : i32
        %add3A_967 = vector.broadcast %add3A_966 : i32 to vector<16xi32>
        %add3A_968 = arith.addi %add3A_962, %add3A_967 : vector<16xi32>
        tpu.vector_store_idx %arg14[%add3A_968], %scan3A_955#1 : memref<25088xf32, #tpu.memory_space<vmem>>[vector<16xi32>], vector<16xf32>,
        %add3A_969 = arith.constant 1568 : i32
        %add3A_970 = vector.broadcast %add3A_969 : i32 to vector<16xi32>
        %add3A_971 = arith.addi %add3A_962, %add3A_970 : vector<16xi32>
        tpu.vector_store_idx %arg14[%add3A_971], %scan3A_955#2 : memref<25088xf32, #tpu.memory_space<vmem>>[vector<16xi32>], vector<16xf32>,
        %add3A_972 = arith.constant 1617 : i32
        %add3A_973 = vector.broadcast %add3A_972 : i32 to vector<16xi32>
        %add3A_974 = arith.addi %add3A_962, %add3A_973 : vector<16xi32>
        tpu.vector_store_idx %arg14[%add3A_974], %scan3A_955#3 : memref<25088xf32, #tpu.memory_space<vmem>>[vector<16xi32>], vector<16xf32>,
        %add3A_975 = arith.constant 3136 : i32
        %add3A_976 = vector.broadcast %add3A_975 : i32 to vector<16xi32>
        %add3A_977 = arith.addi %add3A_962, %add3A_976 : vector<16xi32>
        tpu.vector_store_idx %arg14[%add3A_977], %scan3A_955#4 : memref<25088xf32, #tpu.memory_space<vmem>>[vector<16xi32>], vector<16xf32>,
        %add3A_978 = arith.constant 3185 : i32
        %add3A_979 = vector.broadcast %add3A_978 : i32 to vector<16xi32>
        %add3A_980 = arith.addi %add3A_962, %add3A_979 : vector<16xi32>
        tpu.vector_store_idx %arg14[%add3A_980], %scan3A_955#5 : memref<25088xf32, #tpu.memory_space<vmem>>[vector<16xi32>], vector<16xf32>,
        %add3A_981 = arith.constant 4704 : i32
        %add3A_982 = vector.broadcast %add3A_981 : i32 to vector<16xi32>
        %add3A_983 = arith.addi %add3A_962, %add3A_982 : vector<16xi32>
        tpu.vector_store_idx %arg14[%add3A_983], %scan3A_955#6 : memref<25088xf32, #tpu.memory_space<vmem>>[vector<16xi32>], vector<16xf32>,
        %add3A_984 = arith.constant 4753 : i32
        %add3A_985 = vector.broadcast %add3A_984 : i32 to vector<16xi32>
        %add3A_986 = arith.addi %add3A_962, %add3A_985 : vector<16xi32>
        tpu.vector_store_idx %arg14[%add3A_986], %scan3A_955#7 : memref<25088xf32, #tpu.memory_space<vmem>>[vector<16xi32>], vector<16xf32>,
        %add3A_987 = arith.constant 6272 : i32
        %add3A_988 = vector.broadcast %add3A_987 : i32 to vector<16xi32>
        %add3A_989 = arith.addi %add3A_962, %add3A_988 : vector<16xi32>
        tpu.vector_store_idx %arg14[%add3A_989], %scan3A_955#8 : memref<25088xf32, #tpu.memory_space<vmem>>[vector<16xi32>], vector<16xf32>,
        %add3A_990 = arith.constant 6321 : i32
        %add3A_991 = vector.broadcast %add3A_990 : i32 to vector<16xi32>
        %add3A_992 = arith.addi %add3A_962, %add3A_991 : vector<16xi32>
        tpu.vector_store_idx %arg14[%add3A_992], %scan3A_955#9 : memref<25088xf32, #tpu.memory_space<vmem>>[vector<16xi32>], vector<16xf32>,
        %add3A_993 = arith.constant 7840 : i32
        %add3A_994 = vector.broadcast %add3A_993 : i32 to vector<16xi32>
        %add3A_995 = arith.addi %add3A_962, %add3A_994 : vector<16xi32>
        tpu.vector_store_idx %arg14[%add3A_995], %scan3A_955#10 : memref<25088xf32, #tpu.memory_space<vmem>>[vector<16xi32>], vector<16xf32>,
        %add3A_996 = arith.constant 7889 : i32
        %add3A_997 = vector.broadcast %add3A_996 : i32 to vector<16xi32>
        %add3A_998 = arith.addi %add3A_962, %add3A_997 : vector<16xi32>
        tpu.vector_store_idx %arg14[%add3A_998], %scan3A_955#11 : memref<25088xf32, #tpu.memory_space<vmem>>[vector<16xi32>], vector<16xf32>,
        %add3A_999 = arith.constant 9408 : i32
        %add3A_1000 = vector.broadcast %add3A_999 : i32 to vector<16xi32>
        %add3A_1001 = arith.addi %add3A_962, %add3A_1000 : vector<16xi32>
        tpu.vector_store_idx %arg14[%add3A_1001], %scan3A_955#12 : memref<25088xf32, #tpu.memory_space<vmem>>[vector<16xi32>], vector<16xf32>,
        %add3A_1002 = arith.constant 9457 : i32
        %add3A_1003 = vector.broadcast %add3A_1002 : i32 to vector<16xi32>
        %add3A_1004 = arith.addi %add3A_962, %add3A_1003 : vector<16xi32>
        tpu.vector_store_idx %arg14[%add3A_1004], %scan3A_955#13 : memref<25088xf32, #tpu.memory_space<vmem>>[vector<16xi32>], vector<16xf32>,
        %add3A_1005 = arith.constant 10976 : i32
        %add3A_1006 = vector.broadcast %add3A_1005 : i32 to vector<16xi32>
        %add3A_1007 = arith.addi %add3A_962, %add3A_1006 : vector<16xi32>
        tpu.vector_store_idx %arg14[%add3A_1007], %scan3A_955#14 : memref<25088xf32, #tpu.memory_space<vmem>>[vector<16xi32>], vector<16xf32>,
        %add3A_1008 = arith.constant 11025 : i32
        %add3A_1009 = vector.broadcast %add3A_1008 : i32 to vector<16xi32>
        %add3A_1010 = arith.addi %add3A_962, %add3A_1009 : vector<16xi32>
        tpu.vector_store_idx %arg14[%add3A_1010], %scan3A_955#15 : memref<25088xf32, #tpu.memory_space<vmem>>[vector<16xi32>], vector<16xf32>,
      }
      %scan3A_834 = arith.constant 3 : i32
      %eq3A_835 = arith.constant 6 : i32
      %eq3A_836 = arith.cmpi eq, %sub3A_797, %eq3A_835 : i32
      %eq3A_837 = arith.constant 0 : i32
      %eq3A_838 = arith.cmpi eq, %and3A_799, %eq3A_837 : i32
      %and3A_839 = arith.andi %eq3A_836, %eq3A_838 : i1
      %convert_element_type3A_840 = arith.extui %and3A_839 : i1 to i32
      %cond3A_841 = arith.constant 0 : i32
      %cond3A_842 = arith.cmpi ne, %convert_element_type3A_840, %cond3A_841 : i32
      scf.if %cond3A_842 {
        %add3A_944 = arith.addi %mul3A_2, %select_n3A_794 : i32
        %dma_start3A_945 = arith.constant 0 : i32
        %dma_start3A_946 = tpu.memref_slice %arg14[%dma_start3A_945] : memref<25088xf32, #tpu.memory_space<vmem>> -> memref<12544xf32, #tpu.memory_space<vmem>>
        %dma_start3A_947 = arith.constant 0 : i32
        %dma_start3A_948 = tpu.memref_slice %arg4[%add3A_944, %dma_start3A_947] : memref<512x12544xf32, #tpu.memory_space<hbm>> -> memref<1x12544xf32, #tpu.memory_space<hbm>>
        %dma_start3A_949 = tpu.memref_squeeze %dma_start3A_948 : memref<1x12544xf32, #tpu.memory_space<hbm>> -> memref<12544xf32, #tpu.memory_space<hbm>>
        %dma_start3A_950 = arith.constant 0 : i32
        %dma_start3A_951 = tpu.memref_slice %arg4[%add3A_944, %dma_start3A_950] : memref<512x12544xf32, #tpu.memory_space<hbm>> -> memref<1x12544xf32, #tpu.memory_space<hbm>>
        %dma_start3A_952 = tpu.memref_squeeze %dma_start3A_951 : memref<1x12544xf32, #tpu.memory_space<hbm>> -> memref<12544xf32, #tpu.memory_space<hbm>>
        %dma_start3A_953 = arith.constant 0 : i32
        %dma_start3A_954 = tpu.memref_slice %arg14[%dma_start3A_953] : memref<25088xf32, #tpu.memory_space<vmem>> -> memref<12544xf32, #tpu.memory_space<vmem>>
        tpu.enqueue_dma source(%dma_start3A_954 : memref<12544xf32, #tpu.memory_space<vmem>>) target(%dma_start3A_952 : memref<12544xf32, #tpu.memory_space<hbm>>) target_semaphore(%arg21 : memref<!tpu.dma_semaphore, #tpu.memory_space<semaphore_mem>>)
      } else {
      }
      %eq3A_843 = arith.constant 6 : i32
      %eq3A_844 = arith.cmpi eq, %sub3A_797, %eq3A_843 : i32
      %eq3A_845 = arith.constant 1 : i32
      %eq3A_846 = arith.cmpi eq, %and3A_799, %eq3A_845 : i32
      %and3A_847 = arith.andi %eq3A_844, %eq3A_846 : i1
      %convert_element_type3A_848 = arith.extui %and3A_847 : i1 to i32
      %cond3A_849 = arith.constant 0 : i32
      %cond3A_850 = arith.cmpi ne, %convert_element_type3A_848, %cond3A_849 : i32
      scf.if %cond3A_850 {
        %add3A_944 = arith.addi %mul3A_2, %select_n3A_794 : i32
        %dma_start3A_945 = arith.constant 12544 : i32
        %dma_start3A_946 = tpu.memref_slice %arg14[%dma_start3A_945] : memref<25088xf32, #tpu.memory_space<vmem>> -> memref<12544xf32, #tpu.memory_space<vmem>>
        %dma_start3A_947 = arith.constant 0 : i32
        %dma_start3A_948 = tpu.memref_slice %arg4[%add3A_944, %dma_start3A_947] : memref<512x12544xf32, #tpu.memory_space<hbm>> -> memref<1x12544xf32, #tpu.memory_space<hbm>>
        %dma_start3A_949 = tpu.memref_squeeze %dma_start3A_948 : memref<1x12544xf32, #tpu.memory_space<hbm>> -> memref<12544xf32, #tpu.memory_space<hbm>>
        %dma_start3A_950 = arith.constant 0 : i32
        %dma_start3A_951 = tpu.memref_slice %arg4[%add3A_944, %dma_start3A_950] : memref<512x12544xf32, #tpu.memory_space<hbm>> -> memref<1x12544xf32, #tpu.memory_space<hbm>>
        %dma_start3A_952 = tpu.memref_squeeze %dma_start3A_951 : memref<1x12544xf32, #tpu.memory_space<hbm>> -> memref<12544xf32, #tpu.memory_space<hbm>>
        %dma_start3A_953 = arith.constant 12544 : i32
        %dma_start3A_954 = tpu.memref_slice %arg14[%dma_start3A_953] : memref<25088xf32, #tpu.memory_space<vmem>> -> memref<12544xf32, #tpu.memory_space<vmem>>
        tpu.enqueue_dma source(%dma_start3A_954 : memref<12544xf32, #tpu.memory_space<vmem>>) target(%dma_start3A_952 : memref<12544xf32, #tpu.memory_space<hbm>>) target_semaphore(%arg22 : memref<!tpu.dma_semaphore, #tpu.memory_space<semaphore_mem>>)
      } else {
      }
      %lt3A = arith.constant 55 : i32
      %lt3A_851 = arith.cmpi slt, %scan3A_408, %lt3A : i32
      %convert_element_type3A_852 = arith.extui %lt3A_851 : i1 to i32
      %cond3A_853 = arith.constant 0 : i32
      %cond3A_854 = arith.cmpi ne, %convert_element_type3A_852, %cond3A_853 : i32
      scf.if %cond3A_854 {
        %add3A_944 = arith.constant 2 : i32
        %add3A_945 = arith.addi %mul3A_410, %add3A_944 : i32
        %jit3A_946 = arith.constant 7 : i32
        %div3A_947 = arith.divsi %add3A_945, %jit3A_946 : i32
        %sign3A_948 = arith.constant 0 : i32
        %sign3A_949 = arith.cmpi sgt, %add3A_945, %sign3A_948 : i32
        %sign3A_950 = arith.extui %sign3A_949 : i1 to i32
        %sign3A_951 = arith.constant 0 : i32
        %sign3A_952 = arith.cmpi slt, %add3A_945, %sign3A_951 : i32
        %sign3A_953 = arith.extui %sign3A_952 : i1 to i32
        %sign3A_954 = arith.subi %sign3A_950, %sign3A_953 : i32
        %sign3A_955 = arith.constant 0 : i32
        %sign3A_956 = arith.cmpi sgt, %jit3A_946, %sign3A_955 : i32
        %sign3A_957 = arith.extui %sign3A_956 : i1 to i32
        %sign3A_958 = arith.constant 0 : i32
        %sign3A_959 = arith.cmpi slt, %jit3A_946, %sign3A_958 : i32
        %sign3A_960 = arith.extui %sign3A_959 : i1 to i32
        %sign3A_961 = arith.subi %sign3A_957, %sign3A_960 : i32
        %ne3A_962 = arith.cmpi ne, %sign3A_954, %sign3A_961 : i32
        %rem3A_963 = arith.remsi %add3A_945, %jit3A_946 : i32
        %ne3A_964 = arith.constant 0 : i32
        %ne3A_965 = arith.cmpi ne, %rem3A_963, %ne3A_964 : i32
        %and3A_966 = arith.andi %ne3A_962, %ne3A_965 : i1
        %sub3A_967 = arith.constant 1 : i32
        %sub3A_968 = arith.subi %div3A_947, %sub3A_967 : i32
        %select_n3A_969 = arith.select %and3A_966, %sub3A_968, %div3A_947 : i32
        %mul3A_970 = arith.constant 7 : i32
        %mul3A_971 = arith.muli %select_n3A_969, %mul3A_970 : i32
        %sub3A_972 = arith.subi %add3A_945, %mul3A_971 : i32
        %get3A_973 = arith.index_cast %select_n3A_969 : i32 to index
        %get3A_974 = arith.constant 0 : index
        %get3A_975 = tpu.vector_load %arg5[%get3A_973, %get3A_974] {strides = array<i32>} : memref<16x16xf32, #tpu.memory_space<vmem>>, vector<16xf32>,
        %broadcast_in_dim3A_976 = arith.constant 0 : i32
        %broadcast_in_dim3A_977 = vector.broadcast %broadcast_in_dim3A_976 : i32 to vector<16xi32>
        %broadcast_in_dim3A_978 = vector.shape_cast %broadcast_in_dim3A_977 : vector<16xi32> to vector<16x1xi32>
        %gather3A_979 = vector.shape_cast %broadcast_in_dim3A_978 : vector<16x1xi32> to vector<16xi32>
        %gather3A_980 = tpu.dynamic_gather %get3A_975[%gather3A_979] in [0] : vector<16xf32>, vector<16xi32> -> vector<16xf32>
        %convert_element_type3A_981 = arith.fptosi %gather3A_980 : vector<16xf32> to vector<16xi32>
        %mul3A_982 = arith.constant 40000 : i32
        %mul3A_983 = vector.broadcast %mul3A_982 : i32 to vector<16xi32>
        %mul3A_984 = arith.muli %convert_element_type3A_981, %mul3A_983 : vector<16xi32>
        %broadcast_in_dim3A_985 = arith.constant 1 : i32
        %broadcast_in_dim3A_986 = vector.broadcast %broadcast_in_dim3A_985 : i32 to vector<16xi32>
        %broadcast_in_dim3A_987 = vector.shape_cast %broadcast_in_dim3A_986 : vector<16xi32> to vector<16x1xi32>
        %gather3A_988 = vector.shape_cast %broadcast_in_dim3A_987 : vector<16x1xi32> to vector<16xi32>
        %gather3A_989 = tpu.dynamic_gather %get3A_975[%gather3A_988] in [0] : vector<16xf32>, vector<16xi32> -> vector<16xf32>
        %mul3A_990 = arith.constant 2.500000e-01 : f32
        %mul3A_991 = vector.broadcast %mul3A_990 : f32 to vector<16xf32>
        %mul3A_992 = arith.mulf %gather3A_989, %mul3A_991 : vector<16xf32>
        %sub3A_993 = arith.constant 5.000000e-01 : f32
        %sub3A_994 = vector.broadcast %sub3A_993 : f32 to vector<16xf32>
        %sub3A_995 = arith.subf %mul3A_992, %sub3A_994 : vector<16xf32>
        %broadcast_in_dim3A_996 = arith.constant 2 : i32
        %broadcast_in_dim3A_997 = vector.broadcast %broadcast_in_dim3A_996 : i32 to vector<16xi32>
        %broadcast_in_dim3A_998 = vector.shape_cast %broadcast_in_dim3A_997 : vector<16xi32> to vector<16x1xi32>
        %gather3A_999 = vector.shape_cast %broadcast_in_dim3A_998 : vector<16x1xi32> to vector<16xi32>
        %gather3A_1000 = tpu.dynamic_gather %get3A_975[%gather3A_999] in [0] : vector<16xf32>, vector<16xi32> -> vector<16xf32>
        %mul3A_1001 = arith.constant 2.500000e-01 : f32
        %mul3A_1002 = vector.broadcast %mul3A_1001 : f32 to vector<16xf32>
        %mul3A_1003 = arith.mulf %gather3A_1000, %mul3A_1002 : vector<16xf32>
        %sub3A_1004 = arith.constant 5.000000e-01 : f32
        %sub3A_1005 = vector.broadcast %sub3A_1004 : f32 to vector<16xf32>
        %sub3A_1006 = arith.subf %mul3A_1003, %sub3A_1005 : vector<16xf32>
        %broadcast_in_dim3A_1007 = arith.constant 3 : i32
        %broadcast_in_dim3A_1008 = vector.broadcast %broadcast_in_dim3A_1007 : i32 to vector<16xi32>
        %broadcast_in_dim3A_1009 = vector.shape_cast %broadcast_in_dim3A_1008 : vector<16xi32> to vector<16x1xi32>
        %gather3A_1010 = vector.shape_cast %broadcast_in_dim3A_1009 : vector<16x1xi32> to vector<16xi32>
        %gather3A_1011 = tpu.dynamic_gather %get3A_975[%gather3A_1010] in [0] : vector<16xf32>, vector<16xi32> -> vector<16xf32>
        %mul3A_1012 = arith.constant 2.500000e-01 : f32
        %mul3A_1013 = vector.broadcast %mul3A_1012 : f32 to vector<16xf32>
        %mul3A_1014 = arith.mulf %gather3A_1011, %mul3A_1013 : vector<16xf32>
        %sub3A_1015 = arith.constant 5.000000e-01 : f32
        %sub3A_1016 = vector.broadcast %sub3A_1015 : f32 to vector<16xf32>
        %sub3A_1017 = arith.subf %mul3A_1014, %sub3A_1016 : vector<16xf32>
        %broadcast_in_dim3A_1018 = arith.constant 4 : i32
        %broadcast_in_dim3A_1019 = vector.broadcast %broadcast_in_dim3A_1018 : i32 to vector<16xi32>
        %broadcast_in_dim3A_1020 = vector.shape_cast %broadcast_in_dim3A_1019 : vector<16xi32> to vector<16x1xi32>
        %gather3A_1021 = vector.shape_cast %broadcast_in_dim3A_1020 : vector<16x1xi32> to vector<16xi32>
        %gather3A_1022 = tpu.dynamic_gather %get3A_975[%gather3A_1021] in [0] : vector<16xf32>, vector<16xi32> -> vector<16xf32>
        %mul3A_1023 = arith.constant 2.500000e-01 : f32
        %mul3A_1024 = vector.broadcast %mul3A_1023 : f32 to vector<16xf32>
        %mul3A_1025 = arith.mulf %gather3A_1022, %mul3A_1024 : vector<16xf32>
        %sub3A_1026 = arith.constant 5.000000e-01 : f32
        %sub3A_1027 = vector.broadcast %sub3A_1026 : f32 to vector<16xf32>
        %sub3A_1028 = arith.subf %mul3A_1025, %sub3A_1027 : vector<16xf32>
        %sub3A_1029 = arith.subf %sub3A_1028, %sub3A_1006 : vector<16xf32>
        %mul3A_1030 = arith.constant 0.142857149 : f32
        %mul3A_1031 = vector.broadcast %mul3A_1030 : f32 to vector<16xf32>
        %mul3A_1032 = arith.mulf %sub3A_1029, %mul3A_1031 : vector<16xf32>
        %sub3A_1033 = arith.subf %sub3A_1017, %sub3A_995 : vector<16xf32>
        %mul3A_1034 = arith.constant 0.142857149 : f32
        %mul3A_1035 = vector.broadcast %mul3A_1034 : f32 to vector<16xf32>
        %mul3A_1036 = arith.mulf %sub3A_1033, %mul3A_1035 : vector<16xf32>
        %mul3A_1037 = arith.mulf %add3A_40, %mul3A_1032 : vector<16xf32>
        %add3A_1038 = arith.addf %sub3A_1006, %mul3A_1037 : vector<16xf32>
        %ge3A_1039 = arith.constant -1.000000e+00 : f32
        %ge3A_1040 = vector.broadcast %ge3A_1039 : f32 to vector<16xf32>
        %ge3A_1041 = arith.cmpf oge, %add3A_1038, %ge3A_1040 : vector<16xf32>
        %le3A_1042 = arith.constant 2.000000e+02 : f32
        %le3A_1043 = vector.broadcast %le3A_1042 : f32 to vector<16xf32>
        %le3A_1044 = arith.cmpf ole, %add3A_1038, %le3A_1043 : vector<16xf32>
        %and3A_1045 = arith.andi %ge3A_1041, %le3A_1044 : vector<16xi1>
        %jit3A_1046 = arith.constant 5.000000e-01 : f32
        %jit3A_1047 = arith.constant 0.000000e+00 : f32
        %broadcast_in_dim3A_1048 = vector.broadcast %jit3A_1046 : f32 to vector<16xf32>
        %broadcast_in_dim3A_1049 = vector.broadcast %jit3A_1047 : f32 to vector<16xf32>
        %select_n3A_1050 = arith.select %and3A_1045, %broadcast_in_dim3A_1048, %broadcast_in_dim3A_1049 : vector<16xi1>, vector<16xf32>
        %jit3A_1051 = arith.constant 0.000000e+00 : f32
        %jit3A_1052 = arith.constant 1.990000e+02 : f32
        %max3A_1053 = vector.broadcast %jit3A_1051 : f32 to vector<16xf32>
        %max3A_1054 = arith.maximumf %max3A_1053, %add3A_1038 : vector<16xf32>
        %min3A_1055 = vector.broadcast %jit3A_1052 : f32 to vector<16xf32>
        %min3A_1056 = arith.minimumf %min3A_1055, %max3A_1054 : vector<16xf32>
        %convert_element_type3A_1057 = arith.fptosi %min3A_1056 : vector<16xf32> to vector<16xi32>
        %convert_element_type3A_1058 = arith.sitofp %convert_element_type3A_1057 : vector<16xi32> to vector<16xf32>
        %sub3A_1059 = arith.subf %min3A_1056, %convert_element_type3A_1058 : vector<16xf32>
        %mul3A_1060 = arith.constant 200 : i32
        %mul3A_1061 = vector.broadcast %mul3A_1060 : i32 to vector<16xi32>
        %mul3A_1062 = arith.muli %convert_element_type3A_1057, %mul3A_1061 : vector<16xi32>
        %add3A_1063 = arith.addi %mul3A_984, %mul3A_1062 : vector<16xi32>
        %add3A_1064 = arith.constant 1 : i32
        %add3A_1065 = vector.broadcast %add3A_1064 : i32 to vector<16xi32>
        %add3A_1066 = arith.addi %convert_element_type3A_1057, %add3A_1065 : vector<16xi32>
        %min3A_1067 = arith.constant 199 : i32
        %min3A_1068 = vector.broadcast %min3A_1067 : i32 to vector<16xi32>
        %min3A_1069 = arith.minsi %add3A_1066, %min3A_1068 : vector<16xi32>
        %mul3A_1070 = arith.constant 200 : i32
        %mul3A_1071 = vector.broadcast %mul3A_1070 : i32 to vector<16xi32>
        %mul3A_1072 = arith.muli %min3A_1069, %mul3A_1071 : vector<16xi32>
        %add3A_1073 = arith.addi %mul3A_984, %mul3A_1072 : vector<16xi32>
        %sub3A_1074 = arith.constant 1.000000e+00 : f32
        %sub3A_1075 = vector.broadcast %sub3A_1074 : f32 to vector<16xf32>
        %sub3A_1076 = arith.subf %sub3A_1075, %sub3A_1059 : vector<16xf32>
        %mul3A_1077 = arith.mulf %sub3A_1076, %select_n3A_1050 : vector<16xf32>
        %mul3A_1078 = arith.mulf %sub3A_1059, %select_n3A_1050 : vector<16xf32>
        %mul3A_1079 = arith.mulf %add3A_40, %mul3A_1036 : vector<16xf32>
        %add3A_1080 = arith.addf %sub3A_995, %mul3A_1079 : vector<16xf32>
        %ge3A_1081 = arith.constant -1.000000e+00 : f32
        %ge3A_1082 = vector.broadcast %ge3A_1081 : f32 to vector<16xf32>
        %ge3A_1083 = arith.cmpf oge, %add3A_1080, %ge3A_1082 : vector<16xf32>
        %le3A_1084 = arith.constant 2.000000e+02 : f32
        %le3A_1085 = vector.broadcast %le3A_1084 : f32 to vector<16xf32>
        %le3A_1086 = arith.cmpf ole, %add3A_1080, %le3A_1085 : vector<16xf32>
        %and3A_1087 = arith.andi %ge3A_1083, %le3A_1086 : vector<16xi1>
        %jit3A_1088 = arith.constant 5.000000e-01 : f32
        %jit3A_1089 = arith.constant 0.000000e+00 : f32
        %broadcast_in_dim3A_1090 = vector.broadcast %jit3A_1088 : f32 to vector<16xf32>
        %broadcast_in_dim3A_1091 = vector.broadcast %jit3A_1089 : f32 to vector<16xf32>
        %select_n3A_1092 = arith.select %and3A_1087, %broadcast_in_dim3A_1090, %broadcast_in_dim3A_1091 : vector<16xi1>, vector<16xf32>
        %jit3A_1093 = arith.constant 0.000000e+00 : f32
        %jit3A_1094 = arith.constant 1.990000e+02 : f32
        %max3A_1095 = vector.broadcast %jit3A_1093 : f32 to vector<16xf32>
        %max3A_1096 = arith.maximumf %max3A_1095, %add3A_1080 : vector<16xf32>
        %min3A_1097 = vector.broadcast %jit3A_1094 : f32 to vector<16xf32>
        %min3A_1098 = arith.minimumf %min3A_1097, %max3A_1096 : vector<16xf32>
        %convert_element_type3A_1099 = arith.fptosi %min3A_1098 : vector<16xf32> to vector<16xi32>
        %convert_element_type3A_1100 = arith.sitofp %convert_element_type3A_1099 : vector<16xi32> to vector<16xf32>
        %sub3A_1101 = arith.subf %min3A_1098, %convert_element_type3A_1100 : vector<16xf32>
        %add3A_1102 = arith.constant 1 : i32
        %add3A_1103 = vector.broadcast %add3A_1102 : i32 to vector<16xi32>
        %add3A_1104 = arith.addi %convert_element_type3A_1099, %add3A_1103 : vector<16xi32>
        %min3A_1105 = arith.constant 199 : i32
        %min3A_1106 = vector.broadcast %min3A_1105 : i32 to vector<16xi32>
        %min3A_1107 = arith.minsi %add3A_1104, %min3A_1106 : vector<16xi32>
        %sub3A_1108 = arith.constant 1.000000e+00 : f32
        %sub3A_1109 = vector.broadcast %sub3A_1108 : f32 to vector<16xf32>
        %sub3A_1110 = arith.subf %sub3A_1109, %sub3A_1101 : vector<16xf32>
        %mul3A_1111 = arith.mulf %sub3A_1110, %select_n3A_1092 : vector<16xf32>
        %mul3A_1112 = arith.mulf %sub3A_1101, %select_n3A_1092 : vector<16xf32>
        %mul3A_1113 = arith.constant 2 : i32
        %mul3A_1114 = arith.muli %mul3A_1113, %sub3A_972 : i32
        %add3A_1115 = vector.broadcast %mul3A_1114 : i32 to vector<16xi32>
        %add3A_1116 = arith.addi %add3A_1115, %and3A_6 : vector<16xi32>
        %broadcast_in_dim3A_1117 = vector.shape_cast %add3A_1116 : vector<16xi32> to vector<16x1xi32>
        %gather3A_1118 = vector.shape_cast %broadcast_in_dim3A_1117 : vector<16x1xi32> to vector<16xi32>
        %gather3A_1119 = tpu.dynamic_gather %add3A_1073[%gather3A_1118] in [0] : vector<16xi32>, vector<16xi32> -> vector<16xi32>
        %broadcast_in_dim3A_1120 = vector.shape_cast %add3A_1116 : vector<16xi32> to vector<16x1xi32>
        %gather3A_1121 = vector.shape_cast %broadcast_in_dim3A_1120 : vector<16x1xi32> to vector<16xi32>
        %gather3A_1122 = tpu.dynamic_gather %add3A_1063[%gather3A_1121] in [0] : vector<16xi32>, vector<16xi32> -> vector<16xi32>
        %select_n3A_1123 = arith.select %eq3A_20, %gather3A_1119, %gather3A_1122 : vector<16xi1>, vector<16xi32>
        %broadcast_in_dim3A_1124 = vector.shape_cast %add3A_1116 : vector<16xi32> to vector<16x1xi32>
        %gather3A_1125 = vector.shape_cast %broadcast_in_dim3A_1124 : vector<16x1xi32> to vector<16xi32>
        %gather3A_1126 = tpu.dynamic_gather %mul3A_1078[%gather3A_1125] in [0] : vector<16xf32>, vector<16xi32> -> vector<16xf32>
        %broadcast_in_dim3A_1127 = vector.shape_cast %add3A_1116 : vector<16xi32> to vector<16x1xi32>
        %gather3A_1128 = vector.shape_cast %broadcast_in_dim3A_1127 : vector<16x1xi32> to vector<16xi32>
        %gather3A_1129 = tpu.dynamic_gather %mul3A_1077[%gather3A_1128] in [0] : vector<16xf32>, vector<16xi32> -> vector<16xf32>
        %select_n3A_1130 = arith.select %eq3A_20, %gather3A_1126, %gather3A_1129 : vector<16xi1>, vector<16xf32>
        %add3A_1131 = arith.constant 0 : i32
        %add3A_1132 = vector.broadcast %add3A_1131 : i32 to vector<16xi32>
        %add3A_1133 = arith.addi %add3A_1132, %and3A_12 : vector<16xi32>
        %broadcast_in_dim3A_1134 = vector.shape_cast %add3A_1133 : vector<16xi32> to vector<16x1xi32>
        %gather3A_1135 = vector.shape_cast %broadcast_in_dim3A_1134 : vector<16x1xi32> to vector<16xi32>
        %gather3A_1136 = tpu.dynamic_gather %min3A_1107[%gather3A_1135] in [0] : vector<16xi32>, vector<16xi32> -> vector<16xi32>
        %broadcast_in_dim3A_1137 = vector.shape_cast %add3A_1133 : vector<16xi32> to vector<16x1xi32>
        %gather3A_1138 = vector.shape_cast %broadcast_in_dim3A_1137 : vector<16x1xi32> to vector<16xi32>
        %gather3A_1139 = tpu.dynamic_gather %convert_element_type3A_1099[%gather3A_1138] in [0] : vector<16xi32>, vector<16xi32> -> vector<16xi32>
        %select_n3A_1140 = arith.select %eq3A_26, %gather3A_1136, %gather3A_1139 : vector<16xi1>, vector<16xi32>
        %broadcast_in_dim3A_1141 = vector.shape_cast %add3A_1133 : vector<16xi32> to vector<16x1xi32>
        %gather3A_1142 = vector.shape_cast %broadcast_in_dim3A_1141 : vector<16x1xi32> to vector<16xi32>
        %gather3A_1143 = tpu.dynamic_gather %mul3A_1112[%gather3A_1142] in [0] : vector<16xf32>, vector<16xi32> -> vector<16xf32>
        %broadcast_in_dim3A_1144 = vector.shape_cast %add3A_1133 : vector<16xi32> to vector<16x1xi32>
        %gather3A_1145 = vector.shape_cast %broadcast_in_dim3A_1144 : vector<16x1xi32> to vector<16xi32>
        %gather3A_1146 = tpu.dynamic_gather %mul3A_1111[%gather3A_1145] in [0] : vector<16xf32>, vector<16xi32> -> vector<16xf32>
        %select_n3A_1147 = arith.select %eq3A_26, %gather3A_1143, %gather3A_1146 : vector<16xi1>, vector<16xf32>
        %add3A_1148 = arith.addi %select_n3A_1123, %select_n3A_1140 : vector<16xi32>
        %swap3A_1149 = arith.constant 0 : index
        %swap3A_1150 = tpu.vector_load %arg6[%swap3A_1149] {strides = array<i32>} : memref<64xi32, #tpu.memory_space<vmem>>, vector<16xi32>,
        tpu.vector_store %arg6[%swap3A_1149], %add3A_1148 {strides = array<i32>} : memref<64xi32, #tpu.memory_space<vmem>>, vector<16xi32>,
        %mul3A_1151 = arith.mulf %select_n3A_1130, %select_n3A_1147 : vector<16xf32>
        %swap3A_1152 = arith.constant 0 : index
        %swap3A_1153 = tpu.vector_load %arg15[%swap3A_1152] {strides = array<i32>} : memref<112xf32, #tpu.memory_space<vmem>>, vector<16xf32>,
        tpu.vector_store %arg15[%swap3A_1152], %mul3A_1151 {strides = array<i32>} : memref<112xf32, #tpu.memory_space<vmem>>, vector<16xf32>,
        %add3A_1154 = arith.constant 2 : i32
        %add3A_1155 = vector.broadcast %add3A_1154 : i32 to vector<16xi32>
        %add3A_1156 = arith.addi %add3A_1155, %and3A_12 : vector<16xi32>
        %broadcast_in_dim3A_1157 = vector.shape_cast %add3A_1156 : vector<16xi32> to vector<16x1xi32>
        %gather3A_1158 = vector.shape_cast %broadcast_in_dim3A_1157 : vector<16x1xi32> to vector<16xi32>
        %gather3A_1159 = tpu.dynamic_gather %min3A_1107[%gather3A_1158] in [0] : vector<16xi32>, vector<16xi32> -> vector<16xi32>
        %broadcast_in_dim3A_1160 = vector.shape_cast %add3A_1156 : vector<16xi32> to vector<16x1xi32>
        %gather3A_1161 = vector.shape_cast %broadcast_in_dim3A_1160 : vector<16x1xi32> to vector<16xi32>
        %gather3A_1162 = tpu.dynamic_gather %convert_element_type3A_1099[%gather3A_1161] in [0] : vector<16xi32>, vector<16xi32> -> vector<16xi32>
        %select_n3A_1163 = arith.select %eq3A_26, %gather3A_1159, %gather3A_1162 : vector<16xi1>, vector<16xi32>
        %broadcast_in_dim3A_1164 = vector.shape_cast %add3A_1156 : vector<16xi32> to vector<16x1xi32>
        %gather3A_1165 = vector.shape_cast %broadcast_in_dim3A_1164 : vector<16x1xi32> to vector<16xi32>
        %gather3A_1166 = tpu.dynamic_gather %mul3A_1112[%gather3A_1165] in [0] : vector<16xf32>, vector<16xi32> -> vector<16xf32>
        %broadcast_in_dim3A_1167 = vector.shape_cast %add3A_1156 : vector<16xi32> to vector<16x1xi32>
        %gather3A_1168 = vector.shape_cast %broadcast_in_dim3A_1167 : vector<16x1xi32> to vector<16xi32>
        %gather3A_1169 = tpu.dynamic_gather %mul3A_1111[%gather3A_1168] in [0] : vector<16xf32>, vector<16xi32> -> vector<16xf32>
        %select_n3A_1170 = arith.select %eq3A_26, %gather3A_1166, %gather3A_1169 : vector<16xi1>, vector<16xf32>
        %add3A_1171 = arith.addi %select_n3A_1123, %select_n3A_1163 : vector<16xi32>
        %swap3A_1172 = arith.constant 16 : index
        %swap3A_1173 = tpu.vector_load %arg6[%swap3A_1172] {strides = array<i32>} : memref<64xi32, #tpu.memory_space<vmem>>, vector<16xi32>,
        tpu.vector_store %arg6[%swap3A_1172], %add3A_1171 {strides = array<i32>} : memref<64xi32, #tpu.memory_space<vmem>>, vector<16xi32>,
        %mul3A_1174 = arith.mulf %select_n3A_1130, %select_n3A_1170 : vector<16xf32>
        %swap3A_1175 = arith.constant 16 : index
        %swap3A_1176 = tpu.vector_load %arg15[%swap3A_1175] {strides = array<i32>} : memref<112xf32, #tpu.memory_space<vmem>>, vector<16xf32>,
        tpu.vector_store %arg15[%swap3A_1175], %mul3A_1174 {strides = array<i32>} : memref<112xf32, #tpu.memory_space<vmem>>, vector<16xf32>,
        %add3A_1177 = arith.constant 4 : i32
        %add3A_1178 = vector.broadcast %add3A_1177 : i32 to vector<16xi32>
        %add3A_1179 = arith.addi %add3A_1178, %and3A_12 : vector<16xi32>
        %broadcast_in_dim3A_1180 = vector.shape_cast %add3A_1179 : vector<16xi32> to vector<16x1xi32>
        %gather3A_1181 = vector.shape_cast %broadcast_in_dim3A_1180 : vector<16x1xi32> to vector<16xi32>
        %gather3A_1182 = tpu.dynamic_gather %min3A_1107[%gather3A_1181] in [0] : vector<16xi32>, vector<16xi32> -> vector<16xi32>
        %broadcast_in_dim3A_1183 = vector.shape_cast %add3A_1179 : vector<16xi32> to vector<16x1xi32>
        %gather3A_1184 = vector.shape_cast %broadcast_in_dim3A_1183 : vector<16x1xi32> to vector<16xi32>
        %gather3A_1185 = tpu.dynamic_gather %convert_element_type3A_1099[%gather3A_1184] in [0] : vector<16xi32>, vector<16xi32> -> vector<16xi32>
        %select_n3A_1186 = arith.select %eq3A_26, %gather3A_1182, %gather3A_1185 : vector<16xi1>, vector<16xi32>
        %broadcast_in_dim3A_1187 = vector.shape_cast %add3A_1179 : vector<16xi32> to vector<16x1xi32>
        %gather3A_1188 = vector.shape_cast %broadcast_in_dim3A_1187 : vector<16x1xi32> to vector<16xi32>
        %gather3A_1189 = tpu.dynamic_gather %mul3A_1112[%gather3A_1188] in [0] : vector<16xf32>, vector<16xi32> -> vector<16xf32>
        %broadcast_in_dim3A_1190 = vector.shape_cast %add3A_1179 : vector<16xi32> to vector<16x1xi32>
        %gather3A_1191 = vector.shape_cast %broadcast_in_dim3A_1190 : vector<16x1xi32> to vector<16xi32>
        %gather3A_1192 = tpu.dynamic_gather %mul3A_1111[%gather3A_1191] in [0] : vector<16xf32>, vector<16xi32> -> vector<16xf32>
        %select_n3A_1193 = arith.select %eq3A_26, %gather3A_1189, %gather3A_1192 : vector<16xi1>, vector<16xf32>
        %add3A_1194 = arith.addi %select_n3A_1123, %select_n3A_1186 : vector<16xi32>
        %swap3A_1195 = arith.constant 32 : index
        %swap3A_1196 = tpu.vector_load %arg6[%swap3A_1195] {strides = array<i32>} : memref<64xi32, #tpu.memory_space<vmem>>, vector<16xi32>,
        tpu.vector_store %arg6[%swap3A_1195], %add3A_1194 {strides = array<i32>} : memref<64xi32, #tpu.memory_space<vmem>>, vector<16xi32>,
        %mul3A_1197 = arith.mulf %select_n3A_1130, %select_n3A_1193 : vector<16xf32>
        %swap3A_1198 = arith.constant 32 : index
        %swap3A_1199 = tpu.vector_load %arg15[%swap3A_1198] {strides = array<i32>} : memref<112xf32, #tpu.memory_space<vmem>>, vector<16xf32>,
        tpu.vector_store %arg15[%swap3A_1198], %mul3A_1197 {strides = array<i32>} : memref<112xf32, #tpu.memory_space<vmem>>, vector<16xf32>,
        %add3A_1200 = arith.constant 6 : i32
        %add3A_1201 = vector.broadcast %add3A_1200 : i32 to vector<16xi32>
        %add3A_1202 = arith.addi %add3A_1201, %and3A_12 : vector<16xi32>
        %broadcast_in_dim3A_1203 = vector.shape_cast %add3A_1202 : vector<16xi32> to vector<16x1xi32>
        %gather3A_1204 = vector.shape_cast %broadcast_in_dim3A_1203 : vector<16x1xi32> to vector<16xi32>
        %gather3A_1205 = tpu.dynamic_gather %min3A_1107[%gather3A_1204] in [0] : vector<16xi32>, vector<16xi32> -> vector<16xi32>
        %broadcast_in_dim3A_1206 = vector.shape_cast %add3A_1202 : vector<16xi32> to vector<16x1xi32>
        %gather3A_1207 = vector.shape_cast %broadcast_in_dim3A_1206 : vector<16x1xi32> to vector<16xi32>
        %gather3A_1208 = tpu.dynamic_gather %convert_element_type3A_1099[%gather3A_1207] in [0] : vector<16xi32>, vector<16xi32> -> vector<16xi32>
        %select_n3A_1209 = arith.select %eq3A_26, %gather3A_1205, %gather3A_1208 : vector<16xi1>, vector<16xi32>
        %broadcast_in_dim3A_1210 = vector.shape_cast %add3A_1202 : vector<16xi32> to vector<16x1xi32>
        %gather3A_1211 = vector.shape_cast %broadcast_in_dim3A_1210 : vector<16x1xi32> to vector<16xi32>
        %gather3A_1212 = tpu.dynamic_gather %mul3A_1112[%gather3A_1211] in [0] : vector<16xf32>, vector<16xi32> -> vector<16xf32>
        %broadcast_in_dim3A_1213 = vector.shape_cast %add3A_1202 : vector<16xi32> to vector<16x1xi32>
        %gather3A_1214 = vector.shape_cast %broadcast_in_dim3A_1213 : vector<16x1xi32> to vector<16xi32>
        %gather3A_1215 = tpu.dynamic_gather %mul3A_1111[%gather3A_1214] in [0] : vector<16xf32>, vector<16xi32> -> vector<16xf32>
        %select_n3A_1216 = arith.select %eq3A_26, %gather3A_1212, %gather3A_1215 : vector<16xi1>, vector<16xf32>
        %add3A_1217 = arith.addi %select_n3A_1123, %select_n3A_1209 : vector<16xi32>
        %swap3A_1218 = arith.constant 48 : index
        %swap3A_1219 = tpu.vector_load %arg6[%swap3A_1218] {strides = array<i32>} : memref<64xi32, #tpu.memory_space<vmem>>, vector<16xi32>,
        tpu.vector_store %arg6[%swap3A_1218], %add3A_1217 {strides = array<i32>} : memref<64xi32, #tpu.memory_space<vmem>>, vector<16xi32>,
        %mul3A_1220 = arith.mulf %select_n3A_1130, %select_n3A_1216 : vector<16xf32>
        %swap3A_1221 = arith.constant 48 : index
        %swap3A_1222 = tpu.vector_load %arg15[%swap3A_1221] {strides = array<i32>} : memref<112xf32, #tpu.memory_space<vmem>>, vector<16xf32>,
        tpu.vector_store %arg15[%swap3A_1221], %mul3A_1220 {strides = array<i32>} : memref<112xf32, #tpu.memory_space<vmem>>, vector<16xf32>,
        %add3A_1223 = arith.constant 8 : i32
        %add3A_1224 = vector.broadcast %add3A_1223 : i32 to vector<16xi32>
        %add3A_1225 = arith.addi %add3A_1224, %and3A_12 : vector<16xi32>
        %broadcast_in_dim3A_1226 = vector.shape_cast %add3A_1225 : vector<16xi32> to vector<16x1xi32>
        %gather3A_1227 = vector.shape_cast %broadcast_in_dim3A_1226 : vector<16x1xi32> to vector<16xi32>
        %gather3A_1228 = tpu.dynamic_gather %min3A_1107[%gather3A_1227] in [0] : vector<16xi32>, vector<16xi32> -> vector<16xi32>
        %broadcast_in_dim3A_1229 = vector.shape_cast %add3A_1225 : vector<16xi32> to vector<16x1xi32>
        %gather3A_1230 = vector.shape_cast %broadcast_in_dim3A_1229 : vector<16x1xi32> to vector<16xi32>
        %gather3A_1231 = tpu.dynamic_gather %convert_element_type3A_1099[%gather3A_1230] in [0] : vector<16xi32>, vector<16xi32> -> vector<16xi32>
        %select_n3A_1232 = arith.select %eq3A_26, %gather3A_1228, %gather3A_1231 : vector<16xi1>, vector<16xi32>
        %broadcast_in_dim3A_1233 = vector.shape_cast %add3A_1225 : vector<16xi32> to vector<16x1xi32>
        %gather3A_1234 = vector.shape_cast %broadcast_in_dim3A_1233 : vector<16x1xi32> to vector<16xi32>
        %gather3A_1235 = tpu.dynamic_gather %mul3A_1112[%gather3A_1234] in [0] : vector<16xf32>, vector<16xi32> -> vector<16xf32>
        %broadcast_in_dim3A_1236 = vector.shape_cast %add3A_1225 : vector<16xi32> to vector<16x1xi32>
        %gather3A_1237 = vector.shape_cast %broadcast_in_dim3A_1236 : vector<16x1xi32> to vector<16xi32>
        %gather3A_1238 = tpu.dynamic_gather %mul3A_1111[%gather3A_1237] in [0] : vector<16xf32>, vector<16xi32> -> vector<16xf32>
        %select_n3A_1239 = arith.select %eq3A_26, %gather3A_1235, %gather3A_1238 : vector<16xi1>, vector<16xf32>
        %add3A_1240 = arith.addi %select_n3A_1123, %select_n3A_1232 : vector<16xi32>
        %swap3A_1241 = arith.constant 0 : index
        %swap3A_1242 = tpu.vector_load %arg7[%swap3A_1241] {strides = array<i32>} : memref<48xi32, #tpu.memory_space<vmem>>, vector<16xi32>,
        tpu.vector_store %arg7[%swap3A_1241], %add3A_1240 {strides = array<i32>} : memref<48xi32, #tpu.memory_space<vmem>>, vector<16xi32>,
        %mul3A_1243 = arith.mulf %select_n3A_1130, %select_n3A_1239 : vector<16xf32>
        %swap3A_1244 = arith.constant 64 : index
        %swap3A_1245 = tpu.vector_load %arg15[%swap3A_1244] {strides = array<i32>} : memref<112xf32, #tpu.memory_space<vmem>>, vector<16xf32>,
        tpu.vector_store %arg15[%swap3A_1244], %mul3A_1243 {strides = array<i32>} : memref<112xf32, #tpu.memory_space<vmem>>, vector<16xf32>,
        %add3A_1246 = arith.constant 10 : i32
        %add3A_1247 = vector.broadcast %add3A_1246 : i32 to vector<16xi32>
        %add3A_1248 = arith.addi %add3A_1247, %and3A_12 : vector<16xi32>
        %broadcast_in_dim3A_1249 = vector.shape_cast %add3A_1248 : vector<16xi32> to vector<16x1xi32>
        %gather3A_1250 = vector.shape_cast %broadcast_in_dim3A_1249 : vector<16x1xi32> to vector<16xi32>
        %gather3A_1251 = tpu.dynamic_gather %min3A_1107[%gather3A_1250] in [0] : vector<16xi32>, vector<16xi32> -> vector<16xi32>
        %broadcast_in_dim3A_1252 = vector.shape_cast %add3A_1248 : vector<16xi32> to vector<16x1xi32>
        %gather3A_1253 = vector.shape_cast %broadcast_in_dim3A_1252 : vector<16x1xi32> to vector<16xi32>
        %gather3A_1254 = tpu.dynamic_gather %convert_element_type3A_1099[%gather3A_1253] in [0] : vector<16xi32>, vector<16xi32> -> vector<16xi32>
        %select_n3A_1255 = arith.select %eq3A_26, %gather3A_1251, %gather3A_1254 : vector<16xi1>, vector<16xi32>
        %broadcast_in_dim3A_1256 = vector.shape_cast %add3A_1248 : vector<16xi32> to vector<16x1xi32>
        %gather3A_1257 = vector.shape_cast %broadcast_in_dim3A_1256 : vector<16x1xi32> to vector<16xi32>
        %gather3A_1258 = tpu.dynamic_gather %mul3A_1112[%gather3A_1257] in [0] : vector<16xf32>, vector<16xi32> -> vector<16xf32>
        %broadcast_in_dim3A_1259 = vector.shape_cast %add3A_1248 : vector<16xi32> to vector<16x1xi32>
        %gather3A_1260 = vector.shape_cast %broadcast_in_dim3A_1259 : vector<16x1xi32> to vector<16xi32>
        %gather3A_1261 = tpu.dynamic_gather %mul3A_1111[%gather3A_1260] in [0] : vector<16xf32>, vector<16xi32> -> vector<16xf32>
        %select_n3A_1262 = arith.select %eq3A_26, %gather3A_1258, %gather3A_1261 : vector<16xi1>, vector<16xf32>
        %add3A_1263 = arith.addi %select_n3A_1123, %select_n3A_1255 : vector<16xi32>
        %swap3A_1264 = arith.constant 16 : index
        %swap3A_1265 = tpu.vector_load %arg7[%swap3A_1264] {strides = array<i32>} : memref<48xi32, #tpu.memory_space<vmem>>, vector<16xi32>,
        tpu.vector_store %arg7[%swap3A_1264], %add3A_1263 {strides = array<i32>} : memref<48xi32, #tpu.memory_space<vmem>>, vector<16xi32>,
        %mul3A_1266 = arith.mulf %select_n3A_1130, %select_n3A_1262 : vector<16xf32>
        %swap3A_1267 = arith.constant 80 : index
        %swap3A_1268 = tpu.vector_load %arg15[%swap3A_1267] {strides = array<i32>} : memref<112xf32, #tpu.memory_space<vmem>>, vector<16xf32>,
        tpu.vector_store %arg15[%swap3A_1267], %mul3A_1266 {strides = array<i32>} : memref<112xf32, #tpu.memory_space<vmem>>, vector<16xf32>,
        %add3A_1269 = arith.constant 12 : i32
        %add3A_1270 = vector.broadcast %add3A_1269 : i32 to vector<16xi32>
        %add3A_1271 = arith.addi %add3A_1270, %and3A_12 : vector<16xi32>
        %broadcast_in_dim3A_1272 = vector.shape_cast %add3A_1271 : vector<16xi32> to vector<16x1xi32>
        %gather3A_1273 = vector.shape_cast %broadcast_in_dim3A_1272 : vector<16x1xi32> to vector<16xi32>
        %gather3A_1274 = tpu.dynamic_gather %min3A_1107[%gather3A_1273] in [0] : vector<16xi32>, vector<16xi32> -> vector<16xi32>
        %broadcast_in_dim3A_1275 = vector.shape_cast %add3A_1271 : vector<16xi32> to vector<16x1xi32>
        %gather3A_1276 = vector.shape_cast %broadcast_in_dim3A_1275 : vector<16x1xi32> to vector<16xi32>
        %gather3A_1277 = tpu.dynamic_gather %convert_element_type3A_1099[%gather3A_1276] in [0] : vector<16xi32>, vector<16xi32> -> vector<16xi32>
        %select_n3A_1278 = arith.select %eq3A_26, %gather3A_1274, %gather3A_1277 : vector<16xi1>, vector<16xi32>
        %broadcast_in_dim3A_1279 = vector.shape_cast %add3A_1271 : vector<16xi32> to vector<16x1xi32>
        %gather3A_1280 = vector.shape_cast %broadcast_in_dim3A_1279 : vector<16x1xi32> to vector<16xi32>
        %gather3A_1281 = tpu.dynamic_gather %mul3A_1112[%gather3A_1280] in [0] : vector<16xf32>, vector<16xi32> -> vector<16xf32>
        %broadcast_in_dim3A_1282 = vector.shape_cast %add3A_1271 : vector<16xi32> to vector<16x1xi32>
        %gather3A_1283 = vector.shape_cast %broadcast_in_dim3A_1282 : vector<16x1xi32> to vector<16xi32>
        %gather3A_1284 = tpu.dynamic_gather %mul3A_1111[%gather3A_1283] in [0] : vector<16xf32>, vector<16xi32> -> vector<16xf32>
        %select_n3A_1285 = arith.select %eq3A_26, %gather3A_1281, %gather3A_1284 : vector<16xi1>, vector<16xf32>
        %add3A_1286 = arith.addi %select_n3A_1123, %select_n3A_1278 : vector<16xi32>
        %swap3A_1287 = arith.constant 32 : index
        %swap3A_1288 = tpu.vector_load %arg7[%swap3A_1287] {strides = array<i32>} : memref<48xi32, #tpu.memory_space<vmem>>, vector<16xi32>,
        tpu.vector_store %arg7[%swap3A_1287], %add3A_1286 {strides = array<i32>} : memref<48xi32, #tpu.memory_space<vmem>>, vector<16xi32>,
        %mul3A_1289 = arith.mulf %select_n3A_1130, %select_n3A_1285 : vector<16xf32>
        %swap3A_1290 = arith.constant 96 : index
        %swap3A_1291 = tpu.vector_load %arg15[%swap3A_1290] {strides = array<i32>} : memref<112xf32, #tpu.memory_space<vmem>>, vector<16xf32>,
        tpu.vector_store %arg15[%swap3A_1290], %mul3A_1289 {strides = array<i32>} : memref<112xf32, #tpu.memory_space<vmem>>, vector<16xf32>,
        %dma_start3A_1292 = arith.constant 0 : i32
        %dma_start3A_1293 = arith.constant 0 : i32
        %dma_start3A_1294 = tpu.memref_slice %arg2[%dma_start3A_1292, %dma_start3A_1293] : memref<80000x256xbf16, #tpu.memory_space<hbm>> -> memref<80000x256xbf16, #tpu.memory_space<hbm>>
        tpu.enqueue_indirect_dma source(%dma_start3A_1294 : memref<80000x256xbf16, #tpu.memory_space<hbm>>) target(%arg10 : memref<64x256xbf16, #tpu.memory_space<vmem>>) offsets(%arg6 : memref<64xi32, #tpu.memory_space<vmem>>) semaphore(%arg17 : memref<!tpu.dma_semaphore, #tpu.memory_space<semaphore_mem>>)
        %dma_start3A_1295 = arith.constant 0 : i32
        %dma_start3A_1296 = arith.constant 0 : i32
        %dma_start3A_1297 = tpu.memref_slice %arg2[%dma_start3A_1295, %dma_start3A_1296] : memref<80000x256xbf16, #tpu.memory_space<hbm>> -> memref<80000x256xbf16, #tpu.memory_space<hbm>>
        tpu.enqueue_indirect_dma source(%dma_start3A_1297 : memref<80000x256xbf16, #tpu.memory_space<hbm>>) target(%arg11 : memref<48x256xbf16, #tpu.memory_space<vmem>>) offsets(%arg7 : memref<48xi32, #tpu.memory_space<vmem>>) semaphore(%arg18 : memref<!tpu.dma_semaphore, #tpu.memory_space<semaphore_mem>>)
      } else {
      }
      %dma_wait3A_855 = arith.constant 0 : i32
      %dma_wait3A_856 = arith.constant 0 : i32
      %dma_wait3A_857 = tpu.memref_slice %arg2[%dma_wait3A_855, %dma_wait3A_856] : memref<80000x256xbf16, #tpu.memory_space<hbm>> -> memref<80000x256xbf16, #tpu.memory_space<hbm>>
      tpu.wait_indirect_dma semaphore(%arg19 : memref<!tpu.dma_semaphore, #tpu.memory_space<semaphore_mem>>) src(%dma_wait3A_857 : memref<80000x256xbf16, #tpu.memory_space<hbm>>) dst(%arg12 : memref<64x256xbf16, #tpu.memory_space<vmem>>)
      %dma_wait3A_858 = arith.constant 0 : i32
      %dma_wait3A_859 = arith.constant 0 : i32
      %dma_wait3A_860 = tpu.memref_slice %arg2[%dma_wait3A_858, %dma_wait3A_859] : memref<80000x256xbf16, #tpu.memory_space<hbm>> -> memref<80000x256xbf16, #tpu.memory_space<hbm>>
      tpu.wait_indirect_dma semaphore(%arg20 : memref<!tpu.dma_semaphore, #tpu.memory_space<semaphore_mem>>) src(%dma_wait3A_860 : memref<80000x256xbf16, #tpu.memory_space<hbm>>) dst(%arg13 : memref<48x256xbf16, #tpu.memory_space<vmem>>)
      %add3A_861 = arith.constant 1 : i32
      %add3A_862 = arith.addi %mul3A_410, %add3A_861 : i32
      %jit3A_863 = arith.constant 7 : i32
      %div3A_864 = arith.divsi %add3A_862, %jit3A_863 : i32
      %sign3A_865 = arith.constant 0 : i32
      %sign3A_866 = arith.cmpi sgt, %add3A_862, %sign3A_865 : i32
      %sign3A_867 = arith.extui %sign3A_866 : i1 to i32
      %sign3A_868 = arith.constant 0 : i32
      %sign3A_869 = arith.cmpi slt, %add3A_862, %sign3A_868 : i32
      %sign3A_870 = arith.extui %sign3A_869 : i1 to i32
      %sign3A_871 = arith.subi %sign3A_867, %sign3A_870 : i32
      %sign3A_872 = arith.constant 0 : i32
      %sign3A_873 = arith.cmpi sgt, %jit3A_863, %sign3A_872 : i32
      %sign3A_874 = arith.extui %sign3A_873 : i1 to i32
      %sign3A_875 = arith.constant 0 : i32
      %sign3A_876 = arith.cmpi slt, %jit3A_863, %sign3A_875 : i32
      %sign3A_877 = arith.extui %sign3A_876 : i1 to i32
      %sign3A_878 = arith.subi %sign3A_874, %sign3A_877 : i32
      %ne3A_879 = arith.cmpi ne, %sign3A_871, %sign3A_878 : i32
      %rem3A_880 = arith.remsi %add3A_862, %jit3A_863 : i32
      %ne3A_881 = arith.constant 0 : i32
      %ne3A_882 = arith.cmpi ne, %rem3A_880, %ne3A_881 : i32
      %and3A_883 = arith.andi %ne3A_879, %ne3A_882 : i1
      %sub3A_884 = arith.constant 1 : i32
      %sub3A_885 = arith.subi %div3A_864, %sub3A_884 : i32
      %select_n3A_886 = arith.select %and3A_883, %sub3A_885, %div3A_864 : i32
      %mul3A_887 = arith.constant 7 : i32
      %mul3A_888 = arith.muli %select_n3A_886, %mul3A_887 : i32
      %sub3A_889 = arith.subi %add3A_862, %mul3A_888 : i32
      %and3A_890 = arith.constant 1 : i32
      %and3A_891 = arith.andi %select_n3A_886, %and3A_890 : i32
      %mul3A_892 = arith.constant 12544 : i32
      %mul3A_893 = arith.muli %and3A_891, %mul3A_892 : i32
      %eq3A_894 = arith.constant 0 : i32
      %eq3A_895 = arith.cmpi eq, %sub3A_889, %eq3A_894 : i32
      %ge3A_896 = arith.constant 2 : i32
      %ge3A_897 = arith.cmpi sge, %select_n3A_886, %ge3A_896 : i32
      %and3A_898 = arith.andi %eq3A_895, %ge3A_897 : i1
      %eq3A_899 = arith.constant 0 : i32
      %eq3A_900 = arith.cmpi eq, %and3A_891, %eq3A_899 : i32
      %and3A_901 = arith.andi %and3A_898, %eq3A_900 : i1
      %convert_element_type3A_902 = arith.extui %and3A_901 : i1 to i32
      %cond3A_903 = arith.constant 0 : i32
      %cond3A_904 = arith.cmpi ne, %convert_element_type3A_902, %cond3A_903 : i32
      scf.if %cond3A_904 {
        %dma_wait3A_944 = arith.constant 0 : i32
        %dma_wait3A_945 = arith.constant 0 : i32
        %dma_wait3A_946 = tpu.memref_slice %arg14[%dma_wait3A_945] : memref<25088xf32, #tpu.memory_space<vmem>> -> memref<12544xf32, #tpu.memory_space<vmem>>
        %dma_wait3A_947 = arith.constant 0 : i32
        %dma_wait3A_948 = tpu.memref_slice %arg4[%dma_wait3A_944, %dma_wait3A_947] : memref<512x12544xf32, #tpu.memory_space<hbm>> -> memref<1x12544xf32, #tpu.memory_space<hbm>>
        %dma_wait3A_949 = tpu.memref_squeeze %dma_wait3A_948 : memref<1x12544xf32, #tpu.memory_space<hbm>> -> memref<12544xf32, #tpu.memory_space<hbm>>
        %dma_wait3A_950 = arith.constant 0 : i32
        %dma_wait3A_951 = tpu.memref_slice %arg4[%dma_wait3A_944, %dma_wait3A_950] : memref<512x12544xf32, #tpu.memory_space<hbm>> -> memref<1x12544xf32, #tpu.memory_space<hbm>>
        %dma_wait3A_952 = tpu.memref_squeeze %dma_wait3A_951 : memref<1x12544xf32, #tpu.memory_space<hbm>> -> memref<12544xf32, #tpu.memory_space<hbm>>
        %dma_wait3A_953 = arith.constant 0 : i32
        %dma_wait3A_954 = tpu.memref_slice %arg14[%dma_wait3A_953] : memref<25088xf32, #tpu.memory_space<vmem>> -> memref<12544xf32, #tpu.memory_space<vmem>>
        tpu.wait_dma2 semaphore(%arg21 : memref<!tpu.dma_semaphore, #tpu.memory_space<semaphore_mem>>) src(%dma_wait3A_954 : memref<12544xf32, #tpu.memory_space<vmem>>) dst(%dma_wait3A_952 : memref<12544xf32, #tpu.memory_space<hbm>>)
      } else {
      }
      %eq3A_905 = arith.constant 0 : i32
      %eq3A_906 = arith.cmpi eq, %sub3A_889, %eq3A_905 : i32
      %ge3A_907 = arith.constant 2 : i32
      %ge3A_908 = arith.cmpi sge, %select_n3A_886, %ge3A_907 : i32
      %and3A_909 = arith.andi %eq3A_906, %ge3A_908 : i1
      %eq3A_910 = arith.constant 1 : i32
      %eq3A_911 = arith.cmpi eq, %and3A_891, %eq3A_910 : i32
      %and3A_912 = arith.andi %and3A_909, %eq3A_911 : i1
      %convert_element_type3A_913 = arith.extui %and3A_912 : i1 to i32
      %cond3A_914 = arith.constant 0 : i32
      %cond3A_915 = arith.cmpi ne, %convert_element_type3A_913, %cond3A_914 : i32
      scf.if %cond3A_915 {
        %dma_wait3A_944 = arith.constant 0 : i32
        %dma_wait3A_945 = arith.constant 0 : i32
        %dma_wait3A_946 = tpu.memref_slice %arg14[%dma_wait3A_945] : memref<25088xf32, #tpu.memory_space<vmem>> -> memref<12544xf32, #tpu.memory_space<vmem>>
        %dma_wait3A_947 = arith.constant 0 : i32
        %dma_wait3A_948 = tpu.memref_slice %arg4[%dma_wait3A_944, %dma_wait3A_947] : memref<512x12544xf32, #tpu.memory_space<hbm>> -> memref<1x12544xf32, #tpu.memory_space<hbm>>
        %dma_wait3A_949 = tpu.memref_squeeze %dma_wait3A_948 : memref<1x12544xf32, #tpu.memory_space<hbm>> -> memref<12544xf32, #tpu.memory_space<hbm>>
        %dma_wait3A_950 = arith.constant 0 : i32
        %dma_wait3A_951 = tpu.memref_slice %arg4[%dma_wait3A_944, %dma_wait3A_950] : memref<512x12544xf32, #tpu.memory_space<hbm>> -> memref<1x12544xf32, #tpu.memory_space<hbm>>
        %dma_wait3A_952 = tpu.memref_squeeze %dma_wait3A_951 : memref<1x12544xf32, #tpu.memory_space<hbm>> -> memref<12544xf32, #tpu.memory_space<hbm>>
        %dma_wait3A_953 = arith.constant 0 : i32
        %dma_wait3A_954 = tpu.memref_slice %arg14[%dma_wait3A_953] : memref<25088xf32, #tpu.memory_space<vmem>> -> memref<12544xf32, #tpu.memory_space<vmem>>
        tpu.wait_dma2 semaphore(%arg22 : memref<!tpu.dma_semaphore, #tpu.memory_space<semaphore_mem>>) src(%dma_wait3A_954 : memref<12544xf32, #tpu.memory_space<vmem>>) dst(%dma_wait3A_952 : memref<12544xf32, #tpu.memory_space<hbm>>)
      } else {
      }
      %scan3A_916 = arith.constant 0 : i32
      %scan3A_917 = arith.constant 0 : i32
      %scan3A_918 = arith.constant 4 : i32
      %scan3A_919 = arith.addi %scan3A_917, %scan3A_918 : i32
      %scan3A_920 = arith.constant 1 : i32
      scf.for %scan3A_944 = %scan3A_917 to %scan3A_919 step %scan3A_920  : i32 {
        %mul3A_945 = arith.constant 16 : i32
        %mul3A_946 = arith.muli %scan3A_944, %mul3A_945 : i32
        %get3A_947 = arith.index_cast %mul3A_946 : i32 to index
        %get3A_948 = tpu.vector_load %arg16[%get3A_947] {strides = array<i32>} : memref<112xf32, #tpu.memory_space<vmem>>, vector<16xf32>,
        %broadcast_in_dim3A_949 = arith.constant 0.000000e+00 : f32
        %broadcast_in_dim3A_950 = vector.broadcast %broadcast_in_dim3A_949 : f32 to vector<16xf32>
        %scan3A_951 = arith.constant 0 : i32
        %scan3A_952 = arith.constant 16 : i32
        %scan3A_953 = arith.addi %scan3A_951, %scan3A_952 : i32
        %scan3A_954 = arith.constant 1 : i32
        %scan3A_955:16 = scf.for %scan3A_1011 = %scan3A_951 to %scan3A_953 step %scan3A_954 iter_args(%scan3A_1012 = %broadcast_in_dim3A_950, %scan3A_1013 = %broadcast_in_dim3A_950, %scan3A_1014 = %broadcast_in_dim3A_950, %scan3A_1015 = %broadcast_in_dim3A_950, %scan3A_1016 = %broadcast_in_dim3A_950, %scan3A_1017 = %broadcast_in_dim3A_950, %scan3A_1018 = %broadcast_in_dim3A_950, %scan3A_1019 = %broadcast_in_dim3A_950, %scan3A_1020 = %broadcast_in_dim3A_950, %scan3A_1021 = %broadcast_in_dim3A_950, %scan3A_1022 = %broadcast_in_dim3A_950, %scan3A_1023 = %broadcast_in_dim3A_950, %scan3A_1024 = %broadcast_in_dim3A_950, %scan3A_1025 = %broadcast_in_dim3A_950, %scan3A_1026 = %broadcast_in_dim3A_950, %scan3A_1027 = %broadcast_in_dim3A_950) -> (vector<16xf32>, vector<16xf32>, vector<16xf32>, vector<16xf32>, vector<16xf32>, vector<16xf32>, vector<16xf32>, vector<16xf32>, vector<16xf32>, vector<16xf32>, vector<16xf32>, vector<16xf32>, vector<16xf32>, vector<16xf32>, vector<16xf32>, vector<16xf32>)  : i32 {
          %broadcast_in_dim3A_1028 = vector.broadcast %scan3A_1011 : i32 to vector<16xi32>
          %broadcast_in_dim3A_1029 = vector.shape_cast %broadcast_in_dim3A_1028 : vector<16xi32> to vector<16x1xi32>
          %gather3A_1030 = vector.shape_cast %broadcast_in_dim3A_1029 : vector<16x1xi32> to vector<16xi32>
          %gather3A_1031 = tpu.dynamic_gather %get3A_948[%gather3A_1030] in [0] : vector<16xf32>, vector<16xi32> -> vector<16xf32>
          %sub3A_1032 = arith.constant 0 : i32
          %sub3A_1033 = arith.subi %scan3A_944, %sub3A_1032 : i32
          %mul3A_1034 = arith.constant 16 : i32
          %mul3A_1035 = arith.muli %sub3A_1033, %mul3A_1034 : i32
          %add3A_1036 = arith.addi %mul3A_1035, %scan3A_1011 : i32
          %get3A_1037 = arith.index_cast %add3A_1036 : i32 to index
          %get3A_1038 = arith.constant 0 : index
          %get3A_1039 = tpu.vector_load %arg12[%get3A_1037, %get3A_1038] {strides = array<i32>} : memref<64x256xbf16, #tpu.memory_space<vmem>>, vector<32xbf16>,
          %bitcast3A = vector.bitcast %get3A_1039 : vector<32xbf16> to vector<16xi32>
          %shift_left3A = arith.constant 16 : i32
          %shift_left3A_1040 = vector.broadcast %shift_left3A : i32 to vector<16xi32>
          %shift_left3A_1041 = arith.shli %bitcast3A, %shift_left3A_1040 : vector<16xi32>
          %bitcast3A_1042 = vector.bitcast %shift_left3A_1041 : vector<16xi32> to vector<16xf32>
          %bitcast3A_1043 = vector.bitcast %bitcast3A : vector<16xi32> to vector<16xf32>
          %mul3A_1044 = arith.mulf %gather3A_1031, %bitcast3A_1042 : vector<16xf32>
          %add3A_1045 = arith.addf %scan3A_1012, %mul3A_1044 : vector<16xf32>
          %mul3A_1046 = arith.mulf %gather3A_1031, %bitcast3A_1043 : vector<16xf32>
          %add3A_1047 = arith.addf %scan3A_1013, %mul3A_1046 : vector<16xf32>
          %get3A_1048 = arith.index_cast %add3A_1036 : i32 to index
          %get3A_1049 = arith.constant 32 : index
          %get3A_1050 = tpu.vector_load %arg12[%get3A_1048, %get3A_1049] {strides = array<i32>} : memref<64x256xbf16, #tpu.memory_space<vmem>>, vector<32xbf16>,
          %bitcast3A_1051 = vector.bitcast %get3A_1050 : vector<32xbf16> to vector<16xi32>
          %shift_left3A_1052 = arith.constant 16 : i32
          %shift_left3A_1053 = vector.broadcast %shift_left3A_1052 : i32 to vector<16xi32>
          %shift_left3A_1054 = arith.shli %bitcast3A_1051, %shift_left3A_1053 : vector<16xi32>
          %bitcast3A_1055 = vector.bitcast %shift_left3A_1054 : vector<16xi32> to vector<16xf32>
          %bitcast3A_1056 = vector.bitcast %bitcast3A_1051 : vector<16xi32> to vector<16xf32>
          %mul3A_1057 = arith.mulf %gather3A_1031, %bitcast3A_1055 : vector<16xf32>
          %add3A_1058 = arith.addf %scan3A_1014, %mul3A_1057 : vector<16xf32>
          %mul3A_1059 = arith.mulf %gather3A_1031, %bitcast3A_1056 : vector<16xf32>
          %add3A_1060 = arith.addf %scan3A_1015, %mul3A_1059 : vector<16xf32>
          %get3A_1061 = arith.index_cast %add3A_1036 : i32 to index
          %get3A_1062 = arith.constant 64 : index
          %get3A_1063 = tpu.vector_load %arg12[%get3A_1061, %get3A_1062] {strides = array<i32>} : memref<64x256xbf16, #tpu.memory_space<vmem>>, vector<32xbf16>,
          %bitcast3A_1064 = vector.bitcast %get3A_1063 : vector<32xbf16> to vector<16xi32>
          %shift_left3A_1065 = arith.constant 16 : i32
          %shift_left3A_1066 = vector.broadcast %shift_left3A_1065 : i32 to vector<16xi32>
          %shift_left3A_1067 = arith.shli %bitcast3A_1064, %shift_left3A_1066 : vector<16xi32>
          %bitcast3A_1068 = vector.bitcast %shift_left3A_1067 : vector<16xi32> to vector<16xf32>
          %bitcast3A_1069 = vector.bitcast %bitcast3A_1064 : vector<16xi32> to vector<16xf32>
          %mul3A_1070 = arith.mulf %gather3A_1031, %bitcast3A_1068 : vector<16xf32>
          %add3A_1071 = arith.addf %scan3A_1016, %mul3A_1070 : vector<16xf32>
          %mul3A_1072 = arith.mulf %gather3A_1031, %bitcast3A_1069 : vector<16xf32>
          %add3A_1073 = arith.addf %scan3A_1017, %mul3A_1072 : vector<16xf32>
          %get3A_1074 = arith.index_cast %add3A_1036 : i32 to index
          %get3A_1075 = arith.constant 96 : index
          %get3A_1076 = tpu.vector_load %arg12[%get3A_1074, %get3A_1075] {strides = array<i32>} : memref<64x256xbf16, #tpu.memory_space<vmem>>, vector<32xbf16>,
          %bitcast3A_1077 = vector.bitcast %get3A_1076 : vector<32xbf16> to vector<16xi32>
          %shift_left3A_1078 = arith.constant 16 : i32
          %shift_left3A_1079 = vector.broadcast %shift_left3A_1078 : i32 to vector<16xi32>
          %shift_left3A_1080 = arith.shli %bitcast3A_1077, %shift_left3A_1079 : vector<16xi32>
          %bitcast3A_1081 = vector.bitcast %shift_left3A_1080 : vector<16xi32> to vector<16xf32>
          %bitcast3A_1082 = vector.bitcast %bitcast3A_1077 : vector<16xi32> to vector<16xf32>
          %mul3A_1083 = arith.mulf %gather3A_1031, %bitcast3A_1081 : vector<16xf32>
          %add3A_1084 = arith.addf %scan3A_1018, %mul3A_1083 : vector<16xf32>
          %mul3A_1085 = arith.mulf %gather3A_1031, %bitcast3A_1082 : vector<16xf32>
          %add3A_1086 = arith.addf %scan3A_1019, %mul3A_1085 : vector<16xf32>
          %get3A_1087 = arith.index_cast %add3A_1036 : i32 to index
          %get3A_1088 = arith.constant 128 : index
          %get3A_1089 = tpu.vector_load %arg12[%get3A_1087, %get3A_1088] {strides = array<i32>} : memref<64x256xbf16, #tpu.memory_space<vmem>>, vector<32xbf16>,
          %bitcast3A_1090 = vector.bitcast %get3A_1089 : vector<32xbf16> to vector<16xi32>
          %shift_left3A_1091 = arith.constant 16 : i32
          %shift_left3A_1092 = vector.broadcast %shift_left3A_1091 : i32 to vector<16xi32>
          %shift_left3A_1093 = arith.shli %bitcast3A_1090, %shift_left3A_1092 : vector<16xi32>
          %bitcast3A_1094 = vector.bitcast %shift_left3A_1093 : vector<16xi32> to vector<16xf32>
          %bitcast3A_1095 = vector.bitcast %bitcast3A_1090 : vector<16xi32> to vector<16xf32>
          %mul3A_1096 = arith.mulf %gather3A_1031, %bitcast3A_1094 : vector<16xf32>
          %add3A_1097 = arith.addf %scan3A_1020, %mul3A_1096 : vector<16xf32>
          %mul3A_1098 = arith.mulf %gather3A_1031, %bitcast3A_1095 : vector<16xf32>
          %add3A_1099 = arith.addf %scan3A_1021, %mul3A_1098 : vector<16xf32>
          %get3A_1100 = arith.index_cast %add3A_1036 : i32 to index
          %get3A_1101 = arith.constant 160 : index
          %get3A_1102 = tpu.vector_load %arg12[%get3A_1100, %get3A_1101] {strides = array<i32>} : memref<64x256xbf16, #tpu.memory_space<vmem>>, vector<32xbf16>,
          %bitcast3A_1103 = vector.bitcast %get3A_1102 : vector<32xbf16> to vector<16xi32>
          %shift_left3A_1104 = arith.constant 16 : i32
          %shift_left3A_1105 = vector.broadcast %shift_left3A_1104 : i32 to vector<16xi32>
          %shift_left3A_1106 = arith.shli %bitcast3A_1103, %shift_left3A_1105 : vector<16xi32>
          %bitcast3A_1107 = vector.bitcast %shift_left3A_1106 : vector<16xi32> to vector<16xf32>
          %bitcast3A_1108 = vector.bitcast %bitcast3A_1103 : vector<16xi32> to vector<16xf32>
          %mul3A_1109 = arith.mulf %gather3A_1031, %bitcast3A_1107 : vector<16xf32>
          %add3A_1110 = arith.addf %scan3A_1022, %mul3A_1109 : vector<16xf32>
          %mul3A_1111 = arith.mulf %gather3A_1031, %bitcast3A_1108 : vector<16xf32>
          %add3A_1112 = arith.addf %scan3A_1023, %mul3A_1111 : vector<16xf32>
          %get3A_1113 = arith.index_cast %add3A_1036 : i32 to index
          %get3A_1114 = arith.constant 192 : index
          %get3A_1115 = tpu.vector_load %arg12[%get3A_1113, %get3A_1114] {strides = array<i32>} : memref<64x256xbf16, #tpu.memory_space<vmem>>, vector<32xbf16>,
          %bitcast3A_1116 = vector.bitcast %get3A_1115 : vector<32xbf16> to vector<16xi32>
          %shift_left3A_1117 = arith.constant 16 : i32
          %shift_left3A_1118 = vector.broadcast %shift_left3A_1117 : i32 to vector<16xi32>
          %shift_left3A_1119 = arith.shli %bitcast3A_1116, %shift_left3A_1118 : vector<16xi32>
          %bitcast3A_1120 = vector.bitcast %shift_left3A_1119 : vector<16xi32> to vector<16xf32>
          %bitcast3A_1121 = vector.bitcast %bitcast3A_1116 : vector<16xi32> to vector<16xf32>
          %mul3A_1122 = arith.mulf %gather3A_1031, %bitcast3A_1120 : vector<16xf32>
          %add3A_1123 = arith.addf %scan3A_1024, %mul3A_1122 : vector<16xf32>
          %mul3A_1124 = arith.mulf %gather3A_1031, %bitcast3A_1121 : vector<16xf32>
          %add3A_1125 = arith.addf %scan3A_1025, %mul3A_1124 : vector<16xf32>
          %get3A_1126 = arith.index_cast %add3A_1036 : i32 to index
          %get3A_1127 = arith.constant 224 : index
          %get3A_1128 = tpu.vector_load %arg12[%get3A_1126, %get3A_1127] {strides = array<i32>} : memref<64x256xbf16, #tpu.memory_space<vmem>>, vector<32xbf16>,
          %bitcast3A_1129 = vector.bitcast %get3A_1128 : vector<32xbf16> to vector<16xi32>
          %shift_left3A_1130 = arith.constant 16 : i32
          %shift_left3A_1131 = vector.broadcast %shift_left3A_1130 : i32 to vector<16xi32>
          %shift_left3A_1132 = arith.shli %bitcast3A_1129, %shift_left3A_1131 : vector<16xi32>
          %bitcast3A_1133 = vector.bitcast %shift_left3A_1132 : vector<16xi32> to vector<16xf32>
          %bitcast3A_1134 = vector.bitcast %bitcast3A_1129 : vector<16xi32> to vector<16xf32>
          %mul3A_1135 = arith.mulf %gather3A_1031, %bitcast3A_1133 : vector<16xf32>
          %add3A_1136 = arith.addf %scan3A_1026, %mul3A_1135 : vector<16xf32>
          %mul3A_1137 = arith.mulf %gather3A_1031, %bitcast3A_1134 : vector<16xf32>
          %add3A_1138 = arith.addf %scan3A_1027, %mul3A_1137 : vector<16xf32>
          scf.yield %add3A_1045, %add3A_1047, %add3A_1058, %add3A_1060, %add3A_1071, %add3A_1073, %add3A_1084, %add3A_1086, %add3A_1097, %add3A_1099, %add3A_1110, %add3A_1112, %add3A_1123, %add3A_1125, %add3A_1136, %add3A_1138 : vector<16xf32>, vector<16xf32>, vector<16xf32>, vector<16xf32>, vector<16xf32>, vector<16xf32>, vector<16xf32>, vector<16xf32>, vector<16xf32>, vector<16xf32>, vector<16xf32>, vector<16xf32>, vector<16xf32>, vector<16xf32>, vector<16xf32>, vector<16xf32>
        }
        %scan3A_956 = arith.constant 16 : i32
        %mul3A_957 = arith.constant 7 : i32
        %mul3A_958 = arith.muli %sub3A_889, %mul3A_957 : i32
        %add3A_959 = arith.addi %mul3A_893, %mul3A_958 : i32
        %add3A_960 = arith.addi %add3A_959, %scan3A_944 : i32
        %add3A_961 = vector.broadcast %add3A_960 : i32 to vector<16xi32>
        %add3A_962 = arith.addi %mul3A_43, %add3A_961 : vector<16xi32>
        %add3A_963 = arith.constant 0 : i32
        %add3A_964 = vector.broadcast %add3A_963 : i32 to vector<16xi32>
        %add3A_965 = arith.addi %add3A_962, %add3A_964 : vector<16xi32>
        tpu.vector_store_idx %arg14[%add3A_965], %scan3A_955#0 : memref<25088xf32, #tpu.memory_space<vmem>>[vector<16xi32>], vector<16xf32>,
        %add3A_966 = arith.constant 49 : i32
        %add3A_967 = vector.broadcast %add3A_966 : i32 to vector<16xi32>
        %add3A_968 = arith.addi %add3A_962, %add3A_967 : vector<16xi32>
        tpu.vector_store_idx %arg14[%add3A_968], %scan3A_955#1 : memref<25088xf32, #tpu.memory_space<vmem>>[vector<16xi32>], vector<16xf32>,
        %add3A_969 = arith.constant 1568 : i32
        %add3A_970 = vector.broadcast %add3A_969 : i32 to vector<16xi32>
        %add3A_971 = arith.addi %add3A_962, %add3A_970 : vector<16xi32>
        tpu.vector_store_idx %arg14[%add3A_971], %scan3A_955#2 : memref<25088xf32, #tpu.memory_space<vmem>>[vector<16xi32>], vector<16xf32>,
        %add3A_972 = arith.constant 1617 : i32
        %add3A_973 = vector.broadcast %add3A_972 : i32 to vector<16xi32>
        %add3A_974 = arith.addi %add3A_962, %add3A_973 : vector<16xi32>
        tpu.vector_store_idx %arg14[%add3A_974], %scan3A_955#3 : memref<25088xf32, #tpu.memory_space<vmem>>[vector<16xi32>], vector<16xf32>,
        %add3A_975 = arith.constant 3136 : i32
        %add3A_976 = vector.broadcast %add3A_975 : i32 to vector<16xi32>
        %add3A_977 = arith.addi %add3A_962, %add3A_976 : vector<16xi32>
        tpu.vector_store_idx %arg14[%add3A_977], %scan3A_955#4 : memref<25088xf32, #tpu.memory_space<vmem>>[vector<16xi32>], vector<16xf32>,
        %add3A_978 = arith.constant 3185 : i32
        %add3A_979 = vector.broadcast %add3A_978 : i32 to vector<16xi32>
        %add3A_980 = arith.addi %add3A_962, %add3A_979 : vector<16xi32>
        tpu.vector_store_idx %arg14[%add3A_980], %scan3A_955#5 : memref<25088xf32, #tpu.memory_space<vmem>>[vector<16xi32>], vector<16xf32>,
        %add3A_981 = arith.constant 4704 : i32
        %add3A_982 = vector.broadcast %add3A_981 : i32 to vector<16xi32>
        %add3A_983 = arith.addi %add3A_962, %add3A_982 : vector<16xi32>
        tpu.vector_store_idx %arg14[%add3A_983], %scan3A_955#6 : memref<25088xf32, #tpu.memory_space<vmem>>[vector<16xi32>], vector<16xf32>,
        %add3A_984 = arith.constant 4753 : i32
        %add3A_985 = vector.broadcast %add3A_984 : i32 to vector<16xi32>
        %add3A_986 = arith.addi %add3A_962, %add3A_985 : vector<16xi32>
        tpu.vector_store_idx %arg14[%add3A_986], %scan3A_955#7 : memref<25088xf32, #tpu.memory_space<vmem>>[vector<16xi32>], vector<16xf32>,
        %add3A_987 = arith.constant 6272 : i32
        %add3A_988 = vector.broadcast %add3A_987 : i32 to vector<16xi32>
        %add3A_989 = arith.addi %add3A_962, %add3A_988 : vector<16xi32>
        tpu.vector_store_idx %arg14[%add3A_989], %scan3A_955#8 : memref<25088xf32, #tpu.memory_space<vmem>>[vector<16xi32>], vector<16xf32>,
        %add3A_990 = arith.constant 6321 : i32
        %add3A_991 = vector.broadcast %add3A_990 : i32 to vector<16xi32>
        %add3A_992 = arith.addi %add3A_962, %add3A_991 : vector<16xi32>
        tpu.vector_store_idx %arg14[%add3A_992], %scan3A_955#9 : memref<25088xf32, #tpu.memory_space<vmem>>[vector<16xi32>], vector<16xf32>,
        %add3A_993 = arith.constant 7840 : i32
        %add3A_994 = vector.broadcast %add3A_993 : i32 to vector<16xi32>
        %add3A_995 = arith.addi %add3A_962, %add3A_994 : vector<16xi32>
        tpu.vector_store_idx %arg14[%add3A_995], %scan3A_955#10 : memref<25088xf32, #tpu.memory_space<vmem>>[vector<16xi32>], vector<16xf32>,
        %add3A_996 = arith.constant 7889 : i32
        %add3A_997 = vector.broadcast %add3A_996 : i32 to vector<16xi32>
        %add3A_998 = arith.addi %add3A_962, %add3A_997 : vector<16xi32>
        tpu.vector_store_idx %arg14[%add3A_998], %scan3A_955#11 : memref<25088xf32, #tpu.memory_space<vmem>>[vector<16xi32>], vector<16xf32>,
        %add3A_999 = arith.constant 9408 : i32
        %add3A_1000 = vector.broadcast %add3A_999 : i32 to vector<16xi32>
        %add3A_1001 = arith.addi %add3A_962, %add3A_1000 : vector<16xi32>
        tpu.vector_store_idx %arg14[%add3A_1001], %scan3A_955#12 : memref<25088xf32, #tpu.memory_space<vmem>>[vector<16xi32>], vector<16xf32>,
        %add3A_1002 = arith.constant 9457 : i32
        %add3A_1003 = vector.broadcast %add3A_1002 : i32 to vector<16xi32>
        %add3A_1004 = arith.addi %add3A_962, %add3A_1003 : vector<16xi32>
        tpu.vector_store_idx %arg14[%add3A_1004], %scan3A_955#13 : memref<25088xf32, #tpu.memory_space<vmem>>[vector<16xi32>], vector<16xf32>,
        %add3A_1005 = arith.constant 10976 : i32
        %add3A_1006 = vector.broadcast %add3A_1005 : i32 to vector<16xi32>
        %add3A_1007 = arith.addi %add3A_962, %add3A_1006 : vector<16xi32>
        tpu.vector_store_idx %arg14[%add3A_1007], %scan3A_955#14 : memref<25088xf32, #tpu.memory_space<vmem>>[vector<16xi32>], vector<16xf32>,
        %add3A_1008 = arith.constant 11025 : i32
        %add3A_1009 = vector.broadcast %add3A_1008 : i32 to vector<16xi32>
        %add3A_1010 = arith.addi %add3A_962, %add3A_1009 : vector<16xi32>
        tpu.vector_store_idx %arg14[%add3A_1010], %scan3A_955#15 : memref<25088xf32, #tpu.memory_space<vmem>>[vector<16xi32>], vector<16xf32>,
      }
      %scan3A_921 = arith.constant 4 : i32
      %scan3A_922 = arith.constant 0 : i32
      %scan3A_923 = arith.constant 4 : i32
      %scan3A_924 = arith.constant 3 : i32
      %scan3A_925 = arith.addi %scan3A_923, %scan3A_924 : i32
      %scan3A_926 = arith.constant 1 : i32
      scf.for %scan3A_944 = %scan3A_923 to %scan3A_925 step %scan3A_926  : i32 {
        %mul3A_945 = arith.constant 16 : i32
        %mul3A_946 = arith.muli %scan3A_944, %mul3A_945 : i32
        %get3A_947 = arith.index_cast %mul3A_946 : i32 to index
        %get3A_948 = tpu.vector_load %arg16[%get3A_947] {strides = array<i32>} : memref<112xf32, #tpu.memory_space<vmem>>, vector<16xf32>,
        %broadcast_in_dim3A_949 = arith.constant 0.000000e+00 : f32
        %broadcast_in_dim3A_950 = vector.broadcast %broadcast_in_dim3A_949 : f32 to vector<16xf32>
        %scan3A_951 = arith.constant 0 : i32
        %scan3A_952 = arith.constant 16 : i32
        %scan3A_953 = arith.addi %scan3A_951, %scan3A_952 : i32
        %scan3A_954 = arith.constant 1 : i32
        %scan3A_955:16 = scf.for %scan3A_1011 = %scan3A_951 to %scan3A_953 step %scan3A_954 iter_args(%scan3A_1012 = %broadcast_in_dim3A_950, %scan3A_1013 = %broadcast_in_dim3A_950, %scan3A_1014 = %broadcast_in_dim3A_950, %scan3A_1015 = %broadcast_in_dim3A_950, %scan3A_1016 = %broadcast_in_dim3A_950, %scan3A_1017 = %broadcast_in_dim3A_950, %scan3A_1018 = %broadcast_in_dim3A_950, %scan3A_1019 = %broadcast_in_dim3A_950, %scan3A_1020 = %broadcast_in_dim3A_950, %scan3A_1021 = %broadcast_in_dim3A_950, %scan3A_1022 = %broadcast_in_dim3A_950, %scan3A_1023 = %broadcast_in_dim3A_950, %scan3A_1024 = %broadcast_in_dim3A_950, %scan3A_1025 = %broadcast_in_dim3A_950, %scan3A_1026 = %broadcast_in_dim3A_950, %scan3A_1027 = %broadcast_in_dim3A_950) -> (vector<16xf32>, vector<16xf32>, vector<16xf32>, vector<16xf32>, vector<16xf32>, vector<16xf32>, vector<16xf32>, vector<16xf32>, vector<16xf32>, vector<16xf32>, vector<16xf32>, vector<16xf32>, vector<16xf32>, vector<16xf32>, vector<16xf32>, vector<16xf32>)  : i32 {
          %broadcast_in_dim3A_1028 = vector.broadcast %scan3A_1011 : i32 to vector<16xi32>
          %broadcast_in_dim3A_1029 = vector.shape_cast %broadcast_in_dim3A_1028 : vector<16xi32> to vector<16x1xi32>
          %gather3A_1030 = vector.shape_cast %broadcast_in_dim3A_1029 : vector<16x1xi32> to vector<16xi32>
          %gather3A_1031 = tpu.dynamic_gather %get3A_948[%gather3A_1030] in [0] : vector<16xf32>, vector<16xi32> -> vector<16xf32>
          %sub3A_1032 = arith.constant 4 : i32
          %sub3A_1033 = arith.subi %scan3A_944, %sub3A_1032 : i32
          %mul3A_1034 = arith.constant 16 : i32
          %mul3A_1035 = arith.muli %sub3A_1033, %mul3A_1034 : i32
          %add3A_1036 = arith.addi %mul3A_1035, %scan3A_1011 : i32
          %get3A_1037 = arith.index_cast %add3A_1036 : i32 to index
          %get3A_1038 = arith.constant 0 : index
          %get3A_1039 = tpu.vector_load %arg13[%get3A_1037, %get3A_1038] {strides = array<i32>} : memref<48x256xbf16, #tpu.memory_space<vmem>>, vector<32xbf16>,
          %bitcast3A = vector.bitcast %get3A_1039 : vector<32xbf16> to vector<16xi32>
          %shift_left3A = arith.constant 16 : i32
          %shift_left3A_1040 = vector.broadcast %shift_left3A : i32 to vector<16xi32>
          %shift_left3A_1041 = arith.shli %bitcast3A, %shift_left3A_1040 : vector<16xi32>
          %bitcast3A_1042 = vector.bitcast %shift_left3A_1041 : vector<16xi32> to vector<16xf32>
          %bitcast3A_1043 = vector.bitcast %bitcast3A : vector<16xi32> to vector<16xf32>
          %mul3A_1044 = arith.mulf %gather3A_1031, %bitcast3A_1042 : vector<16xf32>
          %add3A_1045 = arith.addf %scan3A_1012, %mul3A_1044 : vector<16xf32>
          %mul3A_1046 = arith.mulf %gather3A_1031, %bitcast3A_1043 : vector<16xf32>
          %add3A_1047 = arith.addf %scan3A_1013, %mul3A_1046 : vector<16xf32>
          %get3A_1048 = arith.index_cast %add3A_1036 : i32 to index
          %get3A_1049 = arith.constant 32 : index
          %get3A_1050 = tpu.vector_load %arg13[%get3A_1048, %get3A_1049] {strides = array<i32>} : memref<48x256xbf16, #tpu.memory_space<vmem>>, vector<32xbf16>,
          %bitcast3A_1051 = vector.bitcast %get3A_1050 : vector<32xbf16> to vector<16xi32>
          %shift_left3A_1052 = arith.constant 16 : i32
          %shift_left3A_1053 = vector.broadcast %shift_left3A_1052 : i32 to vector<16xi32>
          %shift_left3A_1054 = arith.shli %bitcast3A_1051, %shift_left3A_1053 : vector<16xi32>
          %bitcast3A_1055 = vector.bitcast %shift_left3A_1054 : vector<16xi32> to vector<16xf32>
          %bitcast3A_1056 = vector.bitcast %bitcast3A_1051 : vector<16xi32> to vector<16xf32>
          %mul3A_1057 = arith.mulf %gather3A_1031, %bitcast3A_1055 : vector<16xf32>
          %add3A_1058 = arith.addf %scan3A_1014, %mul3A_1057 : vector<16xf32>
          %mul3A_1059 = arith.mulf %gather3A_1031, %bitcast3A_1056 : vector<16xf32>
          %add3A_1060 = arith.addf %scan3A_1015, %mul3A_1059 : vector<16xf32>
          %get3A_1061 = arith.index_cast %add3A_1036 : i32 to index
          %get3A_1062 = arith.constant 64 : index
          %get3A_1063 = tpu.vector_load %arg13[%get3A_1061, %get3A_1062] {strides = array<i32>} : memref<48x256xbf16, #tpu.memory_space<vmem>>, vector<32xbf16>,
          %bitcast3A_1064 = vector.bitcast %get3A_1063 : vector<32xbf16> to vector<16xi32>
          %shift_left3A_1065 = arith.constant 16 : i32
          %shift_left3A_1066 = vector.broadcast %shift_left3A_1065 : i32 to vector<16xi32>
          %shift_left3A_1067 = arith.shli %bitcast3A_1064, %shift_left3A_1066 : vector<16xi32>
          %bitcast3A_1068 = vector.bitcast %shift_left3A_1067 : vector<16xi32> to vector<16xf32>
          %bitcast3A_1069 = vector.bitcast %bitcast3A_1064 : vector<16xi32> to vector<16xf32>
          %mul3A_1070 = arith.mulf %gather3A_1031, %bitcast3A_1068 : vector<16xf32>
          %add3A_1071 = arith.addf %scan3A_1016, %mul3A_1070 : vector<16xf32>
          %mul3A_1072 = arith.mulf %gather3A_1031, %bitcast3A_1069 : vector<16xf32>
          %add3A_1073 = arith.addf %scan3A_1017, %mul3A_1072 : vector<16xf32>
          %get3A_1074 = arith.index_cast %add3A_1036 : i32 to index
          %get3A_1075 = arith.constant 96 : index
          %get3A_1076 = tpu.vector_load %arg13[%get3A_1074, %get3A_1075] {strides = array<i32>} : memref<48x256xbf16, #tpu.memory_space<vmem>>, vector<32xbf16>,
          %bitcast3A_1077 = vector.bitcast %get3A_1076 : vector<32xbf16> to vector<16xi32>
          %shift_left3A_1078 = arith.constant 16 : i32
          %shift_left3A_1079 = vector.broadcast %shift_left3A_1078 : i32 to vector<16xi32>
          %shift_left3A_1080 = arith.shli %bitcast3A_1077, %shift_left3A_1079 : vector<16xi32>
          %bitcast3A_1081 = vector.bitcast %shift_left3A_1080 : vector<16xi32> to vector<16xf32>
          %bitcast3A_1082 = vector.bitcast %bitcast3A_1077 : vector<16xi32> to vector<16xf32>
          %mul3A_1083 = arith.mulf %gather3A_1031, %bitcast3A_1081 : vector<16xf32>
          %add3A_1084 = arith.addf %scan3A_1018, %mul3A_1083 : vector<16xf32>
          %mul3A_1085 = arith.mulf %gather3A_1031, %bitcast3A_1082 : vector<16xf32>
          %add3A_1086 = arith.addf %scan3A_1019, %mul3A_1085 : vector<16xf32>
          %get3A_1087 = arith.index_cast %add3A_1036 : i32 to index
          %get3A_1088 = arith.constant 128 : index
          %get3A_1089 = tpu.vector_load %arg13[%get3A_1087, %get3A_1088] {strides = array<i32>} : memref<48x256xbf16, #tpu.memory_space<vmem>>, vector<32xbf16>,
          %bitcast3A_1090 = vector.bitcast %get3A_1089 : vector<32xbf16> to vector<16xi32>
          %shift_left3A_1091 = arith.constant 16 : i32
          %shift_left3A_1092 = vector.broadcast %shift_left3A_1091 : i32 to vector<16xi32>
          %shift_left3A_1093 = arith.shli %bitcast3A_1090, %shift_left3A_1092 : vector<16xi32>
          %bitcast3A_1094 = vector.bitcast %shift_left3A_1093 : vector<16xi32> to vector<16xf32>
          %bitcast3A_1095 = vector.bitcast %bitcast3A_1090 : vector<16xi32> to vector<16xf32>
          %mul3A_1096 = arith.mulf %gather3A_1031, %bitcast3A_1094 : vector<16xf32>
          %add3A_1097 = arith.addf %scan3A_1020, %mul3A_1096 : vector<16xf32>
          %mul3A_1098 = arith.mulf %gather3A_1031, %bitcast3A_1095 : vector<16xf32>
          %add3A_1099 = arith.addf %scan3A_1021, %mul3A_1098 : vector<16xf32>
          %get3A_1100 = arith.index_cast %add3A_1036 : i32 to index
          %get3A_1101 = arith.constant 160 : index
          %get3A_1102 = tpu.vector_load %arg13[%get3A_1100, %get3A_1101] {strides = array<i32>} : memref<48x256xbf16, #tpu.memory_space<vmem>>, vector<32xbf16>,
          %bitcast3A_1103 = vector.bitcast %get3A_1102 : vector<32xbf16> to vector<16xi32>
          %shift_left3A_1104 = arith.constant 16 : i32
          %shift_left3A_1105 = vector.broadcast %shift_left3A_1104 : i32 to vector<16xi32>
          %shift_left3A_1106 = arith.shli %bitcast3A_1103, %shift_left3A_1105 : vector<16xi32>
          %bitcast3A_1107 = vector.bitcast %shift_left3A_1106 : vector<16xi32> to vector<16xf32>
          %bitcast3A_1108 = vector.bitcast %bitcast3A_1103 : vector<16xi32> to vector<16xf32>
          %mul3A_1109 = arith.mulf %gather3A_1031, %bitcast3A_1107 : vector<16xf32>
          %add3A_1110 = arith.addf %scan3A_1022, %mul3A_1109 : vector<16xf32>
          %mul3A_1111 = arith.mulf %gather3A_1031, %bitcast3A_1108 : vector<16xf32>
          %add3A_1112 = arith.addf %scan3A_1023, %mul3A_1111 : vector<16xf32>
          %get3A_1113 = arith.index_cast %add3A_1036 : i32 to index
          %get3A_1114 = arith.constant 192 : index
          %get3A_1115 = tpu.vector_load %arg13[%get3A_1113, %get3A_1114] {strides = array<i32>} : memref<48x256xbf16, #tpu.memory_space<vmem>>, vector<32xbf16>,
          %bitcast3A_1116 = vector.bitcast %get3A_1115 : vector<32xbf16> to vector<16xi32>
          %shift_left3A_1117 = arith.constant 16 : i32
          %shift_left3A_1118 = vector.broadcast %shift_left3A_1117 : i32 to vector<16xi32>
          %shift_left3A_1119 = arith.shli %bitcast3A_1116, %shift_left3A_1118 : vector<16xi32>
          %bitcast3A_1120 = vector.bitcast %shift_left3A_1119 : vector<16xi32> to vector<16xf32>
          %bitcast3A_1121 = vector.bitcast %bitcast3A_1116 : vector<16xi32> to vector<16xf32>
          %mul3A_1122 = arith.mulf %gather3A_1031, %bitcast3A_1120 : vector<16xf32>
          %add3A_1123 = arith.addf %scan3A_1024, %mul3A_1122 : vector<16xf32>
          %mul3A_1124 = arith.mulf %gather3A_1031, %bitcast3A_1121 : vector<16xf32>
          %add3A_1125 = arith.addf %scan3A_1025, %mul3A_1124 : vector<16xf32>
          %get3A_1126 = arith.index_cast %add3A_1036 : i32 to index
          %get3A_1127 = arith.constant 224 : index
          %get3A_1128 = tpu.vector_load %arg13[%get3A_1126, %get3A_1127] {strides = array<i32>} : memref<48x256xbf16, #tpu.memory_space<vmem>>, vector<32xbf16>,
          %bitcast3A_1129 = vector.bitcast %get3A_1128 : vector<32xbf16> to vector<16xi32>
          %shift_left3A_1130 = arith.constant 16 : i32
          %shift_left3A_1131 = vector.broadcast %shift_left3A_1130 : i32 to vector<16xi32>
          %shift_left3A_1132 = arith.shli %bitcast3A_1129, %shift_left3A_1131 : vector<16xi32>
          %bitcast3A_1133 = vector.bitcast %shift_left3A_1132 : vector<16xi32> to vector<16xf32>
          %bitcast3A_1134 = vector.bitcast %bitcast3A_1129 : vector<16xi32> to vector<16xf32>
          %mul3A_1135 = arith.mulf %gather3A_1031, %bitcast3A_1133 : vector<16xf32>
          %add3A_1136 = arith.addf %scan3A_1026, %mul3A_1135 : vector<16xf32>
          %mul3A_1137 = arith.mulf %gather3A_1031, %bitcast3A_1134 : vector<16xf32>
          %add3A_1138 = arith.addf %scan3A_1027, %mul3A_1137 : vector<16xf32>
          scf.yield %add3A_1045, %add3A_1047, %add3A_1058, %add3A_1060, %add3A_1071, %add3A_1073, %add3A_1084, %add3A_1086, %add3A_1097, %add3A_1099, %add3A_1110, %add3A_1112, %add3A_1123, %add3A_1125, %add3A_1136, %add3A_1138 : vector<16xf32>, vector<16xf32>, vector<16xf32>, vector<16xf32>, vector<16xf32>, vector<16xf32>, vector<16xf32>, vector<16xf32>, vector<16xf32>, vector<16xf32>, vector<16xf32>, vector<16xf32>, vector<16xf32>, vector<16xf32>, vector<16xf32>, vector<16xf32>
        }
        %scan3A_956 = arith.constant 16 : i32
        %mul3A_957 = arith.constant 7 : i32
        %mul3A_958 = arith.muli %sub3A_889, %mul3A_957 : i32
        %add3A_959 = arith.addi %mul3A_893, %mul3A_958 : i32
        %add3A_960 = arith.addi %add3A_959, %scan3A_944 : i32
        %add3A_961 = vector.broadcast %add3A_960 : i32 to vector<16xi32>
        %add3A_962 = arith.addi %mul3A_43, %add3A_961 : vector<16xi32>
        %add3A_963 = arith.constant 0 : i32
        %add3A_964 = vector.broadcast %add3A_963 : i32 to vector<16xi32>
        %add3A_965 = arith.addi %add3A_962, %add3A_964 : vector<16xi32>
        tpu.vector_store_idx %arg14[%add3A_965], %scan3A_955#0 : memref<25088xf32, #tpu.memory_space<vmem>>[vector<16xi32>], vector<16xf32>,
        %add3A_966 = arith.constant 49 : i32
        %add3A_967 = vector.broadcast %add3A_966 : i32 to vector<16xi32>
        %add3A_968 = arith.addi %add3A_962, %add3A_967 : vector<16xi32>
        tpu.vector_store_idx %arg14[%add3A_968], %scan3A_955#1 : memref<25088xf32, #tpu.memory_space<vmem>>[vector<16xi32>], vector<16xf32>,
        %add3A_969 = arith.constant 1568 : i32
        %add3A_970 = vector.broadcast %add3A_969 : i32 to vector<16xi32>
        %add3A_971 = arith.addi %add3A_962, %add3A_970 : vector<16xi32>
        tpu.vector_store_idx %arg14[%add3A_971], %scan3A_955#2 : memref<25088xf32, #tpu.memory_space<vmem>>[vector<16xi32>], vector<16xf32>,
        %add3A_972 = arith.constant 1617 : i32
        %add3A_973 = vector.broadcast %add3A_972 : i32 to vector<16xi32>
        %add3A_974 = arith.addi %add3A_962, %add3A_973 : vector<16xi32>
        tpu.vector_store_idx %arg14[%add3A_974], %scan3A_955#3 : memref<25088xf32, #tpu.memory_space<vmem>>[vector<16xi32>], vector<16xf32>,
        %add3A_975 = arith.constant 3136 : i32
        %add3A_976 = vector.broadcast %add3A_975 : i32 to vector<16xi32>
        %add3A_977 = arith.addi %add3A_962, %add3A_976 : vector<16xi32>
        tpu.vector_store_idx %arg14[%add3A_977], %scan3A_955#4 : memref<25088xf32, #tpu.memory_space<vmem>>[vector<16xi32>], vector<16xf32>,
        %add3A_978 = arith.constant 3185 : i32
        %add3A_979 = vector.broadcast %add3A_978 : i32 to vector<16xi32>
        %add3A_980 = arith.addi %add3A_962, %add3A_979 : vector<16xi32>
        tpu.vector_store_idx %arg14[%add3A_980], %scan3A_955#5 : memref<25088xf32, #tpu.memory_space<vmem>>[vector<16xi32>], vector<16xf32>,
        %add3A_981 = arith.constant 4704 : i32
        %add3A_982 = vector.broadcast %add3A_981 : i32 to vector<16xi32>
        %add3A_983 = arith.addi %add3A_962, %add3A_982 : vector<16xi32>
        tpu.vector_store_idx %arg14[%add3A_983], %scan3A_955#6 : memref<25088xf32, #tpu.memory_space<vmem>>[vector<16xi32>], vector<16xf32>,
        %add3A_984 = arith.constant 4753 : i32
        %add3A_985 = vector.broadcast %add3A_984 : i32 to vector<16xi32>
        %add3A_986 = arith.addi %add3A_962, %add3A_985 : vector<16xi32>
        tpu.vector_store_idx %arg14[%add3A_986], %scan3A_955#7 : memref<25088xf32, #tpu.memory_space<vmem>>[vector<16xi32>], vector<16xf32>,
        %add3A_987 = arith.constant 6272 : i32
        %add3A_988 = vector.broadcast %add3A_987 : i32 to vector<16xi32>
        %add3A_989 = arith.addi %add3A_962, %add3A_988 : vector<16xi32>
        tpu.vector_store_idx %arg14[%add3A_989], %scan3A_955#8 : memref<25088xf32, #tpu.memory_space<vmem>>[vector<16xi32>], vector<16xf32>,
        %add3A_990 = arith.constant 6321 : i32
        %add3A_991 = vector.broadcast %add3A_990 : i32 to vector<16xi32>
        %add3A_992 = arith.addi %add3A_962, %add3A_991 : vector<16xi32>
        tpu.vector_store_idx %arg14[%add3A_992], %scan3A_955#9 : memref<25088xf32, #tpu.memory_space<vmem>>[vector<16xi32>], vector<16xf32>,
        %add3A_993 = arith.constant 7840 : i32
        %add3A_994 = vector.broadcast %add3A_993 : i32 to vector<16xi32>
        %add3A_995 = arith.addi %add3A_962, %add3A_994 : vector<16xi32>
        tpu.vector_store_idx %arg14[%add3A_995], %scan3A_955#10 : memref<25088xf32, #tpu.memory_space<vmem>>[vector<16xi32>], vector<16xf32>,
        %add3A_996 = arith.constant 7889 : i32
        %add3A_997 = vector.broadcast %add3A_996 : i32 to vector<16xi32>
        %add3A_998 = arith.addi %add3A_962, %add3A_997 : vector<16xi32>
        tpu.vector_store_idx %arg14[%add3A_998], %scan3A_955#11 : memref<25088xf32, #tpu.memory_space<vmem>>[vector<16xi32>], vector<16xf32>,
        %add3A_999 = arith.constant 9408 : i32
        %add3A_1000 = vector.broadcast %add3A_999 : i32 to vector<16xi32>
        %add3A_1001 = arith.addi %add3A_962, %add3A_1000 : vector<16xi32>
        tpu.vector_store_idx %arg14[%add3A_1001], %scan3A_955#12 : memref<25088xf32, #tpu.memory_space<vmem>>[vector<16xi32>], vector<16xf32>,
        %add3A_1002 = arith.constant 9457 : i32
        %add3A_1003 = vector.broadcast %add3A_1002 : i32 to vector<16xi32>
        %add3A_1004 = arith.addi %add3A_962, %add3A_1003 : vector<16xi32>
        tpu.vector_store_idx %arg14[%add3A_1004], %scan3A_955#13 : memref<25088xf32, #tpu.memory_space<vmem>>[vector<16xi32>], vector<16xf32>,
        %add3A_1005 = arith.constant 10976 : i32
        %add3A_1006 = vector.broadcast %add3A_1005 : i32 to vector<16xi32>
        %add3A_1007 = arith.addi %add3A_962, %add3A_1006 : vector<16xi32>
        tpu.vector_store_idx %arg14[%add3A_1007], %scan3A_955#14 : memref<25088xf32, #tpu.memory_space<vmem>>[vector<16xi32>], vector<16xf32>,
        %add3A_1008 = arith.constant 11025 : i32
        %add3A_1009 = vector.broadcast %add3A_1008 : i32 to vector<16xi32>
        %add3A_1010 = arith.addi %add3A_962, %add3A_1009 : vector<16xi32>
        tpu.vector_store_idx %arg14[%add3A_1010], %scan3A_955#15 : memref<25088xf32, #tpu.memory_space<vmem>>[vector<16xi32>], vector<16xf32>,
      }
      %scan3A_927 = arith.constant 3 : i32
      %eq3A_928 = arith.constant 6 : i32
      %eq3A_929 = arith.cmpi eq, %sub3A_889, %eq3A_928 : i32
      %eq3A_930 = arith.constant 0 : i32
      %eq3A_931 = arith.cmpi eq, %and3A_891, %eq3A_930 : i32
      %and3A_932 = arith.andi %eq3A_929, %eq3A_931 : i1
      %convert_element_type3A_933 = arith.extui %and3A_932 : i1 to i32
      %cond3A_934 = arith.constant 0 : i32
      %cond3A_935 = arith.cmpi ne, %convert_element_type3A_933, %cond3A_934 : i32
      scf.if %cond3A_935 {
        %add3A_944 = arith.addi %mul3A_2, %select_n3A_886 : i32
        %dma_start3A_945 = arith.constant 0 : i32
        %dma_start3A_946 = tpu.memref_slice %arg14[%dma_start3A_945] : memref<25088xf32, #tpu.memory_space<vmem>> -> memref<12544xf32, #tpu.memory_space<vmem>>
        %dma_start3A_947 = arith.constant 0 : i32
        %dma_start3A_948 = tpu.memref_slice %arg4[%add3A_944, %dma_start3A_947] : memref<512x12544xf32, #tpu.memory_space<hbm>> -> memref<1x12544xf32, #tpu.memory_space<hbm>>
        %dma_start3A_949 = tpu.memref_squeeze %dma_start3A_948 : memref<1x12544xf32, #tpu.memory_space<hbm>> -> memref<12544xf32, #tpu.memory_space<hbm>>
        %dma_start3A_950 = arith.constant 0 : i32
        %dma_start3A_951 = tpu.memref_slice %arg4[%add3A_944, %dma_start3A_950] : memref<512x12544xf32, #tpu.memory_space<hbm>> -> memref<1x12544xf32, #tpu.memory_space<hbm>>
        %dma_start3A_952 = tpu.memref_squeeze %dma_start3A_951 : memref<1x12544xf32, #tpu.memory_space<hbm>> -> memref<12544xf32, #tpu.memory_space<hbm>>
        %dma_start3A_953 = arith.constant 0 : i32
        %dma_start3A_954 = tpu.memref_slice %arg14[%dma_start3A_953] : memref<25088xf32, #tpu.memory_space<vmem>> -> memref<12544xf32, #tpu.memory_space<vmem>>
        tpu.enqueue_dma source(%dma_start3A_954 : memref<12544xf32, #tpu.memory_space<vmem>>) target(%dma_start3A_952 : memref<12544xf32, #tpu.memory_space<hbm>>) target_semaphore(%arg21 : memref<!tpu.dma_semaphore, #tpu.memory_space<semaphore_mem>>)
      } else {
      }
      %eq3A_936 = arith.constant 6 : i32
      %eq3A_937 = arith.cmpi eq, %sub3A_889, %eq3A_936 : i32
      %eq3A_938 = arith.constant 1 : i32
      %eq3A_939 = arith.cmpi eq, %and3A_891, %eq3A_938 : i32
      %and3A_940 = arith.andi %eq3A_937, %eq3A_939 : i1
      %convert_element_type3A_941 = arith.extui %and3A_940 : i1 to i32
      %cond3A_942 = arith.constant 0 : i32
      %cond3A_943 = arith.cmpi ne, %convert_element_type3A_941, %cond3A_942 : i32
      scf.if %cond3A_943 {
        %add3A_944 = arith.addi %mul3A_2, %select_n3A_886 : i32
        %dma_start3A_945 = arith.constant 12544 : i32
        %dma_start3A_946 = tpu.memref_slice %arg14[%dma_start3A_945] : memref<25088xf32, #tpu.memory_space<vmem>> -> memref<12544xf32, #tpu.memory_space<vmem>>
        %dma_start3A_947 = arith.constant 0 : i32
        %dma_start3A_948 = tpu.memref_slice %arg4[%add3A_944, %dma_start3A_947] : memref<512x12544xf32, #tpu.memory_space<hbm>> -> memref<1x12544xf32, #tpu.memory_space<hbm>>
        %dma_start3A_949 = tpu.memref_squeeze %dma_start3A_948 : memref<1x12544xf32, #tpu.memory_space<hbm>> -> memref<12544xf32, #tpu.memory_space<hbm>>
        %dma_start3A_950 = arith.constant 0 : i32
        %dma_start3A_951 = tpu.memref_slice %arg4[%add3A_944, %dma_start3A_950] : memref<512x12544xf32, #tpu.memory_space<hbm>> -> memref<1x12544xf32, #tpu.memory_space<hbm>>
        %dma_start3A_952 = tpu.memref_squeeze %dma_start3A_951 : memref<1x12544xf32, #tpu.memory_space<hbm>> -> memref<12544xf32, #tpu.memory_space<hbm>>
        %dma_start3A_953 = arith.constant 12544 : i32
        %dma_start3A_954 = tpu.memref_slice %arg14[%dma_start3A_953] : memref<25088xf32, #tpu.memory_space<vmem>> -> memref<12544xf32, #tpu.memory_space<vmem>>
        tpu.enqueue_dma source(%dma_start3A_954 : memref<12544xf32, #tpu.memory_space<vmem>>) target(%dma_start3A_952 : memref<12544xf32, #tpu.memory_space<hbm>>) target_semaphore(%arg22 : memref<!tpu.dma_semaphore, #tpu.memory_space<semaphore_mem>>)
      } else {
      }
    }
    %scan3A_386 = arith.constant 56 : i32
    %dma_wait3A = arith.constant 0 : i32
    %dma_wait3A_387 = arith.constant 0 : i32
    %dma_wait3A_388 = tpu.memref_slice %arg14[%dma_wait3A_387] : memref<25088xf32, #tpu.memory_space<vmem>> -> memref<12544xf32, #tpu.memory_space<vmem>>
    %dma_wait3A_389 = arith.constant 0 : i32
    %dma_wait3A_390 = tpu.memref_slice %arg4[%dma_wait3A, %dma_wait3A_389] : memref<512x12544xf32, #tpu.memory_space<hbm>> -> memref<1x12544xf32, #tpu.memory_space<hbm>>
    %dma_wait3A_391 = tpu.memref_squeeze %dma_wait3A_390 : memref<1x12544xf32, #tpu.memory_space<hbm>> -> memref<12544xf32, #tpu.memory_space<hbm>>
    %dma_wait3A_392 = arith.constant 0 : i32
    %dma_wait3A_393 = tpu.memref_slice %arg4[%dma_wait3A, %dma_wait3A_392] : memref<512x12544xf32, #tpu.memory_space<hbm>> -> memref<1x12544xf32, #tpu.memory_space<hbm>>
    %dma_wait3A_394 = tpu.memref_squeeze %dma_wait3A_393 : memref<1x12544xf32, #tpu.memory_space<hbm>> -> memref<12544xf32, #tpu.memory_space<hbm>>
    %dma_wait3A_395 = arith.constant 0 : i32
    %dma_wait3A_396 = tpu.memref_slice %arg14[%dma_wait3A_395] : memref<25088xf32, #tpu.memory_space<vmem>> -> memref<12544xf32, #tpu.memory_space<vmem>>
    tpu.wait_dma2 semaphore(%arg21 : memref<!tpu.dma_semaphore, #tpu.memory_space<semaphore_mem>>) src(%dma_wait3A_396 : memref<12544xf32, #tpu.memory_space<vmem>>) dst(%dma_wait3A_394 : memref<12544xf32, #tpu.memory_space<hbm>>)
    %dma_wait3A_397 = arith.constant 0 : i32
    %dma_wait3A_398 = arith.constant 0 : i32
    %dma_wait3A_399 = tpu.memref_slice %arg14[%dma_wait3A_398] : memref<25088xf32, #tpu.memory_space<vmem>> -> memref<12544xf32, #tpu.memory_space<vmem>>
    %dma_wait3A_400 = arith.constant 0 : i32
    %dma_wait3A_401 = tpu.memref_slice %arg4[%dma_wait3A_397, %dma_wait3A_400] : memref<512x12544xf32, #tpu.memory_space<hbm>> -> memref<1x12544xf32, #tpu.memory_space<hbm>>
    %dma_wait3A_402 = tpu.memref_squeeze %dma_wait3A_401 : memref<1x12544xf32, #tpu.memory_space<hbm>> -> memref<12544xf32, #tpu.memory_space<hbm>>
    %dma_wait3A_403 = arith.constant 0 : i32
    %dma_wait3A_404 = tpu.memref_slice %arg4[%dma_wait3A_397, %dma_wait3A_403] : memref<512x12544xf32, #tpu.memory_space<hbm>> -> memref<1x12544xf32, #tpu.memory_space<hbm>>
    %dma_wait3A_405 = tpu.memref_squeeze %dma_wait3A_404 : memref<1x12544xf32, #tpu.memory_space<hbm>> -> memref<12544xf32, #tpu.memory_space<hbm>>
    %dma_wait3A_406 = arith.constant 0 : i32
    %dma_wait3A_407 = tpu.memref_slice %arg14[%dma_wait3A_406] : memref<25088xf32, #tpu.memory_space<vmem>> -> memref<12544xf32, #tpu.memory_space<vmem>>
    tpu.wait_dma2 semaphore(%arg22 : memref<!tpu.dma_semaphore, #tpu.memory_space<semaphore_mem>>) src(%dma_wait3A_407 : memref<12544xf32, #tpu.memory_space<vmem>>) dst(%dma_wait3A_405 : memref<12544xf32, #tpu.memory_space<hbm>>)
    return
  }
}

</mosaic_0001>

<sc_bundles>
// kernel: kernel.3.cloned.1.call-start
scs
__scs_entry_jumppad:
0x0: {  	(pc) =	sbr.rel $0x88, $3  }
0x1: {  	(tag) =	ssettag $0x0;
	lr =	simm.s32 $0x1  }
0x2: {  	[smem:$0x3F9F] =	sst lr;
	_ =	strace $0xD0000000  }
0x3: {  	_ = 	snop  }
0x4: {  	_ = 	snop  }
0x5: {  	_ = 	snop  }
0x6: {  	_ = 	snop  }
0x7: {  	_ = 	snop  }
__scs_overlays_trampoline_lowered:
0x8: {  	[smem:$0x3FAE] =	sst s0  }
0x9: {  	[smem:$0x3FAF] =	sst s1  }
0xa: {  	[smem:$0x3FB0] =	sst s2  }
0xb: {  	[smem:$0x3FB1] =	sst s3  }
0xc: {  	[smem:$0x3FB2] =	sst s4  }
0xd: {  	[smem:$0x3FB3] =	sst s5  }
0xe: {  	[smem:$0x3FB4] =	sst s6  }
0xf: {  	[smem:$0x3FB5] =	sst s7  }
0x10: {  	[smem:$0x3FB6] =	sst s8  }
0x11: {  	[smem:$0x3FB7] =	sst s9;
	s0 =	simm.s32 @!p0 $0x0  }
0x12: {  	s1 =	sld [smem:$0x3F9D];
	s0 =	simm.s32 @p0 $0x1  }
0x13: {  	[smem:$0x3FB8] =	sst s0;
	s0 =	simm.s32 @!p1 $0x0  }
0x14: {  	s2 =	sld [smem:$0x3F9C];
	s0 =	simm.s32 @p1 $0x1  }
0x15: {  	[smem:$0x3FB9] =	sst s0;
	s0 =	simm.s32 @!p2 $0x0  }
0x16: {  	s3 =	sld [smem:$0x3FDB];
	s0 =	simm.s32 @p2 $0x1  }
0x17: {  	s4 =	simm.s32 $0x1BF5;
	[smem:$0x3FBB] =	sst s0  }
0x18: {  	s0 =	sld [smem:$0x3F9E];
	_ =	swait.ge [sflag:s4], $0x0  }
0x19: {  	s7 =	sld [smem:$0x3F9F]  }
0x1a: {  	s8 =	sadd.s32 $0xFFFFE003, lr  }
0x1b: {  	s9 =	sadd.s32 $0xFFFFFEF7, lr;
	s5 =	simm.s32 $0xFFFFFFFF;
	p2 =	slt.u32 s8, $0xFFFFF086  }
0x1c: {  	p1 =	slt.u32 s9, $0xF7A;
	s5 =	simm.s32 @!p2 $0x0  }
0x1d: {  	s5 =	simm.s32 @p1 $0x1;
	p0 =	seq.s32 s7, s2  }
0x1e: {  	s7 =	smul.u32 @!p0 $0xF7A, s2;
	p2 =	seq.s32 @!p0 s5, $0x0  }
0x1f: {  	s9 =	smul.u32 $0xF7A, s1;
	s8 =	simm.s32 @!p0 $0x1BF5;
	p2 =	por !p2, p0  }
0x20: {  	[sflag:s8] =	ssyncset.s32 @!p0 $0xFFFFF086;
	s6 =	sadd.s32 @!p0 s3, s7;
	s7 =	simm.s32 @!p0 $0x108  }
0x21: {  	s3 =	sadd.s32 s3, s9;
	s6 =	sadd.s32 @!p0 $0x88, s6;
	s7 =	simm.s32 @p2 $0x1082  }
0x22: {  	[simem:s7], [sflag:s8] =	dma.local @!p0 [hbm:s6], $0xF7A  }
0x23: {  	s9 =	sor.u32 $0xD0000000, s2;
	s6 =	simm.s32 $0x108;
	_ =	swait.ge @!p0 [sflag:s8], $0x0  }
0x24: {  	s3 =	sadd.s32 $0x88, s3;
	s6 =	simm.s32 @!p1 $0x1082;
	[sflag:s4] =	ssyncset.s32 $0xFFFFF086  }
0x25: {  	[simem:s6], [sflag:s4] =	dma.local [hbm:s3], $0xF7A  }
0x26: {  	[smem:$0x3F9F] =	sst s1;
	(tag) =	ssettag s2;
	_ =	strace s9  }
0x27: {  	s1 =	sld [smem:$0x3FAF]  }
0x28: {  	s2 =	sld [smem:$0x3FB0]  }
0x29: {  	s4 =	sld [smem:$0x3FB2]  }
0x2a: {  	p0 =	seq.s32 s5, $0x0;
	s5 =	sld [smem:$0x3FB3]  }
0x2b: {  	s6 =	sld [smem:$0x3FB4]  }
0x2c: {  	s7 =	sld [smem:$0x3FB5]  }
0x2d: {  	s3 =	simm.s32 $0x108;
	s8 =	sld [smem:$0x3FB6]  }
0x2e: {  	s3 =	simm.s32 @!p0 $0x1082;
	s9 =	sld [smem:$0x3FB7]  }
0x2f: {  	lr =	sadd.s32 s0, s3;
	s0 =	sld [smem:$0x3FAE]  }
0x30: {  	s3 =	sld [smem:$0x3FB1]  }
0x31: {  	[smem:$0x3FBA] =	sst s10  }
0x32: {  	s10 =	sld [smem:$0x3FB8];
	_ =	sdelay $0x3  }
0x33: {  	p0 =	seq.s32 s10, $0x1;
	s10 =	sld [smem:$0x3FBA];
	_ =	sdelay $0x3  }
0x34: {  	[smem:$0x3FBA] =	sst s10  }
0x35: {  	s10 =	sld [smem:$0x3FB9];
	_ =	sdelay $0x3  }
0x36: {  	p1 =	seq.s32 s10, $0x1;
	s10 =	sld [smem:$0x3FBA];
	_ =	sdelay $0x3  }
0x37: {  	[smem:$0x3FBA] =	sst s10  }
0x38: {  	s10 =	sld [smem:$0x3FBB]  }
0x39: {  	_ = 	snop;
	(pc) =	sbr.ind lr, $3  }
0x3a: {  	_ = 	snop  }
0x3b: {  	_ = 	snop  }
0x3c: {  	p2 =	seq.s32 s10, $0x1;
	s10 =	sld [smem:$0x3FBA]  }
0x3d: {  	_ =	shalt  }
0x3e: {  	_ =	shalt  }
0x3f: {  	_ =	shalt  }
0x40: {  	_ =	shalt  }
0x41: {  	_ =	shalt  }
0x42: {  	_ =	shalt  }
0x43: {  	_ =	shalt  }
0x44: {  	_ =	shalt  }
0x45: {  	_ =	shalt  }
0x46: {  	_ =	shalt  }
0x47: {  	_ =	shalt  }
0x48: {  	_ =	shalt  }
0x49: {  	_ =	shalt  }
0x4a: {  	_ =	shalt  }
0x4b: {  	_ =	shalt  }
0x4c: {  	_ =	shalt  }
0x4d: {  	_ =	shalt  }
0x4e: {  	_ =	shalt  }
0x4f: {  	_ =	shalt  }
0x50: {  	_ =	shalt  }
0x51: {  	_ =	shalt  }
0x52: {  	_ =	shalt  }
0x53: {  	_ =	shalt  }
0x54: {  	_ =	shalt  }
0x55: {  	_ =	shalt  }
0x56: {  	_ =	shalt  }
0x57: {  	_ =	shalt  }
0x58: {  	_ =	shalt  }
0x59: {  	_ =	shalt  }
0x5a: {  	_ =	shalt  }
0x5b: {  	_ =	shalt  }
0x5c: {  	_ =	shalt  }
0x5d: {  	_ =	shalt  }
0x5e: {  	_ =	shalt  }
0x5f: {  	_ =	shalt  }
0x60: {  	_ =	shalt  }
0x61: {  	_ =	shalt  }
0x62: {  	_ =	shalt  }
0x63: {  	_ =	shalt  }
0x64: {  	_ =	shalt  }
0x65: {  	_ =	shalt  }
0x66: {  	_ =	shalt  }
0x67: {  	_ =	shalt  }
0x68: {  	_ =	shalt  }
0x69: {  	_ =	shalt  }
0x6a: {  	_ =	shalt  }
0x6b: {  	_ =	shalt  }
0x6c: {  	_ =	shalt  }
0x6d: {  	_ =	shalt  }
0x6e: {  	_ =	shalt  }
0x6f: {  	_ =	shalt  }
0x70: {  	_ =	shalt  }
0x71: {  	_ =	shalt  }
0x72: {  	_ =	shalt  }
0x73: {  	_ =	shalt  }
0x74: {  	_ =	shalt  }
0x75: {  	_ =	shalt  }
0x76: {  	_ =	shalt  }
0x77: {  	_ =	shalt  }
0x78: {  	_ =	shalt  }
0x79: {  	_ =	shalt  }
0x7a: {  	_ =	shalt  }
0x7b: {  	_ =	shalt  }
0x7c: {  	_ =	shalt  }
0x7d: {  	_ =	shalt  }
0x7e: {  	_ =	shalt  }
0x7f: {  	_ =	shalt  }
0x80: {  	_ =	shalt  }
0x81: {  	_ =	shalt  }
0x82: {  	_ =	shalt  }
0x83: {  	_ =	shalt  }
0x84: {  	_ =	shalt  }
0x85: {  	_ =	shalt  }
0x86: {  	_ =	shalt  }
0x87: {  	_ =	shalt  }
.Lfunc_end0:
.L_simem_size_0:
called_computation.1_lowered:
.L_overlay_start_0:
0x88: {  	s2 =	sld [smem:$0x3FD9]  }
0x89: {  	s3 =	sld [smem:$0x3FFE];
	_ =	sdelay $0x1  }
0x8a: {  	s1 =	srdreg.scid  }
0x8b: {  	s0 =	sand.u32 $0x1, s1  }
0x8c: {  	s17 =	sshll.u32 s0, $0xA;
	s2 =	sadd.s32 s3, s2  }
0x8d: {  	s2 =	sadd.s32 s2, s17  }
0x8e: {  	[smem:$0x3FC6] =	sst s2  }
0x8f: {  	_ = 	snop  }
0x90: {  	s2 =	sld [smem:$0x3FD0];
	(tm) =	ssettm $0x1  }
0x91: {  	s18 =	sld [smem:$0x3FFB];
	_ =	sdelay $0x3  }
0x92: {  	_ =	strace s18  }
0x93: {  	s3 =	sld [smem:$0x3FFC];
	_ =	sdelay $0x3  }
0x94: {  	_ =	strace s3  }
0x95: {  	s3 =	sld [smem:$0x3FFD];
	_ =	sdelay $0x3  }
0x96: {  	_ =	strace s3  }
0x97: {  	_ =	strace $0x8FFFFFFF  }
0x98: {  	s19 =	sld [smem:$0x3FDB];
	_ =	sdelay $0x1  }
0x99: {  	s4 =	simm.s32 $_scs_section_size  }
0x9a: {  	s5 =	simm.s32 $_size__tile_overlayer_lowered;
	s6 =	simm.s32 $_tile_overlayer_lowered  }
0x9b: {  	s22 =	simm.s32 $0x1BFF;
	s21 =	sshll.u32 s6, $0x1;
	s3 =	sadd.s32 s4, s19  }
0x9c: {  	s7 =	simm.s32 $0x0;
	s20 =	sshll.u32 s5, $0x1;
	s5 =	sadd.s32 s21, s3  }
0x9d: {  	[timem:s7], [sflag:s22] =	dma.local [hbm:s5], s20  }
0x9e: {  	_ =	swait.ge [sflag:s22], s20  }
0x9f: {  	s4 =	ssub.s32 $0x0, s20;
	[sflag:s22] =	ssyncset.done $0x0  }
0xa0: {  	[sflag:s22] =	ssyncadd.s32 s4;
	_ =	sdelay $0x1  }
0xa1: {  	s23 =	simm.s32 $0x1B8B  }
0xa2: {  	_ =	swait.ge [sflag:s23], $0x1  }
0xa3: {  	[sflag:s23] =	ssyncset.done $0x0  }
0xa4: {  	s25 =	simm.s32 $0x1B8E;
	s24 =	sld [smem:$0x3FFE];
	[sflag:s23] =	ssyncadd.s32 $0xFFFFFFFF  }
0xa5: {  	s26 =	simm.s32 $execute0_lowered;
	[smem:$0x3FD2] =	sst s25  }
0xa6: {  	s5 =	sshll.u32 s26, $0x1;
	_ =	strace $0x80000049;
	[dreg:$0x1] =	wrdreg $0xFFFFFFFF  }
0xa7: {  	s28 =	simm.s32 $_size_execute0_lowered;
	s3 =	sadd.s32 s3, s5;
	[dreg:$0x0] =	wrdreg $0x0  }
0xa8: {  	s5 =	sshll.u32 s28, $0x1;
	[dreg:$0x2] =	wrdreg s3  }
0xa9: {  	[dreg:$0x3] =	wrdreg s5  }
0xaa: {  	[dreg:$0x4] =	wrdreg $0xC0  }
0xab: {  	_ =	task [dreg:s7], $0x5FFFF  }
0xac: {  	[dreg:$0x1] =	wrdreg $0xFFFFFFFF  }
0xad: {  	[dreg:$0x0] =	wrdreg $0x60  }
0xae: {  	[dreg:$0x2] =	wrdreg s24  }
0xaf: {  	[dreg:$0x3] =	wrdreg s2  }
0xb0: {  	[dreg:$0x4] =	wrdreg $0x9  }
0xb1: {  	_ =	task.clear_ibuf [dreg:s7], $0x5FFFF;
	_ =	strace $0x90000049  }
0xb2: {  	s29 =	simm.s32 $0x9;
	_ =	strace $0x8000004B  }
0xb3: {  	_ =	swait.ge [sflag:s29], $0x1  }
0xb4: {  	[sflag:s29] =	ssyncadd.s32 $0xFFFFFFFF  }
0xb5: {  	_ =	strace $0x9000004B  }
0xb6: {  	_ =	sfence  }
0xb7: {  	s30 =	sld [smem:$0x0];
	_ =	sdelay $0x2  }
0xb8: {  	s31 =	sshll.u32 s1, $0xD;
	s1 =	sshrl.u32 s1, $0x2  }
0xb9: {  	s3 =	sand.u32 $0x4000, s31;
	s1 =	sadd.s32 s1, s30  }
0xba: {  	s0 =	sor.u32 s3, s0;
	s1 =	sshll.u32 s1, $0x11  }
0xbb: {  	s0 =	sor.u32 s1, s0  }
0xbc: {  	s0 =	sadd.s32 $0x8F2B, s0  }
0xbd: {  	[sflag:s0] =	ssyncadd.remote.s32 $0x1  }
0xbe: {  	_ =	sfence.sel $0xFFFF  }
0xbf: {  	[dreg:$0x0] =	wrdreg $0xFFFFFFFF;
	(pc) =	sbr.abs _section_cstart, $3  }
0xc0: {  	[dreg:$0x1] =	wrdreg $0xFFFFFFFF  }
0xc1: {  	_ =	task.clear_ibuf [dreg:s7], $0x2FFFF;
	_ =	strace $0x9FFFFFFF  }
0xc2: {  	(tm) =	ssettm $0x7FFFFFFF  }
0xc3: {  	_ =	shalt  }
tec
execute0_lowered:
.L_overlay_start_1:
0x0: {  	(tag) =	ssettag $0x1  }
0x1: {  	v0 =	vimm.f32 $7.750000000e+00  }
0x2: {  	vm0 =	vcmask $0x300;
	vm1 =	vcmask $0x704;
	vm5 =	vcmask $0xB08  }
0x3: {  	vm4 =	vcmask $0x1310;
	vm2 =	vcmask $0x1F1C;
	vm3 =	vcmask $0x2320  }
0x4: {  	vm6 =	vcmask $0x2F2C;
	vm11 =	vcmask $0x3330;
	v0 =	vsel vm0, $0x3E800000, v0  }
0x5: {  	vm7 =	vcmask $0x3734;
	vm12 =	vcmask $0x3B38;
	v0 =	vsel vm1, $0x3F400000, v0  }
0x6: {  	v7 =	vlaneseq.u32;
	vm1 =	vcmask $0xF0C;
	v0 =	vsel vm5, $0x3FA00000, v0  }
0x7: {  	s0 =	rddreg [dreg:$0x0];
	vm13 =	vcmask $0x1710;
	vm14 =	vcmask $0x700;
	v0 =	vsel vm1, $0x3FE00000, v0  }
0x8: {  	s1 =	rddreg [dreg:$0x1];
	s2 =	srdreg.scid;
	vm15 =	vcmask $0x2720;
	vm1 =	vcmask $0x1714;
	v0 =	vsel vm4, $0x40100000, v0  }
0x9: {  	s3 =	stileid.u32;
	s5 =	simm.s32 $0x0;
	s9 =	simm.s32 $0x40;
	vm0 =	vmor vm0, vm5;
	v0 =	vsel vm1, $0x40300000, v0;
	vm1 =	vcmask $0x1B18  }
0xa: {  	s11 =	simm.s32 $0x1E0;
	s12 =	simm.s32 $0x30;
	s13 =	simm.s32 $0x140;
	v63 =	vshrl.u32 v7, $0x3;
	v9 =	vshrl.u32 v7, $0x2;
	v0 =	vsel vm1, $0x40500000, v0  }
0xb: {  	s14 =	simm.s32 $0x21E0;
	s15 =	simm.s32 $0x170;
	s16 =	simm.s32 $0x39E0;
	vm0 =	vmor vm0, vm4;
	v9 =	vand.u32 $0x1, v9;
	v0 =	vsel vm2, $0x40700000, v0  }
0xc: {  	s17 =	simm.s32 $0x1B0;
	s18 =	simm.s32 $0x59E0;
	s19 =	simm.s32 $0x1;
	v10 =	vor.u32 $0x2, v9;
	vm2 =	vcmask $0x2724;
	v0 =	vsel vm3, $0x40880000, v0  }
0xd: {  	s20 =	simm.s32 $0x2;
	s21 =	simm.s32 $0x71E0;
	s2 =	sand.u32 $0x1, s2;
	v11 =	vor.u32 $0x4, v9;
	v1 =	vsel vm2, $0x40980000, v0;
	vm2 =	vcmask $0x2B28  }
0xe: {  	s3 =	sshll.u32 s3, $0x5;
	s4 =	sshll.u32 s2, $0x4;
	s2 =	ssub.s32 $0x2, s2;
	v12 =	vor.u32 $0x6, v9;
	v13 =	vor.u32 $0x8, v9;
	v2 =	vsel vm2, $0x40A80000, v1  }
0xf: {  	[smem:$0x7FF] =	sst s5;
	s4 =	sor.u32 s4, s3;
	s6 =	sshrl.u32 s2, $0x1;
	v14 =	vor.u32 $0xA, v9;
	vm0 =	vmor vm0, vm1;
	v3 =	vsel vm6, $0x40B80000, v2  }
0x10: {  	s5 =	sadd.s32 $0xA00, s0;
	s3 =	sshll.u32 s4, $0x1;
	s2 =	ssub.s32 s2, s6;
	vm1 =	vmor vm14, vm13;
	vm0 =	vmor vm0, vm3;
	v4 =	vsel vm11, $0x40C80000, v3  }
0x11: {  	_ =	strace $0x8000004A;
	s0 =	sadd.s32 s3, s0;
	s31 =	smax.u32 s2, $0x1;
	vm1 =	vmor vm1, vm15;
	vm0 =	vmor vm0, vm2;
	v5 =	vsel vm7, $0x40D80000, v4  }
0x12: {  	s22 =	simm.s32 $0x3;
	[tilespmem:$0x1FFF0] =	vst v63;
	s0 =	sadd.s32 $0x271A00, s0;
	[dreg:$0x4] =	wrdreg s31;
	vm2 =	vcmask $0x3730;
	vm3 =	vmor vm0, vm11;
	v62 =	vsel vm12, $0x40E80000, v5  }
0x13: {  	s23 =	simm.s32 $0x4;
	v15 =	vor.u32 $0xC, v9;
	s3 =	simm.s32 $0x0;
	[dreg:$0x3] =	wrdreg s0;
	vm0 =	vmor vm1, vm2;
	vm1 =	vmor vm3, vm12;
	[tilespmem:$0x1FFE0] =	vst v62  }
.LBB2_1:
0x14: {  	[dreg:$0x5] =	wrdreg s3  }
0x15: {  	s0 =	simm.s32 $0x0;
	s2 =	rddreg [dreg:$0x3];
	s30 =	simm.s32 $0x7  }
0x16: {  	[tilespmem:s0], [sflag:$0x7] =	stream.linear.gather [hbm4b:s2+s0], $0x100, $0x38;
	[tilespmem:$0xD4C0] =	vst v63  }
0x17: {  	_ =	swait.ge [sflag:s30], $0x100  }
0x18: {  	[sflag:s30] =	ssyncset.done $0x0  }
0x19: {  	[sflag:s30] =	ssyncadd.s32 $0xFFFFFF00  }
0x1a: {  	v16 =	vld [tilespmem:$0x0];
	_ =	sdelay $0x3  }
0x1b: {  	v0 =	vimm.s32 $0x2;
	v55 =	vimm.s32 $0x4;
	v56 =	vimm.s32 $0x1  }
0x1c: {  	v57 =	vimm.s32 $0x3;
	v17 =	vperm.xlane v16, v0;
	v18 =	vperm.xlane v16, v55  }
0x1d: {  	v19 =	vperm.xlane v16, v56;
	v20 =	vperm.xlane v16, v57  }
0x1e: {  	v17 =	vmul.f32 $2.500000000e-01, v17;
	v18 =	vmul.f32 $2.500000000e-01, v18  }
0x1f: {  	v19 =	vmul.f32 $2.500000000e-01, v19;
	v20 =	vmul.f32 $2.500000000e-01, v20  }
0x20: {  	v17 =	vadd.f32 $-5.000000000e-01, v17;
	v18 =	vadd.f32 $-5.000000000e-01, v18  }
0x21: {  	v19 =	vadd.f32 $-5.000000000e-01, v19;
	v20 =	vadd.f32 $-5.000000000e-01, v20  }
0x22: {  	v58 =	vld [tilespmem:$0x1FFE0]  }
0x23: {  	v18 =	vsub.f32 v18, v17;
	v20 =	vsub.f32 v20, v19;
	_ =	sdelay $0x1  }
0x24: {  	v18 =	vmul.f32 $1.428571490e-01, v18;
	v20 =	vmul.f32 $1.428571490e-01, v20;
	_ =	sdelay $0x1  }
0x25: {  	v59 =	vimm.s32 $0x0;
	v18 =	vmul.f32 v58, v18;
	v20 =	vmul.f32 v58, v20  }
0x26: {  	v16 =	vperm.xlane v16, v59  }
0x27: {  	v17 =	vadd.f32 v18, v17;
	v60 =	vadd.f32 v20, v19  }
0x28: {  	v63 =	vimm.f32 $0.0e+00;
	v16 =	vtrunc.f32 v16  }
0x29: {  	v16 =	vcvt.f32.s32 v16;
	v61 =	vmax.f32 v17, $0.0e+00;
	v20 =	vmax.f32 v60, $0.0e+00  }
0x2a: {  	vm2 =	vge.f32 v17, $-1.000000000e+00;
	v19 =	vmin.f32 v61, $1.990000000e+02;
	v20 =	vmin.f32 v20, $1.990000000e+02  }
0x2b: {  	vm3 =	vle.f32 v17, $2.000000000e+02;
	v21 =	vtrunc.f32 v19;
	v22 =	vtrunc.f32 v20  }
0x2c: {  	vm2 =	vmand vm2, vm3;
	v21 =	vcvt.f32.s32 v21;
	v17 =	vcvt.f32.s32 v22  }
0x2d: {  	v16 =	vmul.u32 $0x9C40, v16;
	v25 =	vsel vm2, $0x3F000000, v63;
	vm2 =	vge.f32 v60, $-1.000000000e+00  }
0x2e: {  	v62 =	vcvt.s32.f32 v21;
	v23 =	vadd.s32 $0x1, v21;
	v24 =	vcvt.s32.f32 v17  }
0x2f: {  	v32 =	vld [tilespmem:$0x1FFF0];
	v21 =	vmul.u32 $0xC8, v21;
	v34 =	vperm.xlane v17, v9;
	v39 =	vperm.xlane v17, v10  }
0x30: {  	v31 =	vadd.s32 $0x1, v17;
	v41 =	vperm.xlane v17, v11;
	v49 =	vperm.xlane v17, v13  }
0x31: {  	v56 =	vperm.xlane v17, v14;
	vm3 =	vlt.s32 v23, $0xC7;
	v19 =	vsub.f32 v19, v62  }
0x32: {  	v26 =	vnsel vm3, $0xC7, v23;
	v20 =	vsub.f32 v20, v24;
	vm3 =	vle.f32 v60, $2.000000000e+02  }
0x33: {  	v21 =	vadd.s32 v16, v21;
	v22 =	vmul.u32 $0xC8, v26;
	vm2 =	vmand vm2, vm3  }
0x34: {  	v21 =	vperm.xlane v21, v32;
	v27 =	vsub.f32 $1.000000000e+00, v19;
	v28 =	vsub.f32 $1.000000000e+00, v20  }
0x35: {  	v19 =	vmul.f32 v19, v25;
	v30 =	vsel vm2, $0x3F000000, v63;
	vm2 =	vlt.s32 v31, $0xC7  }
0x36: {  	v16 =	vadd.s32 v16, v22;
	v20 =	vmul.f32 v20, v30;
	v29 =	vmul.f32 v27, v25  }
0x37: {  	v33 =	vnsel vm2, $0xC7, v31;
	v18 =	vmul.f32 v28, v30;
	v16 =	vperm.xlane v16, v32  }
0x38: {  	v19 =	vperm.xlane v19, v32;
	v24 =	vperm.xlane v33, v9  }
0x39: {  	v38 =	vperm.xlane v33, v10;
	v40 =	vperm.xlane v33, v11  }
0x3a: {  	v43 =	vperm.xlane v33, v12;
	v30 =	vperm.xlane v17, v12  }
0x3b: {  	v48 =	vperm.xlane v33, v13;
	v55 =	vperm.xlane v33, v14  }
0x3c: {  	v23 =	vperm.xlane v33, v15;
	v26 =	vperm.xlane v20, v9  }
0x3d: {  	v35 =	vperm.xlane v20, v10;
	v42 =	vperm.xlane v20, v11  }
0x3e: {  	v45 =	vperm.xlane v20, v12;
	v51 =	vperm.xlane v20, v13  }
0x3f: {  	v22 =	vperm.xlane v29, v32;
	v27 =	vperm.xlane v18, v9;
	v16 =	vsel vm0, v21, v16  }
0x40: {  	v28 =	vperm.xlane v18, v10;
	v36 =	vsel vm1, v34, v24;
	v25 =	vsel vm1, v39, v38  }
0x41: {  	v29 =	vperm.xlane v18, v11;
	v47 =	vsel vm1, v30, v43;
	v25 =	vadd.s32 v16, v25  }
0x42: {  	v46 =	vperm.xlane v18, v12;
	v57 =	vadd.s32 v16, v47;
	v19 =	vsel vm0, v22, v19;
	[tilespmem:$0x110] =	vst v25  }
0x43: {  	v37 =	vsel vm1, v27, v26;
	v22 =	vadd.s32 v16, v36;
	v26 =	vsel vm1, v41, v40;
	[tilespmem:$0x130] =	vst v57  }
0x44: {  	v21 =	vsel vm1, v28, v35;
	v24 =	vmul.f32 v37, v19;
	[tilespmem:$0x100] =	vst v22;
	v26 =	vadd.s32 v16, v26  }
0x45: {  	v52 =	vperm.xlane v18, v13;
	v44 =	vsel vm1, v29, v42;
	v21 =	vmul.f32 v21, v19;
	[tilespmem:$0x120] =	vst v26  }
0x46: {  	v17 =	vperm.xlane v17, v15;
	v50 =	vsel vm1, v46, v45;
	v22 =	vmul.f32 v44, v19;
	[tilespmem:$0xD3E0] =	vst v24  }
0x47: {  	v61 =	vperm.xlane v20, v14;
	v54 =	vsel vm1, v52, v51;
	v58 =	vmul.f32 v50, v19;
	[tilespmem:$0xD3F0] =	vst v21  }
0x48: {  	v20 =	vperm.xlane v20, v15;
	v59 =	vmul.f32 v54, v19;
	[tilespmem:$0xD400] =	vst v22  }
0x49: {  	v53 =	vsel vm1, v49, v48;
	v62 =	vperm.xlane v18, v14;
	v18 =	vperm.xlane v18, v15;
	[tilespmem:$0xD410] =	vst v58  }
0x4a: {  	v60 =	vsel vm1, v56, v55;
	v21 =	vadd.s32 v16, v53;
	[tilespmem:$0xD420] =	vst v59  }
0x4b: {  	v17 =	vsel vm1, v17, v23;
	v18 =	vsel vm1, v18, v20;
	v22 =	vadd.s32 v16, v60;
	[tilespmem:$0x140] =	vst v21  }
0x4c: {  	v63 =	vsel vm1, v62, v61;
	v16 =	vadd.s32 v16, v17;
	v17 =	vmul.f32 v18, v19;
	[tilespmem:$0x150] =	vst v22  }
0x4d: {  	v21 =	vmul.f32 v63, v19;
	[tilespmem:$0x160] =	vst v16  }
0x4e: {  	[tilespmem:$0xD440] =	vst v17  }
0x4f: {  	s31 =	simm.s32 $0x100;
	[tilespmem:$0xD430] =	vst v21  }
0x50: {  	[tilespmem:s11], [sflag:$0x1] =	stream.indirect.gather [hbm4b:s5+s9], $0x80, s31, s9, $0xb8;
	[tilespmem:$0xD4C0] =	vst v63  }
0x51: {  	s28 =	simm.s32 $0x0  }
0x52: {  	[tilespmem:s14], [sflag:$0x2] =	stream.indirect.gather [hbm4b:s5+s12], $0x80, s13, s12, $0xb8;
	[tilespmem:$0xD4C0] =	vst v63  }
.LBB2_2:
0x53: {  	s0 =	sshllo.u32 s28, $0x1  }
0x54: {  	s2 =	smul.u32 $0x25, s0;
	_ =	sdelay $0x1  }
0x55: {  	s2 =	sshrl.u32 s2, $0x8  }
0x56: {  	s3 =	ssub.s32 s0, s2  }
0x57: {  	s3 =	sand.u32 $0xFE, s3  }
0x58: {  	s3 =	sshrl.u32 s3, $0x1  }
0x59: {  	s2 =	sadd.s32 s2, s3  }
0x5a: {  	s2 =	sand.u32 $0xFC, s2  }
0x5b: {  	s29 =	sshrl.u32 s2, $0x2  }
0x5c: {  	s2 =	sshll.u32 s29, $0x4  }
0x5d: {  	v16 =	vld [tilespmem:s2+$0x0];
	_ =	sdelay $0x3  }
0x5e: {  	v0 =	vimm.s32 $0x2;
	v51 =	vimm.s32 $0x4;
	v52 =	vimm.s32 $0x1  }
0x5f: {  	v53 =	vimm.s32 $0x3;
	v17 =	vperm.xlane v16, v0;
	v18 =	vperm.xlane v16, v51  }
0x60: {  	v19 =	vperm.xlane v16, v52;
	v20 =	vperm.xlane v16, v53  }
0x61: {  	v17 =	vmul.f32 $2.500000000e-01, v17;
	v18 =	vmul.f32 $2.500000000e-01, v18  }
0x62: {  	v19 =	vmul.f32 $2.500000000e-01, v19;
	v20 =	vmul.f32 $2.500000000e-01, v20  }
0x63: {  	v17 =	vadd.f32 $-5.000000000e-01, v17;
	v18 =	vadd.f32 $-5.000000000e-01, v18  }
0x64: {  	v19 =	vadd.f32 $-5.000000000e-01, v19;
	v20 =	vadd.f32 $-5.000000000e-01, v20  }
0x65: {  	v1 =	vld [tilespmem:$0x1FFE0]  }
0x66: {  	v18 =	vsub.f32 v18, v17;
	v20 =	vsub.f32 v20, v19;
	_ =	sdelay $0x1  }
0x67: {  	v63 =	vld [tilespmem:$0x1FFF0];
	v18 =	vmul.f32 $1.428571490e-01, v18;
	v20 =	vmul.f32 $1.428571490e-01, v20  }
0x68: {  	s10 =	smul.u32 $0xFFFFFFF9, s29  }
0x69: {  	v54 =	vimm.s32 $0x0;
	v18 =	vmul.f32 v1, v18;
	v55 =	vmul.f32 v1, v20  }
0x6a: {  	s30 =	sadd.s32 s0, s10;
	v16 =	vperm.xlane v16, v54  }
0x6b: {  	s0 =	sshll.u32 s30, $0x1;
	v17 =	vadd.f32 v18, v17;
	v18 =	vadd.f32 v55, v19  }
0x6c: {  	v59 =	vimm.f32 $0.0e+00;
	v2 =	vor.u32 s0, v63;
	v16 =	vtrunc.f32 v16  }
0x6d: {  	v16 =	vcvt.f32.s32 v16;
	v56 =	vmax.f32 v17, $0.0e+00;
	v21 =	vmax.f32 v18, $0.0e+00  }
0x6e: {  	vm2 =	vge.f32 v17, $-1.000000000e+00;
	v20 =	vmin.f32 v56, $1.990000000e+02;
	v21 =	vmin.f32 v21, $1.990000000e+02  }
0x6f: {  	vm3 =	vle.f32 v17, $2.000000000e+02;
	v57 =	vtrunc.f32 v20;
	v23 =	vtrunc.f32 v21  }
0x70: {  	vm2 =	vmand vm2, vm3;
	v19 =	vcvt.f32.s32 v57;
	v23 =	vcvt.f32.s32 v23  }
0x71: {  	v16 =	vmul.u32 $0x9C40, v16;
	v24 =	vsel vm2, $0x3F000000, v59;
	vm2 =	vge.f32 v18, $-1.000000000e+00  }
0x72: {  	v22 =	vcvt.s32.f32 v19;
	v17 =	vadd.s32 $0x1, v19;
	v58 =	vcvt.s32.f32 v23  }
0x73: {  	v19 =	vmul.u32 $0xC8, v19;
	v32 =	vperm.xlane v23, v9;
	v37 =	vperm.xlane v23, v10  }
0x74: {  	v62 =	vadd.s32 $0x1, v23;
	v39 =	vperm.xlane v23, v11;
	v30 =	vperm.xlane v23, v12  }
0x75: {  	v47 =	vperm.xlane v23, v13;
	v54 =	vperm.xlane v23, v14;
	vm3 =	vlt.s32 v17, $0xC7  }
0x76: {  	v23 =	vperm.xlane v23, v15;
	v20 =	vsub.f32 v20, v22;
	v17 =	vnsel vm3, $0xC7, v17  }
0x77: {  	v19 =	vadd.s32 v16, v19;
	v21 =	vsub.f32 v21, v58;
	vm3 =	vle.f32 v18, $2.000000000e+02  }
0x78: {  	v17 =	vmul.u32 $0xC8, v17;
	vm2 =	vmand vm2, vm3;
	v19 =	vperm.xlane v19, v2  }
0x79: {  	v25 =	vsub.f32 $1.000000000e+00, v20;
	v60 =	vsub.f32 $1.000000000e+00, v21;
	v61 =	vsel vm2, $0x3F000000, v59  }
0x7a: {  	v20 =	vmul.f32 v20, v24;
	vm2 =	vlt.s32 v62, $0xC7;
	v21 =	vmul.f32 v21, v61  }
0x7b: {  	v16 =	vadd.s32 v16, v17;
	v17 =	vmul.f32 v25, v24;
	v18 =	vmul.f32 v60, v61  }
0x7c: {  	v16 =	vperm.xlane v16, v2;
	v24 =	vnsel vm2, $0xC7, v62;
	v20 =	vperm.xlane v20, v2  }
0x7d: {  	v3 =	vperm.xlane v24, v9;
	v26 =	vperm.xlane v21, v9  }
0x7e: {  	v33 =	vperm.xlane v21, v10;
	v36 =	vperm.xlane v24, v10  }
0x7f: {  	v38 =	vperm.xlane v24, v11;
	v40 =	vperm.xlane v21, v11  }
0x80: {  	v41 =	vperm.xlane v24, v12;
	v43 =	vperm.xlane v21, v12  }
0x81: {  	v46 =	vperm.xlane v24, v13;
	v49 =	vperm.xlane v21, v13  }
0x82: {  	v17 =	vperm.xlane v17, v2;
	v27 =	vperm.xlane v18, v9;
	v16 =	vsel vm0, v19, v16  }
0x83: {  	v28 =	vperm.xlane v18, v10;
	v29 =	vperm.xlane v18, v11;
	v34 =	vsel vm1, v32, v3  }
0x84: {  	v25 =	vsel vm1, v37, v36;
	v17 =	vsel vm0, v17, v20;
	v20 =	vadd.s32 v16, v34  }
0x85: {  	v44 =	vperm.xlane v18, v12;
	v45 =	vsel vm1, v30, v41;
	v25 =	vadd.s32 v16, v25;
	[tilespmem:$0x170] =	vst v20  }
0x86: {  	v35 =	vsel vm1, v27, v26;
	v26 =	vsel vm1, v39, v38;
	v55 =	vadd.s32 v16, v45;
	[tilespmem:$0x180] =	vst v25  }
0x87: {  	v19 =	vsel vm1, v28, v33;
	v22 =	vmul.f32 v35, v17;
	v26 =	vadd.s32 v16, v26;
	[tilespmem:$0x1A0] =	vst v55  }
0x88: {  	v50 =	vperm.xlane v18, v13;
	v42 =	vsel vm1, v29, v40;
	v19 =	vmul.f32 v19, v17;
	[tilespmem:$0x190] =	vst v26  }
0x89: {  	v53 =	vperm.xlane v24, v14;
	v48 =	vsel vm1, v44, v43;
	v20 =	vmul.f32 v42, v17;
	[tilespmem:$0xD450] =	vst v22  }
0x8a: {  	s24 =	smul.u32 $0x4A, s28;
	v59 =	vperm.xlane v21, v14;
	v52 =	vsel vm1, v50, v49;
	v56 =	vmul.f32 v48, v17;
	[tilespmem:$0xD460] =	vst v19  }
0x8b: {  	v61 =	vperm.xlane v24, v15;
	v57 =	vmul.f32 v52, v17;
	[tilespmem:$0xD470] =	vst v20  }
0x8c: {  	s31 =	sshll.u32 s28, $0x1;
	s0 =	sshrl.u32 s24, $0x8;
	v21 =	vperm.xlane v21, v15;
	v60 =	vperm.xlane v18, v14;
	v51 =	vsel vm1, v47, v46;
	[tilespmem:$0xD480] =	vst v56  }
0x8d: {  	s25 =	ssub.s32 s31, s0;
	v18 =	vperm.xlane v18, v15;
	v58 =	vsel vm1, v54, v53;
	v19 =	vadd.s32 v16, v51;
	[tilespmem:$0xD490] =	vst v57  }
0x8e: {  	s2 =	sand.u32 $0xFE, s25;
	v63 =	vsel vm1, v23, v61;
	v62 =	vsel vm1, v60, v59;
	v20 =	vadd.s32 v16, v58;
	[tilespmem:$0x1B0] =	vst v19  }
0x8f: {  	s2 =	sshrl.u32 s2, $0x1;
	v18 =	vsel vm1, v18, v21;
	v16 =	vadd.s32 v16, v63;
	v19 =	vmul.f32 v62, v17;
	[tilespmem:$0x1C0] =	vst v20  }
0x90: {  	s0 =	sadd.s32 s0, s2;
	v17 =	vmul.f32 v18, v17;
	[tilespmem:$0x1D0] =	vst v16  }
0x91: {  	s0 =	sand.u32 $0xFC, s0;
	[tilespmem:$0xD4A0] =	vst v19  }
0x92: {  	s0 =	sshrl.u32 s0, $0x2;
	[tilespmem:$0xD4B0] =	vst v17  }
0x93: {  	[tilespmem:s16], [sflag:$0x3] =	stream.indirect.gather [hbm4b:s5+s9], $0x80, s15, s9, $0xb8;
	[tilespmem:$0xD4C0] =	vst v63  }
0x94: {  	s26 =	smul.u32 $0xFFFFFFF9, s0  }
0x95: {  	[tilespmem:s18], [sflag:$0x4] =	stream.indirect.gather [hbm4b:s5+s12], $0x80, s17, s12, $0xb8;
	[tilespmem:$0xD4C0] =	vst v63  }
0x96: {  	s2 =	sadd.s32 s31, s26;
	_ =	swait.ge [sflag:s19], $0x2000  }
0x97: {  	p0 =	sgt.u32 s28, $0x6;
	p1 =	seq.s32 s2, $0x0;
	[sflag:s19] =	ssyncset.done $0x0  }
0x98: {  	s3 =	sand.u32 $0x1, s0;
	p1 =	por !p0, !p1;
	[sflag:s19] =	ssyncadd.s32 $0xFFFFE000  }
0x99: {  	p2 =	por !p1, !p1;
	p1 =	seq.s32 s3, $0x1;
	_ =	swait.ge [sflag:s20], $0x1800  }
0x9a: {  	p3 =	por !p2, p1;
	[sflag:s20] =	ssyncset.done $0x0  }
0x9b: {  	s6 =	simm.s32 @!p3 $0x5;
	[sflag:s20] =	ssyncadd.s32 $0xFFFFE800  }
0x9c: {  	p2 =	por !p2, !p1;
	_ =	swait.ge @!p3 [sflag:s6], $0x3100  }
0x9d: {  	p2 =	por !p2, !p2;
	[sflag:s6] =	ssyncset.done @!p3 $0x0  }
0x9e: {  	[sflag:s6] =	ssyncadd.s32 @!p3 $0xFFFFCF00;
	s6 =	simm.s32 @p2 $0x6  }
0x9f: {  	s7 =	smul.u32 $0x3100, s3;
	_ =	swait.ge @p2 [sflag:s6], $0x3100  }
0xa0: {  	s8 =	smul.u32 $0x7, s2;
	[sflag:s6] =	ssyncset.done @p2 $0x0  }
0xa1: {  	s24 =	simm.s32 $0x0;
	[sflag:s6] =	ssyncadd.s32 @p2 $0xFFFFCF00  }
0xa2: {  	s6 =	sadd.s32 s7, s8;
	s7 =	simm.s32 $0x0;
	s8 =	simm.s32 $0x220  }
.LBB2_3:
0xa3: {  	v18 =	vld [tilespmem:s8+$0xFFFFFFC0]  }
0xa4: {  	v19 =	vld [tilespmem:s8+$0x30]  }
0xa5: {  	v20 =	vld [tilespmem:s8+$0xFFFFFFE0]  }
0xa6: {  	v21 =	vld [tilespmem:s8+$0x0]  }
0xa7: {  	v28 =	vld [tilespmem:s8+$0x10]  }
0xa8: {  	s25 =	sshll.u32 s24, $0x4;
	v24 =	vld [tilespmem:s8+$0xFFFFFFD0]  }
0xa9: {  	v16 =	vld [tilespmem:s25+$0xD3E0]  }
0xaa: {  	v26 =	vld [tilespmem:s8+$0x20]  }
0xab: {  	v17 =	vmov s7;
	v22 =	vld [tilespmem:s8+$0xFFFFFFF0];
	v32 =	vimm.f32 $0.0e+00  }
0xac: {  	v33 =	vimm.f32 $0.0e+00;
	v31 =	vimm.f32 $0.0e+00;
	v35 =	vimm.f32 $0.0e+00  }
0xad: {  	v30 =	vimm.f32 $0.0e+00;
	v36 =	vimm.f32 $0.0e+00;
	v23 =	vshll.u32 v19, $0x10  }
0xae: {  	v27 =	vshll.u32 v18, $0x10;
	v39 =	vshll.u32 v28, $0x10;
	v29 =	vperm.xlane v16, v17  }
0xaf: {  	v47 =	vshll.u32 v24, $0x10;
	v45 =	vshll.u32 v21, $0x10;
	v40 =	vshll.u32 v26, $0x10  }
0xb0: {  	v41 =	vshll.u32 v22, $0x10;
	v25 =	vmul.f32 v20, v29;
	v37 =	vmul.f32 v23, v29  }
0xb1: {  	v17 =	vimm.f32 $0.0e+00;
	v18 =	vmul.f32 v18, v29;
	v34 =	vmul.f32 v19, v29  }
0xb2: {  	v19 =	vshll.u32 v20, $0x10;
	v46 =	vmul.f32 v27, v29;
	v44 =	vmul.f32 v21, v29  }
0xb3: {  	v42 =	vmul.f32 v22, v29;
	v38 =	vmul.f32 v26, v29;
	v20 =	vimm.f32 $0.0e+00  }
0xb4: {  	v21 =	vimm.f32 $0.0e+00;
	v22 =	vimm.f32 $0.0e+00;
	v26 =	vimm.f32 $0.0e+00  }
0xb5: {  	v43 =	vmul.f32 v19, v29;
	v19 =	vimm.f32 $0.0e+00;
	v23 =	vadd.f32 v18, v17  }
0xb6: {  	s26 =	sadd.s32 $0x80, s8;
	s25 =	simm.s32 $0x1;
	v27 =	vadd.f32 v25, v17;
	v18 =	vimm.f32 $0.0e+00;
	v25 =	vimm.f32 $0.0e+00  }
.LBB2_4:
0xb7: {  	v48 =	vld [tilespmem:s26+$0xFFFFFFC0];
	p2 =	sne.s32 s25, $0xF;
	v17 =	vadd.f32 v46, v17;
	v45 =	vmul.f32 v45, v29;
	v32 =	vadd.f32 v37, v32;
	s10 =	smov.u32 s25;
	s25 =	sadd.s32 $0x1, s25  }
0xb8: {  	v37 =	vmul.f32 v47, v29;
	v24 =	vmul.f32 v24, v29;
	v18 =	vadd.f32 v43, v18;
	v46 =	vld [tilespmem:s26+$0x30]  }
0xb9: {  	v19 =	vadd.f32 v44, v19;
	v39 =	vmul.f32 v39, v29;
	v44 =	vmul.f32 v28, v29;
	v43 =	vld [tilespmem:s26+$0xFFFFFFE0]  }
0xba: {  	v40 =	vmul.f32 v40, v29;
	v33 =	vadd.f32 v34, v33;
	v20 =	vadd.f32 v37, v20;
	v49 =	vld [tilespmem:s26+$0x0]  }
0xbb: {  	v21 =	vadd.f32 v42, v21;
	v34 =	vmov s10;
	v25 =	vadd.f32 v45, v25;
	v28 =	vld [tilespmem:s26+$0x10]  }
0xbc: {  	v34 =	vperm.xlane v16, v34;
	v22 =	vadd.f32 v24, v22;
	v42 =	vshll.u32 v48, $0x10;
	v50 =	vld [tilespmem:s26+$0xFFFFFFF0]  }
0xbd: {  	v41 =	vmul.f32 v41, v29;
	v35 =	vadd.f32 v38, v35;
	v31 =	vadd.f32 v44, v31;
	v24 =	vld [tilespmem:s26+$0xFFFFFFD0]  }
0xbe: {  	v30 =	vadd.f32 v39, v30;
	v29 =	vmovc v34;
	v37 =	vshll.u32 v46, $0x10;
	v38 =	vmul.f32 v43, v34;
	v51 =	vld [tilespmem:s26+$0x20]  }
0xbf: {  	v26 =	vadd.f32 v41, v26;
	v37 =	vmul.f32 v37, v29;
	v34 =	vmul.f32 v46, v29  }
.Ltmp0:
0xc0: {  	v36 =	vadd.f32 v40, v36;
	v41 =	vmul.f32 v48, v29;
	v39 =	vshll.u32 v43, $0x10;
	(pc) =	sbr.rel @p2 .LBB2_4-.Ltmp0, $4  }
0xc1: {  	v46 =	vmul.f32 v42, v29;
	v43 =	vmul.f32 v39, v29;
	v39 =	vshll.u32 v28, $0x10  }
0xc2: {  	v23 =	vadd.f32 v41, v23;
	v44 =	vmul.f32 v49, v29;
	v47 =	vshll.u32 v24, $0x10  }
0xc3: {  	v45 =	vshll.u32 v49, $0x10;
	v42 =	vmul.f32 v50, v29;
	v40 =	vshll.u32 v51, $0x10  }
0xc4: {  	s26 =	sadd.s32 $0x80, s26;
	v27 =	vadd.f32 v38, v27;
	v41 =	vshll.u32 v50, $0x10;
	v38 =	vmul.f32 v51, v29  }
0xc5: {  	v16 =	vmul.u32 $0x62, v7  }
0xc6: {  	v46 =	vadd.f32 v46, v17;
	v47 =	vmul.f32 v47, v29;
	s10 =	sadd.s32 s24, s6  }
0xc7: {  	v24 =	vmul.f32 v24, v29;
	v48 =	vadd.s32 s10, v16;
	v17 =	vadd.s32 $0x31, v16  }
0xc8: {  	v43 =	vadd.f32 v43, v18;
	v18 =	vadd.s32 $0x620, v16;
	v49 =	vadd.s32 s10, v17  }
0xc9: {  	v44 =	vadd.f32 v44, v19;
	v19 =	vadd.s32 $0x651, v16;
	v50 =	vadd.s32 s10, v18  }
0xca: {  	v47 =	vadd.f32 v47, v20;
	v20 =	vadd.s32 $0xC40, v16;
	v51 =	vadd.s32 s10, v19  }
0xcb: {  	v42 =	vadd.f32 v42, v21;
	v21 =	vadd.s32 $0xC71, v16;
	v52 =	vadd.s32 s10, v20  }
0xcc: {  	v53 =	vadd.f32 v24, v22;
	v22 =	vadd.s32 $0x1260, v16;
	v1 =	vadd.s32 s10, v21;
	[tilespmem:v48+s21+$0x0] =	vst.idx.msk $0xffff, v46  }
0xcd: {  	v45 =	vmul.f32 v45, v29;
	v2 =	vadd.s32 s10, v22;
	[tilespmem:v49+s21+$0x0] =	vst.idx.msk $0xffff, v23;
	v23 =	vadd.s32 $0x1291, v16  }
0xce: {  	v41 =	vmul.f32 v41, v29;
	v24 =	vadd.s32 $0x1880, v16;
	[tilespmem:v50+s21+$0x0] =	vst.idx.msk $0xffff, v47;
	v3 =	vadd.s32 s10, v23  }
0xcf: {  	v45 =	vadd.f32 v45, v25;
	v25 =	vadd.s32 $0x18B1, v16;
	v54 =	vadd.s32 s10, v24;
	[tilespmem:v51+s21+$0x0] =	vst.idx.msk $0xffff, v53  }
0xd0: {  	v41 =	vadd.f32 v41, v26;
	v26 =	vadd.s32 $0x1EA0, v16;
	v55 =	vadd.s32 s10, v25;
	[tilespmem:v52+s21+$0x0] =	vst.idx.msk $0xffff, v43  }
0xd1: {  	v39 =	vmul.f32 v39, v29;
	v56 =	vadd.s32 s10, v26;
	[tilespmem:v1+s21+$0x0] =	vst.idx.msk $0xffff, v27;
	v27 =	vadd.s32 $0x1ED1, v16  }
0xd2: {  	v57 =	vmul.f32 v28, v29;
	v28 =	vadd.s32 $0x24C0, v16;
	[tilespmem:v2+s21+$0x0] =	vst.idx.msk $0xffff, v41;
	v58 =	vadd.s32 s10, v27  }
0xd3: {  	v40 =	vmul.f32 v40, v29;
	v29 =	vadd.s32 $0x24F1, v16;
	v59 =	vadd.s32 s10, v28;
	[tilespmem:v3+s21+$0x0] =	vst.idx.msk $0xffff, v42  }
0xd4: {  	v39 =	vadd.f32 v39, v30;
	v30 =	vadd.s32 $0x2AE0, v16;
	v60 =	vadd.s32 s10, v29;
	[tilespmem:v54+s21+$0x0] =	vst.idx.msk $0xffff, v45  }
0xd5: {  	s24 =	sadd.s32 $0x1, s24;
	v61 =	vadd.f32 v57, v31;
	v31 =	vadd.s32 $0x2B11, v16;
	v62 =	vadd.s32 s10, v30;
	[tilespmem:v55+s21+$0x0] =	vst.idx.msk $0xffff, v44  }
0xd6: {  	p2 =	sne.s32 s24, $0x4;
	v36 =	vadd.f32 v40, v36;
	v63 =	vadd.s32 s10, v31;
	[tilespmem:v56+s21+$0x0] =	vst.idx.msk $0xffff, v39  }
.Ltmp1:
0xd7: {  	v35 =	vadd.f32 v38, v35;
	[tilespmem:v58+s21+$0x0] =	vst.idx.msk $0xffff, v61;
	(pc) =	sbr.rel @p2 .LBB2_3-.Ltmp1, $4  }
0xd8: {  	v32 =	vadd.f32 v37, v32;
	[tilespmem:v59+s21+$0x0] =	vst.idx.msk $0xffff, v36  }
0xd9: {  	v33 =	vadd.f32 v34, v33;
	[tilespmem:v60+s21+$0x0] =	vst.idx.msk $0xffff, v35  }
0xda: {  	[tilespmem:v62+s21+$0x0] =	vst.idx.msk $0xffff, v32  }
0xdb: {  	s8 =	sadd.s32 $0x800, s8;
	[tilespmem:v63+s21+$0x0] =	vst.idx.msk $0xffff, v33  }
0xdc: {  	s7 =	simm.s32 $0x4;
	s8 =	simm.s32 $0x2220  }
.LBB2_7:
0xdd: {  	s10 =	sshll.u32 s7, $0x4;
	v34 =	vld [tilespmem:s8+$0xFFFFFFC0]  }
0xde: {  	v35 =	vld [tilespmem:s8+$0x30];
	s10 =	sand.u32 $0x3FFFFFF0, s10  }
0xdf: {  	v39 =	vld [tilespmem:s10+$0xD3E0]  }
0xe0: {  	v37 =	vld [tilespmem:s8+$0xFFFFFFE0]  }
0xe1: {  	v33 =	vld [tilespmem:s8+$0x10]  }
0xe2: {  	s26 =	simm.s32 $0x0;
	v53 =	vld [tilespmem:s8+$0xFFFFFFD0];
	v43 =	vimm.f32 $0.0e+00;
	v50 =	vimm.f32 $0.0e+00  }
0xe3: {  	v38 =	vld [tilespmem:s8+$0x0];
	v52 =	vimm.f32 $0.0e+00;
	v48 =	vimm.f32 $0.0e+00;
	v32 =	vmov s26  }
0xe4: {  	v44 =	vld [tilespmem:s8+$0x20];
	v46 =	vimm.f32 $0.0e+00;
	v54 =	vimm.f32 $0.0e+00;
	v32 =	vperm.xlane v39, v32  }
0xe5: {  	v40 =	vld [tilespmem:s8+$0xFFFFFFF0];
	v51 =	vimm.f32 $0.0e+00;
	v36 =	vshll.u32 v35, $0x10;
	v42 =	vshll.u32 v34, $0x10  }
0xe6: {  	v59 =	vshll.u32 v37, $0x10;
	v55 =	vshll.u32 v33, $0x10;
	v41 =	vmul.f32 v37, v32  }
0xe7: {  	v63 =	vshll.u32 v53, $0x10;
	v45 =	vmul.f32 v36, v32;
	v34 =	vmul.f32 v34, v32  }
0xe8: {  	v61 =	vshll.u32 v38, $0x10;
	v36 =	vmul.f32 v35, v32;
	v62 =	vmul.f32 v42, v32  }
0xe9: {  	v56 =	vshll.u32 v44, $0x10;
	v60 =	vmul.f32 v59, v32;
	v58 =	vmul.f32 v38, v32  }
0xea: {  	v57 =	vmul.f32 v40, v32;
	v59 =	vshll.u32 v40, $0x10;
	v49 =	vmul.f32 v44, v32  }
0xeb: {  	v40 =	vimm.f32 $0.0e+00;
	v35 =	vimm.f32 $0.0e+00;
	v38 =	vimm.f32 $0.0e+00  }
0xec: {  	v37 =	vimm.f32 $0.0e+00;
	v44 =	vimm.f32 $0.0e+00;
	v47 =	vadd.f32 v34, v43  }
0xed: {  	s24 =	simm.s32 $0x1;
	s25 =	sadd.s32 $0x80, s8;
	v42 =	vadd.f32 v41, v43;
	v34 =	vimm.f32 $0.0e+00;
	v41 =	vimm.f32 $0.0e+00  }
.LBB2_8:
0xee: {  	v0 =	vld [tilespmem:s25+$0xFFFFFFC0];
	p2 =	sne.s32 s24, $0xF;
	v43 =	vadd.f32 v62, v43;
	v61 =	vmul.f32 v61, v32;
	v34 =	vadd.f32 v45, v34;
	s10 =	smov.u32 s24;
	s24 =	sadd.s32 $0x1, s24  }
0xef: {  	v45 =	vmul.f32 v63, v32;
	v53 =	vmul.f32 v53, v32;
	v50 =	vadd.f32 v60, v50;
	v62 =	vld [tilespmem:s25+$0x30]  }
0xf0: {  	v40 =	vadd.f32 v58, v40;
	v55 =	vmul.f32 v55, v32;
	v58 =	vmul.f32 v33, v32;
	v60 =	vld [tilespmem:s25+$0xFFFFFFE0]  }
0xf1: {  	v56 =	vmul.f32 v56, v32;
	v35 =	vadd.f32 v36, v35;
	v52 =	vadd.f32 v45, v52;
	v1 =	vld [tilespmem:s25+$0x0]  }
0xf2: {  	v48 =	vadd.f32 v57, v48;
	v36 =	vmov s10;
	v46 =	vadd.f32 v61, v46;
	v33 =	vld [tilespmem:s25+$0x10]  }
0xf3: {  	v36 =	vperm.xlane v39, v36;
	v54 =	vadd.f32 v53, v54;
	v57 =	vshll.u32 v0, $0x10;
	v2 =	vld [tilespmem:s25+$0xFFFFFFF0]  }
0xf4: {  	v59 =	vmul.f32 v59, v32;
	v37 =	vadd.f32 v49, v37;
	v38 =	vadd.f32 v58, v38;
	v53 =	vld [tilespmem:s25+$0xFFFFFFD0]  }
0xf5: {  	v44 =	vadd.f32 v55, v44;
	v32 =	vmovc v36;
	v45 =	vshll.u32 v62, $0x10;
	v49 =	vmul.f32 v60, v36;
	v3 =	vld [tilespmem:s25+$0x20]  }
0xf6: {  	v51 =	vadd.f32 v59, v51;
	v45 =	vmul.f32 v45, v32;
	v36 =	vmul.f32 v62, v32  }
.Ltmp2:
0xf7: {  	v41 =	vadd.f32 v56, v41;
	v0 =	vmul.f32 v0, v32;
	v55 =	vshll.u32 v60, $0x10;
	(pc) =	sbr.rel @p2 .LBB2_8-.Ltmp2, $4  }
0xf8: {  	v62 =	vmul.f32 v57, v32;
	v60 =	vmul.f32 v55, v32;
	v55 =	vshll.u32 v33, $0x10  }
0xf9: {  	v47 =	vadd.f32 v0, v47;
	v58 =	vmul.f32 v1, v32;
	v63 =	vshll.u32 v53, $0x10  }
0xfa: {  	v61 =	vshll.u32 v1, $0x10;
	v57 =	vmul.f32 v2, v32;
	v56 =	vshll.u32 v3, $0x10  }
0xfb: {  	s25 =	sadd.s32 $0x80, s25;
	v42 =	vadd.f32 v49, v42;
	v59 =	vshll.u32 v2, $0x10;
	v49 =	vmul.f32 v3, v32  }
0xfc: {  	s10 =	sadd.s32 s7, s6  }
0xfd: {  	v0 =	vadd.s32 s10, v16  }
0xfe: {  	v1 =	vadd.s32 s10, v17  }
0xff: {  	v2 =	vadd.s32 s10, v18  }
0x100: {  	v3 =	vadd.f32 v62, v43;
	v39 =	vmul.f32 v63, v32;
	v43 =	vadd.s32 s10, v19  }
0x101: {  	v53 =	vmul.f32 v53, v32;
	v62 =	vadd.s32 s10, v20  }
0x102: {  	v63 =	vadd.f32 v39, v52;
	[tilespmem:v0+s21+$0x0] =	vst.idx.msk $0xffff, v3;
	v3 =	vadd.s32 s10, v21  }
0x103: {  	v52 =	vadd.f32 v53, v54;
	v39 =	vadd.s32 s10, v22;
	[tilespmem:v1+s21+$0x0] =	vst.idx.msk $0xffff, v47  }
0x104: {  	v53 =	vadd.f32 v60, v50;
	v54 =	vmul.f32 v59, v32;
	v0 =	vadd.s32 s10, v23;
	[tilespmem:v2+s21+$0x0] =	vst.idx.msk $0xffff, v63  }
0x105: {  	v59 =	vadd.s32 s10, v24;
	[tilespmem:v43+s21+$0x0] =	vst.idx.msk $0xffff, v52  }
0x106: {  	v60 =	vmul.f32 v61, v32;
	v61 =	vadd.f32 v54, v51;
	v63 =	vadd.s32 s10, v25;
	[tilespmem:v62+s21+$0x0] =	vst.idx.msk $0xffff, v53  }
0x107: {  	v48 =	vadd.f32 v57, v48;
	v52 =	vadd.s32 s10, v26;
	[tilespmem:v3+s21+$0x0] =	vst.idx.msk $0xffff, v42  }
0x108: {  	v54 =	vadd.s32 s10, v27;
	v2 =	vadd.f32 v60, v46;
	v53 =	vmul.f32 v55, v32;
	[tilespmem:v39+s21+$0x0] =	vst.idx.msk $0xffff, v61  }
0x109: {  	v40 =	vadd.f32 v58, v40;
	v33 =	vmul.f32 v33, v32;
	v55 =	vadd.s32 s10, v28;
	[tilespmem:v0+s21+$0x0] =	vst.idx.msk $0xffff, v48  }
0x10a: {  	v57 =	vmul.f32 v56, v32;
	v58 =	vadd.s32 s10, v29;
	v42 =	vadd.f32 v53, v44;
	[tilespmem:v59+s21+$0x0] =	vst.idx.msk $0xffff, v2  }
0x10b: {  	s7 =	sadd.s32 $0x1, s7;
	v60 =	vadd.s32 s10, v30;
	v59 =	vadd.f32 v33, v38;
	[tilespmem:v63+s21+$0x0] =	vst.idx.msk $0xffff, v40  }
0x10c: {  	p2 =	sne.s32 s7, $0x7;
	v32 =	vadd.f32 v57, v41;
	v61 =	vadd.s32 s10, v31;
	[tilespmem:v52+s21+$0x0] =	vst.idx.msk $0xffff, v42  }
.Ltmp3:
0x10d: {  	v37 =	vadd.f32 v49, v37;
	[tilespmem:v54+s21+$0x0] =	vst.idx.msk $0xffff, v59;
	(pc) =	sbr.rel @p2 .LBB2_7-.Ltmp3, $4  }
0x10e: {  	v62 =	vadd.f32 v45, v34;
	[tilespmem:v55+s21+$0x0] =	vst.idx.msk $0xffff, v32  }
0x10f: {  	v63 =	vadd.f32 v36, v35;
	[tilespmem:v58+s21+$0x0] =	vst.idx.msk $0xffff, v37  }
0x110: {  	[tilespmem:v60+s21+$0x0] =	vst.idx.msk $0xffff, v62  }
0x111: {  	s8 =	sadd.s32 $0x800, s8;
	[tilespmem:v61+s21+$0x0] =	vst.idx.msk $0xffff, v63  }
0x112: {  	p2 =	sne.s32 s3, $0x0  }
0x113: {  	p3 =	sne.s32 @!p2 s2, $0x6  }
0x114: {  	p2 =	por p3, p2  }
0x115: {  	p6 =	sne.s32 s2, $0x6;
	p1 =	por !p1, !p1;
	s3 =	sadd.s32 @!p2 s0, s4  }
0x116: {  	p1 =	por p6, p1;
	s3 =	smul.u32 @!p2 $0x620, s3  }
0x117: {  	s0 =	sadd.s32 @!p1 s0, s4;
	s6 =	simm.s32 @!p2 $0x71E0  }
0x118: {  	s0 =	smul.u32 @!p1 $0x620, s0;
	s2 =	sadd.s32 @!p2 s1, s3;
	s3 =	simm.s32 @!p2 $0x0  }
0x119: {  	[hbm4b:s2+s3] =	stream.linear.scatter @!p2 [tilespmem:s6], [sflag:$0x5], $0x3100, $0x38;
	[tilespmem:$0xD4C0] =	vst v63  }
0x11a: {  	s0 =	sadd.s32 @!p1 s1, s0;
	s2 =	simm.s32 @!p1 $0x0;
	s3 =	simm.s32 @!p1 $0xA2E0  }
0x11b: {  	[hbm4b:s0+s2] =	stream.linear.scatter @!p1 [tilespmem:s3], [sflag:$0x6], $0x3100, $0x38;
	[tilespmem:$0xD4C0] =	vst v63  }
0x11c: {  	p1 =	seq.s32 s28, $0x37  }
.Ltmp4:
0x11d: {  	_ = 	snop;
	(pc) =	sbr.rel @p1 .LBB2_12-.Ltmp4, $1  }
0x11e: {  	_ =	sdelay $0x3  }
0x11f: {  	s0 =	sadd.s32 $0x2, s31  }
0x120: {  	s2 =	smulhi.u32 $0x92492493, s0;
	_ =	sdelay $0x1  }
0x121: {  	s3 =	sshll.u32 s2, $0x2  }
0x122: {  	s3 =	sand.u32 $0x3FFFFFF0, s3  }
0x123: {  	v0 =	vld [tilespmem:s3+$0x0];
	_ =	sdelay $0x3  }
0x124: {  	v1 =	vimm.s32 $0x2;
	v2 =	vimm.s32 $0x4;
	v3 =	vimm.s32 $0x1  }
0x125: {  	v4 =	vimm.s32 $0x3;
	v1 =	vperm.xlane v0, v1;
	v2 =	vperm.xlane v0, v2  }
0x126: {  	v3 =	vperm.xlane v0, v3;
	v32 =	vperm.xlane v0, v4  }
0x127: {  	v1 =	vmul.f32 $2.500000000e-01, v1;
	v2 =	vmul.f32 $2.500000000e-01, v2  }
0x128: {  	v3 =	vmul.f32 $2.500000000e-01, v3;
	v32 =	vmul.f32 $2.500000000e-01, v32  }
0x129: {  	v1 =	vadd.f32 $-5.000000000e-01, v1;
	v2 =	vadd.f32 $-5.000000000e-01, v2  }
0x12a: {  	v4 =	vld [tilespmem:$0x1FFE0];
	v3 =	vadd.f32 $-5.000000000e-01, v3;
	v32 =	vadd.f32 $-5.000000000e-01, v32  }
0x12b: {  	v2 =	vsub.f32 v2, v1  }
0x12c: {  	v32 =	vsub.f32 v32, v3  }
0x12d: {  	v2 =	vmul.f32 $1.428571490e-01, v2  }
0x12e: {  	v32 =	vmul.f32 $1.428571490e-01, v32  }
0x12f: {  	v2 =	vmul.f32 v4, v2  }
0x130: {  	v39 =	vimm.s32 $0x0;
	v40 =	vmul.f32 v4, v32  }
0x131: {  	v0 =	vperm.xlane v0, v39;
	v1 =	vadd.f32 v2, v1  }
0x132: {  	v2 =	vadd.f32 v40, v3  }
0x133: {  	v0 =	vtrunc.f32 v0;
	v4 =	vimm.f32 $0.0e+00;
	v41 =	vmax.f32 v1, $0.0e+00  }
0x134: {  	v33 =	vmax.f32 v2, $0.0e+00;
	vm2 =	vge.f32 v1, $-1.000000000e+00;
	v32 =	vmin.f32 v41, $1.990000000e+02  }
0x135: {  	vm3 =	vle.f32 v1, $2.000000000e+02;
	v33 =	vmin.f32 v33, $1.990000000e+02;
	v42 =	vtrunc.f32 v32  }
0x136: {  	vm2 =	vmand vm2, vm3;
	v35 =	vtrunc.f32 v33;
	v3 =	vcvt.f32.s32 v42  }
0x137: {  	v0 =	vcvt.f32.s32 v0;
	v36 =	vsel vm2, $0x3F000000, v4;
	v35 =	vcvt.f32.s32 v35  }
0x138: {  	vm2 =	vge.f32 v2, $-1.000000000e+00;
	v34 =	vcvt.s32.f32 v3;
	v43 =	vadd.s32 $0x1, v3  }
0x139: {  	v44 =	vcvt.s32.f32 v35;
	v48 =	vadd.s32 $0x1, v35;
	v51 =	vperm.xlane v35, v9  }
0x13a: {  	v56 =	vperm.xlane v35, v10;
	vm3 =	vlt.s32 v43, $0xC7;
	v32 =	vsub.f32 v32, v34  }
0x13b: {  	v1 =	vnsel vm3, $0xC7, v43;
	v33 =	vsub.f32 v33, v44;
	vm3 =	vle.f32 v2, $2.000000000e+02  }
0x13c: {  	v58 =	vperm.xlane v35, v11;
	v42 =	vperm.xlane v35, v12;
	vm2 =	vmand vm2, vm3  }
0x13d: {  	v37 =	vsub.f32 $1.000000000e+00, v32;
	v46 =	vsub.f32 $1.000000000e+00, v33;
	v47 =	vsel vm2, $0x3F000000, v4  }
0x13e: {  	v32 =	vmul.f32 v32, v36;
	vm2 =	vlt.s32 v48, $0xC7;
	v33 =	vmul.f32 v33, v47  }
0x13f: {  	v45 =	vmul.f32 v37, v36;
	v2 =	vmul.f32 v46, v47;
	v36 =	vnsel vm2, $0xC7, v48  }
0x140: {  	v47 =	vperm.xlane v35, v13;
	v50 =	vperm.xlane v36, v9  }
0x141: {  	s2 =	sshrl.u32 s2, $0x2;
	v0 =	vmul.u32 $0x9C40, v0;
	v4 =	vld [tilespmem:$0x1FFF0];
	v38 =	vperm.xlane v33, v9;
	v52 =	vperm.xlane v33, v10  }
0x142: {  	s2 =	smul.u32 $0x7FFFFFF9, s2;
	v3 =	vmul.u32 $0xC8, v3;
	v55 =	vperm.xlane v36, v10;
	v57 =	vperm.xlane v36, v11  }
0x143: {  	v1 =	vmul.u32 $0xC8, v1;
	v59 =	vperm.xlane v33, v11;
	v60 =	vperm.xlane v36, v12  }
0x144: {  	s0 =	sadd.s32 s0, s2;
	v3 =	vadd.s32 v0, v3;
	v62 =	vperm.xlane v33, v12;
	v46 =	vperm.xlane v36, v13  }
0x145: {  	s0 =	sshll.u32 s0, $0x1;
	v0 =	vadd.s32 v0, v1;
	v39 =	vperm.xlane v2, v9;
	v40 =	vperm.xlane v2, v10  }
0x146: {  	v41 =	vperm.xlane v2, v11;
	v63 =	vperm.xlane v2, v12;
	v49 =	vor.u32 s0, v4  }
0x147: {  	v53 =	vsel vm1, v51, v50;
	v0 =	vperm.xlane v0, v49;
	v3 =	vperm.xlane v3, v49  }
0x148: {  	v37 =	vsel vm1, v56, v55;
	v32 =	vperm.xlane v32, v49;
	v1 =	vperm.xlane v45, v49  }
0x149: {  	v50 =	vperm.xlane v2, v13;
	v54 =	vsel vm1, v39, v38;
	v0 =	vsel vm0, v3, v0  }
0x14a: {  	v38 =	vsel vm1, v58, v57;
	v1 =	vsel vm0, v1, v32;
	v32 =	vadd.s32 v0, v53  }
0x14b: {  	v61 =	vsel vm1, v41, v59;
	v45 =	vsel vm1, v42, v60;
	v37 =	vadd.s32 v0, v37;
	[tilespmem:$0x100] =	vst v32  }
0x14c: {  	v49 =	vperm.xlane v33, v13;
	v59 =	vperm.xlane v33, v14;
	v38 =	vadd.s32 v0, v38;
	[tilespmem:$0x110] =	vst v37  }
0x14d: {  	v3 =	vsel vm1, v40, v52;
	v34 =	vmul.f32 v54, v1;
	v55 =	vadd.s32 v0, v45;
	[tilespmem:$0x120] =	vst v38  }
0x14e: {  	v48 =	vsel vm1, v63, v62;
	v60 =	vperm.xlane v2, v14;
	v3 =	vmul.f32 v3, v1;
	[tilespmem:$0x130] =	vst v55  }
0x14f: {  	v33 =	vperm.xlane v33, v15;
	v52 =	vsel vm1, v50, v49;
	v56 =	vmul.f32 v48, v1;
	[tilespmem:$0xD3E0] =	vst v34  }
0x150: {  	v53 =	vperm.xlane v36, v14;
	v57 =	vmul.f32 v52, v1;
	[tilespmem:$0xD3F0] =	vst v3  }
0x151: {  	v51 =	vsel vm1, v47, v46;
	v54 =	vperm.xlane v35, v14;
	v32 =	vmul.f32 v61, v1;
	[tilespmem:$0xD410] =	vst v56  }
0x152: {  	v2 =	vperm.xlane v2, v15;
	v62 =	vsel vm1, v60, v59;
	v35 =	vperm.xlane v35, v15;
	[tilespmem:$0xD420] =	vst v57  }
0x153: {  	v61 =	vperm.xlane v36, v15;
	v58 =	vsel vm1, v54, v53;
	v3 =	vadd.s32 v0, v51;
	[tilespmem:$0xD400] =	vst v32  }
0x154: {  	[tilespmem:$0x140] =	vst v3;
	v32 =	vadd.s32 v0, v58;
	v3 =	vmul.f32 v62, v1  }
0x155: {  	v2 =	vsel vm1, v2, v33;
	v63 =	vsel vm1, v35, v61;
	[tilespmem:$0x150] =	vst v32  }
0x156: {  	v1 =	vmul.f32 v2, v1;
	v0 =	vadd.s32 v0, v63;
	[tilespmem:$0xD430] =	vst v3  }
0x157: {  	[tilespmem:$0x160] =	vst v0  }
0x158: {  	s31 =	simm.s32 $0x100;
	[tilespmem:$0xD440] =	vst v1  }
0x159: {  	[tilespmem:s11], [sflag:$0x1] =	stream.indirect.gather [hbm4b:s5+s9], $0x80, s31, s9, $0xb8;
	[tilespmem:$0xD4C0] =	vst v63  }
0x15a: {  	_ = 	snop  }
0x15b: {  	[tilespmem:s14], [sflag:$0x2] =	stream.indirect.gather [hbm4b:s5+s12], $0x80, s13, s12, $0xb8;
	[tilespmem:$0xD4C0] =	vst v63  }
.LBB2_12:
0x15c: {  	_ =	swait.ge [sflag:s22], $0x2000  }
0x15d: {  	p1 =	seq.s32 s30, $0x0;
	[sflag:s22] =	ssyncset.done $0x0  }
0x15e: {  	s0 =	sand.u32 $0x1, s29;
	p0 =	por !p0, !p1;
	[sflag:s22] =	ssyncadd.s32 $0xFFFFE000  }
0x15f: {  	p1 =	por !p0, !p0;
	p0 =	seq.s32 s0, $0x1;
	_ =	swait.ge [sflag:s23], $0x1800  }
0x160: {  	p2 =	por !p1, p0;
	[sflag:s23] =	ssyncset.done $0x0  }
0x161: {  	s2 =	simm.s32 @!p2 $0x5;
	[sflag:s23] =	ssyncadd.s32 $0xFFFFE800  }
0x162: {  	p1 =	por !p1, !p0;
	_ =	swait.ge @!p2 [sflag:s2], $0x3100  }
0x163: {  	p1 =	por !p1, !p1;
	[sflag:s2] =	ssyncset.done @!p2 $0x0  }
0x164: {  	[sflag:s2] =	ssyncadd.s32 @!p2 $0xFFFFCF00;
	s2 =	simm.s32 @p1 $0x6  }
0x165: {  	s6 =	smul.u32 $0x7, s30;
	_ =	swait.ge @p1 [sflag:s2], $0x3100  }
0x166: {  	s3 =	smul.u32 $0x3100, s0;
	[sflag:s2] =	ssyncset.done @p1 $0x0  }
0x167: {  	s7 =	simm.s32 $0x0;
	[sflag:s2] =	ssyncadd.s32 @p1 $0xFFFFCF00  }
0x168: {  	s2 =	sadd.s32 s3, s6;
	s3 =	simm.s32 $0x0;
	s6 =	simm.s32 $0x3A20  }
.LBB2_13:
0x169: {  	v0 =	vld [tilespmem:s6+$0xFFFFFFC0]  }
0x16a: {  	s8 =	sshll.u32 s7, $0x4;
	v1 =	vld [tilespmem:s6+$0x30]  }
0x16b: {  	v40 =	vld [tilespmem:s8+$0xD450]  }
0x16c: {  	v2 =	vld [tilespmem:s6+$0xFFFFFFE0]  }
0x16d: {  	v32 =	vmov s3;
	v33 =	vld [tilespmem:s6+$0x10];
	v43 =	vimm.f32 $0.0e+00  }
0x16e: {  	v53 =	vld [tilespmem:s6+$0xFFFFFFD0];
	v50 =	vimm.f32 $0.0e+00;
	v39 =	vimm.f32 $0.0e+00;
	v52 =	vimm.f32 $0.0e+00  }
0x16f: {  	v3 =	vld [tilespmem:s6+$0x0];
	v48 =	vimm.f32 $0.0e+00;
	v46 =	vimm.f32 $0.0e+00;
	v54 =	vimm.f32 $0.0e+00  }
0x170: {  	v37 =	vld [tilespmem:s6+$0x20];
	v44 =	vimm.f32 $0.0e+00;
	v51 =	vimm.f32 $0.0e+00;
	v32 =	vperm.xlane v40, v32  }
0x171: {  	v34 =	vld [tilespmem:s6+$0xFFFFFFF0];
	v41 =	vimm.f32 $0.0e+00;
	v36 =	vshll.u32 v1, $0x10;
	v38 =	vshll.u32 v0, $0x10  }
0x172: {  	v59 =	vshll.u32 v2, $0x10;
	v55 =	vshll.u32 v33, $0x10;
	v35 =	vmul.f32 v2, v32  }
0x173: {  	v63 =	vshll.u32 v53, $0x10;
	v45 =	vmul.f32 v36, v32;
	v0 =	vmul.f32 v0, v32  }
0x174: {  	v61 =	vshll.u32 v3, $0x10;
	v36 =	vmul.f32 v1, v32;
	v62 =	vmul.f32 v38, v32  }
0x175: {  	v56 =	vshll.u32 v37, $0x10;
	v60 =	vmul.f32 v59, v32;
	v58 =	vmul.f32 v3, v32  }
0x176: {  	v57 =	vmul.f32 v34, v32;
	v59 =	vshll.u32 v34, $0x10;
	v49 =	vmul.f32 v37, v32  }
0x177: {  	v34 =	vimm.f32 $0.0e+00;
	v38 =	vimm.f32 $0.0e+00;
	v37 =	vimm.f32 $0.0e+00  }
0x178: {  	s24 =	sadd.s32 $0x80, s6;
	s8 =	simm.s32 $0x1;
	v47 =	vadd.f32 v0, v43;
	v42 =	vadd.f32 v35, v43;
	v35 =	vimm.f32 $0.0e+00  }
.LBB2_14:
0x179: {  	v0 =	vld [tilespmem:s24+$0xFFFFFFC0];
	p1 =	sne.s32 s8, $0xF;
	v43 =	vadd.f32 v62, v43;
	v1 =	vmul.f32 v61, v32;
	v34 =	vadd.f32 v45, v34;
	s10 =	smov.u32 s8;
	s8 =	sadd.s32 $0x1, s8  }
0x17a: {  	v3 =	vmul.f32 v63, v32;
	v45 =	vmul.f32 v53, v32;
	v50 =	vadd.f32 v60, v50;
	v2 =	vld [tilespmem:s24+$0x30]  }
0x17b: {  	v39 =	vadd.f32 v58, v39;
	v55 =	vmul.f32 v55, v32;
	v58 =	vmul.f32 v33, v32;
	v60 =	vld [tilespmem:s24+$0xFFFFFFE0]  }
0x17c: {  	v35 =	vadd.f32 v36, v35;
	v52 =	vadd.f32 v3, v52;
	v3 =	vmul.f32 v56, v32;
	v61 =	vld [tilespmem:s24+$0x0]  }
0x17d: {  	v48 =	vadd.f32 v57, v48;
	v36 =	vmov s10;
	v46 =	vadd.f32 v1, v46;
	v33 =	vld [tilespmem:s24+$0x10]  }
0x17e: {  	v1 =	vperm.xlane v40, v36;
	v54 =	vadd.f32 v45, v54;
	v56 =	vshll.u32 v0, $0x10;
	v4 =	vld [tilespmem:s24+$0xFFFFFFF0]  }
0x17f: {  	v57 =	vmul.f32 v59, v32;
	v37 =	vadd.f32 v49, v37;
	v38 =	vadd.f32 v58, v38;
	v53 =	vld [tilespmem:s24+$0xFFFFFFD0]  }
0x180: {  	v44 =	vadd.f32 v55, v44;
	v32 =	vmovc v1;
	v36 =	vshll.u32 v2, $0x10;
	v49 =	vmul.f32 v60, v1;
	v6 =	vld [tilespmem:s24+$0x20]  }
0x181: {  	v51 =	vadd.f32 v57, v51;
	v45 =	vmul.f32 v36, v32;
	v36 =	vmul.f32 v2, v32  }
.Ltmp5:
0x182: {  	v41 =	vadd.f32 v3, v41;
	v0 =	vmul.f32 v0, v32;
	v1 =	vshll.u32 v60, $0x10;
	(pc) =	sbr.rel @p1 .LBB2_14-.Ltmp5, $4  }
0x183: {  	v62 =	vmul.f32 v56, v32;
	v60 =	vmul.f32 v1, v32;
	v55 =	vshll.u32 v33, $0x10  }
0x184: {  	v47 =	vadd.f32 v0, v47;
	v58 =	vmul.f32 v61, v32;
	v63 =	vshll.u32 v53, $0x10  }
0x185: {  	v61 =	vshll.u32 v61, $0x10;
	v57 =	vmul.f32 v4, v32;
	v56 =	vshll.u32 v6, $0x10  }
0x186: {  	s24 =	sadd.s32 $0x80, s24;
	v42 =	vadd.f32 v49, v42;
	v59 =	vshll.u32 v4, $0x10;
	v49 =	vmul.f32 v6, v32  }
0x187: {  	s8 =	sadd.s32 s7, s2  }
0x188: {  	v0 =	vadd.s32 s8, v16  }
0x189: {  	v1 =	vadd.s32 s8, v17  }
0x18a: {  	v2 =	vadd.s32 s8, v18  }
0x18b: {  	v3 =	vadd.f32 v62, v43;
	v4 =	vmul.f32 v63, v32;
	v6 =	vadd.s32 s8, v19  }
0x18c: {  	v40 =	vmul.f32 v53, v32;
	v43 =	vadd.s32 s8, v20  }
0x18d: {  	v52 =	vadd.f32 v4, v52;
	[tilespmem:v0+s21+$0x0] =	vst.idx.msk $0xffff, v3;
	v3 =	vadd.s32 s8, v21  }
0x18e: {  	v53 =	vadd.f32 v40, v54;
	v4 =	vadd.s32 s8, v22;
	[tilespmem:v1+s21+$0x0] =	vst.idx.msk $0xffff, v47  }
0x18f: {  	v62 =	vadd.s32 s8, v23;
	v54 =	vadd.f32 v60, v50;
	v60 =	vmul.f32 v59, v32;
	[tilespmem:v2+s21+$0x0] =	vst.idx.msk $0xffff, v52  }
0x190: {  	v63 =	vadd.s32 s8, v24;
	[tilespmem:v6+s21+$0x0] =	vst.idx.msk $0xffff, v53  }
0x191: {  	v50 =	vmul.f32 v61, v32;
	v6 =	vadd.f32 v60, v51;
	v51 =	vadd.s32 s8, v25;
	[tilespmem:v43+s21+$0x0] =	vst.idx.msk $0xffff, v54  }
0x192: {  	v52 =	vadd.f32 v57, v48;
	v53 =	vadd.s32 s8, v26;
	[tilespmem:v3+s21+$0x0] =	vst.idx.msk $0xffff, v42  }
0x193: {  	v2 =	vadd.f32 v50, v46;
	v54 =	vmul.f32 v55, v32;
	[tilespmem:v4+s21+$0x0] =	vst.idx.msk $0xffff, v6;
	v4 =	vadd.s32 s8, v27  }
0x194: {  	v33 =	vmul.f32 v33, v32;
	v55 =	vadd.s32 s8, v28;
	v6 =	vadd.f32 v58, v39;
	[tilespmem:v62+s21+$0x0] =	vst.idx.msk $0xffff, v52  }
0x195: {  	v56 =	vmul.f32 v56, v32;
	v57 =	vadd.f32 v54, v44;
	v58 =	vadd.s32 s8, v29;
	[tilespmem:v63+s21+$0x0] =	vst.idx.msk $0xffff, v2  }
0x196: {  	s7 =	sadd.s32 $0x1, s7;
	v59 =	vadd.f32 v33, v38;
	[tilespmem:v51+s21+$0x0] =	vst.idx.msk $0xffff, v6;
	v6 =	vadd.s32 s8, v30  }
0x197: {  	p1 =	sne.s32 s7, $0x4;
	v60 =	vadd.s32 s8, v31;
	v32 =	vadd.f32 v56, v41;
	[tilespmem:v53+s21+$0x0] =	vst.idx.msk $0xffff, v57  }
.Ltmp6:
0x198: {  	v61 =	vadd.f32 v49, v37;
	[tilespmem:v4+s21+$0x0] =	vst.idx.msk $0xffff, v59;
	(pc) =	sbr.rel @p1 .LBB2_13-.Ltmp6, $4  }
0x199: {  	v62 =	vadd.f32 v45, v34;
	[tilespmem:v55+s21+$0x0] =	vst.idx.msk $0xffff, v32  }
0x19a: {  	v63 =	vadd.f32 v36, v35;
	[tilespmem:v58+s21+$0x0] =	vst.idx.msk $0xffff, v61  }
0x19b: {  	[tilespmem:v6+s21+$0x0] =	vst.idx.msk $0xffff, v62  }
0x19c: {  	s6 =	sadd.s32 $0x800, s6;
	[tilespmem:v60+s21+$0x0] =	vst.idx.msk $0xffff, v63  }
0x19d: {  	s3 =	simm.s32 $0x4;
	s6 =	simm.s32 $0x5A20  }
.LBB2_17:
0x19e: {  	v0 =	vld [tilespmem:s6+$0xFFFFFFC0]  }
0x19f: {  	s7 =	sshll.u32 s3, $0x4;
	v1 =	vld [tilespmem:s6+$0x30]  }
0x1a0: {  	v2 =	vld [tilespmem:s6+$0xFFFFFFE0];
	s7 =	sand.u32 $0x3FFFFFF0, s7  }
0x1a1: {  	v39 =	vld [tilespmem:s7+$0xD450]  }
0x1a2: {  	v33 =	vld [tilespmem:s6+$0x10];
	v43 =	vimm.f32 $0.0e+00;
	v50 =	vimm.f32 $0.0e+00  }
0x1a3: {  	v53 =	vld [tilespmem:s6+$0xFFFFFFD0];
	v40 =	vimm.f32 $0.0e+00;
	v52 =	vimm.f32 $0.0e+00;
	v48 =	vimm.f32 $0.0e+00  }
0x1a4: {  	s31 =	simm.s32 $0x0;
	v3 =	vld [tilespmem:s6+$0x0];
	v46 =	vimm.f32 $0.0e+00;
	v54 =	vimm.f32 $0.0e+00;
	v38 =	vimm.f32 $0.0e+00  }
0x1a5: {  	v34 =	vld [tilespmem:s6+$0x20];
	v44 =	vimm.f32 $0.0e+00;
	v51 =	vimm.f32 $0.0e+00;
	v4 =	vmov s31  }
0x1a6: {  	v41 =	vimm.f32 $0.0e+00;
	v35 =	vshll.u32 v1, $0x10;
	v32 =	vperm.xlane v39, v4  }
0x1a7: {  	v37 =	vshll.u32 v0, $0x10;
	v59 =	vshll.u32 v2, $0x10;
	v55 =	vshll.u32 v33, $0x10  }
0x1a8: {  	v63 =	vshll.u32 v53, $0x10;
	v4 =	vld [tilespmem:s6+$0xFFFFFFF0];
	v6 =	vmul.f32 v2, v32;
	v45 =	vmul.f32 v35, v32  }
0x1a9: {  	v61 =	vshll.u32 v3, $0x10;
	v0 =	vmul.f32 v0, v32;
	v36 =	vmul.f32 v1, v32  }
0x1aa: {  	v56 =	vshll.u32 v34, $0x10;
	v62 =	vmul.f32 v37, v32;
	v60 =	vmul.f32 v59, v32  }
0x1ab: {  	v58 =	vmul.f32 v3, v32;
	v49 =	vmul.f32 v34, v32;
	v34 =	vimm.f32 $0.0e+00  }
0x1ac: {  	v35 =	vimm.f32 $0.0e+00;
	v37 =	vimm.f32 $0.0e+00;
	v47 =	vadd.f32 v0, v43  }
0x1ad: {  	s8 =	sadd.s32 $0x80, s6;
	s7 =	simm.s32 $0x1;
	v42 =	vadd.f32 v6, v43;
	v57 =	vmul.f32 v4, v32;
	v59 =	vshll.u32 v4, $0x10  }
.LBB2_18:
0x1ae: {  	v0 =	vld [tilespmem:s8+$0xFFFFFFC0];
	p1 =	sne.s32 s7, $0xF;
	v43 =	vadd.f32 v62, v43;
	v1 =	vmul.f32 v61, v32;
	v34 =	vadd.f32 v45, v34;
	s10 =	smov.u32 s7;
	s7 =	sadd.s32 $0x1, s7  }
0x1af: {  	v3 =	vmul.f32 v63, v32;
	v4 =	vmul.f32 v53, v32;
	v50 =	vadd.f32 v60, v50;
	v2 =	vld [tilespmem:s8+$0x30]  }
0x1b0: {  	v40 =	vadd.f32 v58, v40;
	v45 =	vmul.f32 v55, v32;
	v55 =	vmul.f32 v33, v32;
	v6 =	vld [tilespmem:s8+$0xFFFFFFE0]  }
0x1b1: {  	v35 =	vadd.f32 v36, v35;
	v52 =	vadd.f32 v3, v52;
	v3 =	vmul.f32 v56, v32;
	v61 =	vld [tilespmem:s8+$0x0]  }
0x1b2: {  	v48 =	vadd.f32 v57, v48;
	v36 =	vmov s10;
	v46 =	vadd.f32 v1, v46;
	v33 =	vld [tilespmem:s8+$0x10]  }
0x1b3: {  	v1 =	vperm.xlane v39, v36;
	v54 =	vadd.f32 v4, v54;
	v56 =	vshll.u32 v0, $0x10;
	v8 =	vld [tilespmem:s8+$0xFFFFFFF0]  }
0x1b4: {  	v37 =	vadd.f32 v49, v37;
	v4 =	vmul.f32 v59, v32;
	v38 =	vadd.f32 v55, v38;
	v53 =	vld [tilespmem:s8+$0xFFFFFFD0]  }
0x1b5: {  	v44 =	vadd.f32 v45, v44;
	v32 =	vmovc v1;
	v36 =	vshll.u32 v2, $0x10;
	v49 =	vmul.f32 v6, v1;
	v5 =	vld [tilespmem:s8+$0x20]  }
0x1b6: {  	v51 =	vadd.f32 v4, v51;
	v45 =	vmul.f32 v36, v32;
	v36 =	vmul.f32 v2, v32  }
.Ltmp7:
0x1b7: {  	v41 =	vadd.f32 v3, v41;
	v0 =	vmul.f32 v0, v32;
	v1 =	vshll.u32 v6, $0x10;
	(pc) =	sbr.rel @p1 .LBB2_18-.Ltmp7, $4  }
0x1b8: {  	v62 =	vmul.f32 v56, v32;
	v60 =	vmul.f32 v1, v32;
	v55 =	vshll.u32 v33, $0x10  }
0x1b9: {  	v47 =	vadd.f32 v0, v47;
	v58 =	vmul.f32 v61, v32;
	v63 =	vshll.u32 v53, $0x10  }
0x1ba: {  	v61 =	vshll.u32 v61, $0x10;
	v57 =	vmul.f32 v8, v32;
	v56 =	vshll.u32 v5, $0x10  }
0x1bb: {  	s8 =	sadd.s32 $0x80, s8;
	v42 =	vadd.f32 v49, v42;
	v59 =	vshll.u32 v8, $0x10;
	v49 =	vmul.f32 v5, v32  }
0x1bc: {  	s7 =	sadd.s32 s3, s2  }
0x1bd: {  	v0 =	vadd.s32 s7, v16  }
0x1be: {  	v1 =	vadd.s32 s7, v17  }
0x1bf: {  	v2 =	vadd.s32 s7, v18  }
0x1c0: {  	v3 =	vadd.f32 v62, v43;
	v4 =	vmul.f32 v63, v32;
	v5 =	vadd.s32 s7, v19  }
0x1c1: {  	v6 =	vmul.f32 v53, v32;
	v8 =	vadd.s32 s7, v20  }
0x1c2: {  	v43 =	vadd.s32 s7, v21;
	v63 =	vadd.f32 v4, v52;
	[tilespmem:v0+s21+$0x0] =	vst.idx.msk $0xffff, v3  }
0x1c3: {  	v4 =	vadd.s32 s7, v22;
	[tilespmem:v1+s21+$0x0] =	vst.idx.msk $0xffff, v47;
	v47 =	vadd.f32 v6, v54  }
0x1c4: {  	v39 =	vmul.f32 v59, v32;
	v6 =	vadd.f32 v60, v50;
	v50 =	vadd.s32 s7, v23;
	[tilespmem:v2+s21+$0x0] =	vst.idx.msk $0xffff, v63  }
0x1c5: {  	v52 =	vadd.s32 s7, v24;
	[tilespmem:v5+s21+$0x0] =	vst.idx.msk $0xffff, v47  }
0x1c6: {  	v53 =	vmul.f32 v61, v32;
	v5 =	vadd.f32 v39, v51;
	[tilespmem:v8+s21+$0x0] =	vst.idx.msk $0xffff, v6;
	v6 =	vadd.s32 s7, v25  }
0x1c7: {  	v54 =	vadd.s32 s7, v26;
	v8 =	vadd.f32 v57, v48;
	[tilespmem:v43+s21+$0x0] =	vst.idx.msk $0xffff, v42  }
0x1c8: {  	v55 =	vmul.f32 v55, v32;
	v2 =	vadd.f32 v53, v46;
	[tilespmem:v4+s21+$0x0] =	vst.idx.msk $0xffff, v5;
	v4 =	vadd.s32 s7, v27  }
0x1c9: {  	v33 =	vmul.f32 v33, v32;
	v57 =	vadd.s32 s7, v28;
	v5 =	vadd.f32 v58, v40;
	[tilespmem:v50+s21+$0x0] =	vst.idx.msk $0xffff, v8  }
0x1ca: {  	v59 =	vadd.s32 s7, v29;
	v58 =	vadd.f32 v55, v44;
	v8 =	vmul.f32 v56, v32;
	[tilespmem:v52+s21+$0x0] =	vst.idx.msk $0xffff, v2  }
0x1cb: {  	s3 =	sadd.s32 $0x1, s3;
	v60 =	vadd.f32 v33, v38;
	[tilespmem:v6+s21+$0x0] =	vst.idx.msk $0xffff, v5;
	v5 =	vadd.s32 s7, v30  }
0x1cc: {  	v61 =	vadd.s32 s7, v31;
	p1 =	sne.s32 s3, $0x7;
	v6 =	vadd.f32 v8, v41;
	[tilespmem:v54+s21+$0x0] =	vst.idx.msk $0xffff, v58  }
.Ltmp8:
0x1cd: {  	v8 =	vadd.f32 v49, v37;
	[tilespmem:v4+s21+$0x0] =	vst.idx.msk $0xffff, v60;
	(pc) =	sbr.rel @p1 .LBB2_17-.Ltmp8, $4  }
0x1ce: {  	v62 =	vadd.f32 v45, v34;
	[tilespmem:v57+s21+$0x0] =	vst.idx.msk $0xffff, v6  }
0x1cf: {  	v63 =	vadd.f32 v36, v35;
	[tilespmem:v59+s21+$0x0] =	vst.idx.msk $0xffff, v8  }
0x1d0: {  	[tilespmem:v5+s21+$0x0] =	vst.idx.msk $0xffff, v62  }
0x1d1: {  	s6 =	sadd.s32 $0x800, s6;
	[tilespmem:v61+s21+$0x0] =	vst.idx.msk $0xffff, v63  }
0x1d2: {  	p1 =	sne.s32 s0, $0x0  }
0x1d3: {  	p2 =	sne.s32 @!p1 s30, $0x6  }
0x1d4: {  	p1 =	por p2, p1  }
0x1d5: {  	p6 =	sne.s32 s30, $0x6;
	p0 =	por !p0, !p0;
	s0 =	sadd.s32 @!p1 s29, s4  }
0x1d6: {  	p0 =	por p6, p0;
	s0 =	smul.u32 @!p1 $0x620, s0  }
0x1d7: {  	s28 =	sadd.s32 $0x1, s28;
	s2 =	sadd.s32 @!p0 s29, s4;
	s3 =	simm.s32 @!p1 $0x0  }
0x1d8: {  	s6 =	simm.s32 @!p1 $0x71E0;
	s2 =	smul.u32 @!p0 $0x620, s2;
	s0 =	sadd.s32 @!p1 s1, s0  }
0x1d9: {  	[hbm4b:s0+s3] =	stream.linear.scatter @!p1 [tilespmem:s6], [sflag:$0x5], $0x3100, $0x38;
	[tilespmem:$0xD4C0] =	vst v63  }
0x1da: {  	s0 =	sadd.s32 @!p0 s1, s2;
	s2 =	simm.s32 @!p0 $0x0;
	s3 =	simm.s32 @!p0 $0xA2E0  }
0x1db: {  	[hbm4b:s0+s2] =	stream.linear.scatter @!p0 [tilespmem:s3], [sflag:$0x6], $0x3100, $0x38;
	[tilespmem:$0xD4C0] =	vst v63  }
0x1dc: {  	p0 =	sne.s32 s28, $0x38  }
.Ltmp9:
0x1dd: {  	_ = 	snop;
	(pc) =	sbr.rel @p0 .LBB2_2-.Ltmp9, $1  }
0x1de: {  	_ =	sdelay $0x3  }
0x1df: {  	s0 =	simm.s32 $0x5  }
0x1e0: {  	_ =	swait.ge [sflag:s0], $0x3100  }
0x1e1: {  	[sflag:s0] =	ssyncset.done $0x0  }
0x1e2: {  	s2 =	simm.s32 $0x6;
	[sflag:s0] =	ssyncadd.s32 $0xFFFFCF00  }
0x1e3: {  	_ =	swait.ge [sflag:s2], $0x3100  }
0x1e4: {  	s3 =	rddreg [dreg:$0x5]  }
0x1e5: {  	s31 =	rddreg [dreg:$0x4];
	s3 =	sadd.s32 $0x1, s3  }
0x1e6: {  	p0 =	sne.s32 s3, s31  }
.Ltmp10:
0x1e7: {  	_ = 	snop;
	(pc) =	sbr.rel @p0 .LBB2_1-.Ltmp10, $3  }
0x1e8: {  	_ =	sdelay $0x1  }
0x1e9: {  	[sflag:s2] =	ssyncset.done $0x0  }
0x1ea: {  	[sflag:s2] =	ssyncadd.s32 $0xFFFFCF00  }
0x1eb: {  	_ =	sfence.sel $0x180000  }
0x1ec: {  	[bflag:$0x0] =	sbarrier.arrive $0xFFFF  }
0x1ed: {  	_ =	strace $0x9000004A  }
0x1ee: {  	s0 =	stileid.u32;
	[bflag:$0x2] =	sbarrier.arrive $0xFFFF  }
0x1ef: {  	p0 =	sne.s32 s0, $0x0;
	s0 =	rddreg [dreg:$0x2]  }
0x1f0: {  	s0 =	sadd.s32 @!p0 $0x100000, s0  }
0x1f1: {  	[sflag:s0] =	ssyncadd.tile.s32 @!p0 $0x1;
	_ =	shalt  }
.Lfunc_end2:
_tile_overlayer_lowered:
.L_overlay_start_2:
0x1f2: {  	(tag) =	ssettag $0x2  }
0x1f3: {  	s0 =	rddreg [dreg:$0x0];
	s2 =	stileid.u32  }
0x1f4: {  	s1 =	rddreg [dreg:$0x1];
	p0 =	sne.s32 s2, $0x0  }
0x1f5: {  	s3 =	rddreg [dreg:$0x2];
	[bflag:$0x3] =	sbarrier.arrive $0xFFFF;
	s2 =	simm.s32 @!p0 $0x1C07  }
0x1f6: {  	[timem:s3], [sflag:s2] =	dma.local @!p0 [hbm:s0], s1  }
0x1f7: {  	s0 =	simm.s32 @!p0 $0x7  }
0x1f8: {  	_ =	swait.ge @!p0 [sflag:s0], s1  }
0x1f9: {  	s1 =	ssub.s32 @!p0 $0x0, s1;
	[sflag:s0] =	ssyncset.done @!p0 $0x0  }
0x1fa: {  	[sflag:s0] =	ssyncadd.s32 @!p0 s1  }
0x1fb: {  	[bflag:$0x3] =	sbarrier.arrive $0xFFFF  }
0x1fc: {  	_ =	shalt  }

// kernel: sparse-core-data-format-call.cloned.1.call-start
scs
called_computation_lowered:
.L_overlay_start_0:
0x0: {  	s1 =	sld [smem:$0x3FD9]  }
0x1: {  	s2 =	sld [smem:$0x3FFE];
	_ =	sdelay $0x1  }
0x2: {  	s3 =	srdreg.scid  }
0x3: {  	s0 =	sand.u32 $0x1, s3  }
0x4: {  	s17 =	sshll.u32 s0, $0xA;
	s1 =	sadd.s32 s2, s1  }
0x5: {  	s1 =	sadd.s32 s1, s17  }
0x6: {  	[smem:$0x3FC6] =	sst s1  }
0x7: {  	_ = 	snop  }
0x8: {  	(tm) =	ssettm $0x1  }
0x9: {  	s18 =	sld [smem:$0x3FFB];
	_ =	sdelay $0x3  }
0xa: {  	_ =	strace s18  }
0xb: {  	s1 =	sld [smem:$0x3FFC];
	_ =	sdelay $0x3  }
0xc: {  	_ =	strace s1  }
0xd: {  	s1 =	sld [smem:$0x3FFD];
	_ =	sdelay $0x3  }
0xe: {  	_ =	strace s1  }
0xf: {  	_ =	strace $0x8FFFFFFF  }
0x10: {  	s19 =	sld [smem:$0x3FDB];
	_ =	sdelay $0x1  }
0x11: {  	s20 =	simm.s32 $_scs_section_size  }
0x12: {  	s4 =	simm.s32 $_size__tile_overlayer_lowered;
	s5 =	simm.s32 $_tile_overlayer_lowered  }
0x13: {  	s23 =	simm.s32 $0x1BFF;
	s22 =	sshll.u32 s5, $0x1;
	s1 =	sadd.s32 s20, s19  }
0x14: {  	s6 =	simm.s32 $0x0;
	s21 =	sshll.u32 s4, $0x1;
	s4 =	sadd.s32 s22, s1  }
0x15: {  	[timem:s6], [sflag:s23] =	dma.local [hbm:s4], s21  }
0x16: {  	_ =	swait.ge [sflag:s23], s21  }
0x17: {  	s2 =	ssub.s32 $0x0, s21;
	[sflag:s23] =	ssyncset.done $0x0  }
0x18: {  	[sflag:s23] =	ssyncadd.s32 s2;
	_ =	sdelay $0x1  }
0x19: {  	s24 =	simm.s32 $0x1B8B  }
0x1a: {  	_ =	swait.ge [sflag:s24], $0x1  }
0x1b: {  	[sflag:s24] =	ssyncset.done $0x0  }
0x1c: {  	s26 =	simm.s32 $0x1B8E;
	s25 =	sld [smem:$0x3FFE];
	[sflag:s24] =	ssyncadd.s32 $0xFFFFFFFF  }
0x1d: {  	s27 =	simm.s32 $execute0_lowered;
	[smem:$0x3FD2] =	sst s26  }
0x1e: {  	s4 =	sshll.u32 s27, $0x1;
	_ =	strace $0x80000046;
	[dreg:$0x1] =	wrdreg $0xFFFFFFFF  }
0x1f: {  	s28 =	simm.s32 $_size_execute0_lowered;
	s1 =	sadd.s32 s1, s4;
	[dreg:$0x0] =	wrdreg $0x0  }
0x20: {  	s4 =	sshll.u32 s28, $0x1;
	[dreg:$0x2] =	wrdreg s1  }
0x21: {  	[dreg:$0x3] =	wrdreg s4  }
0x22: {  	[dreg:$0x4] =	wrdreg $0xC0  }
0x23: {  	_ =	task [dreg:s6], $0x5FFFF  }
0x24: {  	[dreg:$0x1] =	wrdreg $0xFFFFFFFF  }
0x25: {  	[dreg:$0x0] =	wrdreg $0x60  }
0x26: {  	[dreg:$0x2] =	wrdreg s25  }
0x27: {  	[dreg:$0x3] =	wrdreg $0x9  }
0x28: {  	_ =	task.clear_ibuf [dreg:s6], $0x4FFFF;
	_ =	strace $0x90000046  }
0x29: {  	s29 =	simm.s32 $0x9;
	_ =	strace $0x80000048  }
0x2a: {  	_ =	swait.ge [sflag:s29], $0x1  }
0x2b: {  	[sflag:s29] =	ssyncadd.s32 $0xFFFFFFFF  }
0x2c: {  	_ =	strace $0x90000048  }
0x2d: {  	_ =	sfence  }
0x2e: {  	s30 =	sld [smem:$0x0];
	_ =	sdelay $0x2  }
0x2f: {  	s31 =	sshll.u32 s3, $0xD;
	s3 =	sshrl.u32 s3, $0x2  }
0x30: {  	s2 =	sand.u32 $0x4000, s31;
	s1 =	sadd.s32 s3, s30  }
0x31: {  	s0 =	sor.u32 s2, s0;
	s1 =	sshll.u32 s1, $0x11  }
0x32: {  	s0 =	sor.u32 s1, s0  }
0x33: {  	s0 =	sadd.s32 $0x8F2B, s0  }
0x34: {  	[sflag:s0] =	ssyncadd.remote.s32 $0x1  }
0x35: {  	_ =	sfence.sel $0xFFFF  }
0x36: {  	[dreg:$0x0] =	wrdreg $0xFFFFFFFF;
	(pc) =	sbr.abs _section_cstart, $3  }
0x37: {  	[dreg:$0x1] =	wrdreg $0xFFFFFFFF  }
0x38: {  	_ =	task.clear_ibuf [dreg:s6], $0x2FFFF;
	_ =	strace $0x9FFFFFFF  }
0x39: {  	(tm) =	ssettm $0x7FFFFFFF  }
tec
execute0_lowered:
.L_overlay_start_1:
0x0: {  	(tag) =	ssettag $0x1  }
0x1: {  	s0 =	srdreg.scid  }
0x2: {  	s1 =	sshll.u32 s0, $0x4  }
0x3: {  	s4 =	rddreg [dreg:$0x0];
	s0 =	stileid.u32;
	s1 =	sand.u32 $0x10, s1  }
0x4: {  	s7 =	simm.s32 $0x1;
	s8 =	simm.s32 $0x2;
	s2 =	sor.u32 s0, s1  }
0x5: {  	s9 =	simm.s32 $0x0;
	s12 =	simm.s32 $0x0;
	s2 =	sshll.u32 s2, $0x4  }
0x6: {  	s11 =	simm.s32 $0x0;
	s3 =	sadd.s32 $0x139200, s4;
	s6 =	ssub.s32 $0x2710, s2  }
.Ltmp0:
0x7: {  	s4 =	sadd.s32 $0xA00, s4;
	s5 =	sand.u32 $0x1F0, s6;
	(pc) =	sbr.rel .LBB1_1-.Ltmp0, $4  }
0x8: {  	s1 =	rddreg [dreg:$0x1];
	_ =	strace $0x80000047;
	p0 =	sne.s32 s5, $0x0  }
0x9: {  	s6 =	sshrl.u32 s6, $0x9;
	s5 =	simm.s32 $0x1;
	s7 =	simm.s32 @!p0 $0x0  }
0xa: {  	s10 =	smov.u32 s2;
	[sflag:s5] =	ssyncpa.u1 $0x0;
	s6 =	sadd.s32 s7, s6  }
0xb: {  	[sflag:s8] =	ssyncpa.u1 $0x0;
	s8 =	simm.s32 $0x0;
	s7 =	sadd.s32 $0x1, s6  }
.LBB1_7:
0xc: {  	s14 =	sadd.s32 $0x200, s10  }
0xd: {  	p1 =	sgt.s32 s14, $0x270F  }
0xe: {  	s14 =	smov.u32 @p1 s2;
	p1 =	sne.s32 s11, s7  }
.Ltmp1:
0xf: {  	p0 =	slt.u32 s11, $0x2;
	(pc) =	sbr.rel @!p1 .LBB1_8-.Ltmp1, $4  }
0x10: {  	s13 =	simm.s32 @!p0 $0x2  }
0x11: {  	s15 =	sadd.s32 $0x1, s11;
	_ =	swait.ge @!p0 [sflag:s13], $0x4000  }
0x12: {  	s12 =	smov.u32 s10;
	s9 =	sadd.s32 $0x8000, s9;
	[sflag:s13] =	ssyncset.done @!p0 $0x0  }
0x13: {  	s11 =	smov.u32 s15;
	s10 =	smov.u32 s14;
	[sflag:s13] =	ssyncadd.s32 @!p0 $0xFFFFC000  }
.LBB1_1:
0x14: {  	p0 =	sge.u32 s11, s6  }
0x15: {  	s13 =	sxor.u32 @!p0 $0xFFFFFFFF, s11  }
0x16: {  	s31 =	sadd.s32 $0xFFFFFFFF, s11;
	s14 =	sshll.u32 @!p0 s10, $0x7;
	s13 =	sshll.u32 @!p0 s13, $0xE  }
0x17: {  	s15 =	simm.s32 @!p0 $0x0;
	s14 =	sadd.s32 @!p0 s3, s14;
	s13 =	sand.u32 @!p0 $0x4000, s13  }
0x18: {  	[tilespmem:s13], [sflag:$0x1] =	stream.linear.gather @!p0 [hbm4b:s14+s15], $0x4000, $0x38;
	[tilespmem:$0x10000] =	vst v63  }
0x19: {  	p0 =	sge.u32 s31, s6  }
.Ltmp2:
0x1a: {  	_ = 	snop;
	(pc) =	sbr.rel @p0 .LBB1_7-.Ltmp2, $1  }
0x1b: {  	_ =	sdelay $0x3  }
0x1c: {  	s13 =	sshrl.u32 s9, $0x1;
	_ =	swait.ge [sflag:s5], $0x4000  }
0x1d: {  	s15 =	sshll.u32 s11, $0xE;
	s16 =	simm.s32 $0x0;
	s14 =	sand.u32 $0x4000, s13  }
0x1e: {  	[sflag:s5] =	ssyncset.done $0x0;
	s15 =	sand.u32 $0x4000, s15;
	s13 =	sor.u32 $0x200, s14  }
0x1f: {  	s14 =	sor.u32 $0x8080, s14;
	[sflag:s5] =	ssyncadd.s32 $0xFFFFC000;
	s15 =	sor.u32 $0x8000, s15  }
.LBB1_3:
0x20: {  	v0 =	vld [tilespmem:s13+$0xFFFFFE70]  }
0x21: {  	v1 =	vld [tilespmem:s13+$0x70]  }
0x22: {  	v2 =	vld [tilespmem:s13+$0x0]  }
0x23: {  	v3 =	vld [tilespmem:s13+$0xFFFFFE10]  }
0x24: {  	v4 =	vld [tilespmem:s13+$0x10]  }
0x25: {  	v5 =	vld [tilespmem:s13+$0xFFFFFE20]  }
0x26: {  	v7 =	vld [tilespmem:s13+$0x20]  }
0x27: {  	v11 =	vld [tilespmem:s13+$0x30];
	v6 =	vunpack.i.l.s16.s32 v0;
	v8 =	vunpack.i.u.s16.s32 v0;
	v9 =	vunpack.i.u.s16.s32 v1  }
0x28: {  	v10 =	vunpack.i.l.s16.s32 v1;
	v0 =	vunpack.i.u.s16.s32 v2;
	v1 =	vunpack.i.l.s16.s32 v2;
	v2 =	vld [tilespmem:s13+$0xFFFFFE30]  }
0x29: {  	v8 =	vpack.i.b32.b16 v9, v8;
	v9 =	vunpack.i.u.s16.s32 v3;
	v3 =	vunpack.i.l.s16.s32 v3  }
0x2a: {  	v12 =	vld [tilespmem:s13+$0xFFFFFE40];
	v6 =	vpack.i.b32.b16 v10, v6;
	[tilespmem:s14+$0x70] =	vst v8;
	v8 =	vunpack.i.u.s16.s32 v4;
	v4 =	vunpack.i.l.s16.s32 v4  }
0x2b: {  	v13 =	vld [tilespmem:s13+$0x40];
	v10 =	vunpack.i.u.s16.s32 v5;
	v5 =	vunpack.i.l.s16.s32 v5;
	[tilespmem:s14+$0xFFFFFFF0] =	vst v6;
	v3 =	vpack.i.b32.b16 v4, v3  }
0x2c: {  	v6 =	vunpack.i.l.s16.s32 v7;
	v4 =	vld [tilespmem:s13+$0xFFFFFE50];
	[tilespmem:s14+$0xFFFFFF90] =	vst v3;
	v3 =	vpack.i.b32.b16 v8, v9;
	v8 =	vunpack.i.u.s16.s32 v7  }
0x2d: {  	v7 =	vunpack.i.l.s16.s32 v11;
	[tilespmem:s14+$0x10] =	vst v3;
	v3 =	vpack.i.b32.b16 v6, v5;
	v9 =	vunpack.i.u.s16.s32 v2;
	v6 =	vld [tilespmem:s13+$0x50]  }
0x2e: {  	v5 =	vunpack.i.l.s16.s32 v2;
	v2 =	vld [tilespmem:s13+$0xFFFFFE60];
	[tilespmem:s14+$0xFFFFFFA0] =	vst v3;
	v3 =	vpack.i.b32.b16 v8, v10;
	v10 =	vunpack.i.u.s16.s32 v11  }
0x2f: {  	s19 =	simm.s32 $0x0;
	v11 =	vpack.i.b32.b16 v7, v5;
	v7 =	vunpack.i.u.s16.s32 v12;
	v8 =	vunpack.i.l.s16.s32 v12;
	[tilespmem:s14+$0x20] =	vst v3;
	v3 =	vld [tilespmem:s13+$0x60]  }
0x30: {  	s20 =	sadd.s32 $0x80, s13;
	s18 =	smov.u32 s14;
	s17 =	smov.u32 s14;
	v5 =	vld [tilespmem:s13+$0xFFFFFE00];
	[tilespmem:s14+$0xFFFFFFB0] =	vst v11;
	v10 =	vpack.i.b32.b16 v10, v9;
	v9 =	vunpack.i.u.s16.s32 v13;
	v11 =	vunpack.i.l.s16.s32 v13  }
.LBB1_4:
0x31: {  	v12 =	vld [tilespmem:s20+$0xFFFFFE70];
	[tilespmem:s18+$0x30] =	vst v10;
	v8 =	vpack.i.b32.b16 v11, v8;
	v10 =	vunpack.i.u.s16.s32 v4;
	v4 =	vunpack.i.l.s16.s32 v4  }
0x32: {  	s19 =	sadd.s32 $0x2, s19;
	v7 =	vpack.i.b32.b16 v9, v7;
	v11 =	vld [tilespmem:s20+$0x70];
	[tilespmem:s18+$0xFFFFFFC0] =	vst v8;
	v8 =	vunpack.i.u.s16.s32 v6;
	v6 =	vunpack.i.l.s16.s32 v6  }
0x33: {  	p0 =	slt.u32 s19, $0x6;
	v9 =	vld [tilespmem:s20+$0x0];
	[tilespmem:s18+$0x40] =	vst v7;
	v4 =	vpack.i.b32.b16 v6, v4;
	v6 =	vunpack.i.u.s16.s32 v2;
	v2 =	vunpack.i.l.s16.s32 v2  }
0x34: {  	v7 =	vld [tilespmem:s20+$0xFFFFFE10];
	[tilespmem:s18+$0xFFFFFFD0] =	vst v4;
	v4 =	vpack.i.b32.b16 v8, v10;
	v8 =	vunpack.i.u.s16.s32 v3;
	v3 =	vunpack.i.l.s16.s32 v3  }
0x35: {  	v10 =	vld [tilespmem:s20+$0x10];
	v13 =	vunpack.i.u.s16.s32 v5;
	v5 =	vunpack.i.l.s16.s32 v5;
	[tilespmem:s18+$0x50] =	vst v4;
	v2 =	vpack.i.b32.b16 v3, v2  }
0x36: {  	v3 =	vld [tilespmem:s20+$0xFFFFFE20];
	v4 =	vunpack.i.l.s16.s32 v12;
	v1 =	vpack.i.b32.b16 v1, v5;
	v5 =	vpack.i.b32.b16 v0, v13;
	[tilespmem:s18+$0xFFFFFFE0] =	vst v2  }
0x37: {  	v12 =	vunpack.i.u.s16.s32 v12;
	v2 =	vld [tilespmem:s20+$0x20];
	v13 =	vunpack.i.u.s16.s32 v11;
	v11 =	vunpack.i.l.s16.s32 v11;
	[tilespmem:s18+$0xFFFFFF80] =	vst v1  }
0x38: {  	s18 =	sadd.s32 $0x100, s18;
	v0 =	vunpack.i.u.s16.s32 v9;
	v1 =	vunpack.i.l.s16.s32 v9;
	v9 =	vld [tilespmem:s20+$0xFFFFFE30];
	v12 =	vpack.i.b32.b16 v13, v12;
	[tilespmem:s17+$0x0] =	vst v5  }
0x39: {  	v6 =	vpack.i.b32.b16 v8, v6;
	v5 =	vunpack.i.u.s16.s32 v7;
	v7 =	vunpack.i.l.s16.s32 v7;
	v13 =	vld [tilespmem:s20+$0x30];
	[tilespmem:s18+$0x70] =	vst v12  }
0x3a: {  	v4 =	vpack.i.b32.b16 v11, v4;
	v8 =	vunpack.i.u.s16.s32 v10;
	v10 =	vunpack.i.l.s16.s32 v10;
	v12 =	vld [tilespmem:s20+$0xFFFFFE40];
	[tilespmem:s17+$0x60] =	vst v6;
	s17 =	smov.u32 s18  }
0x3b: {  	v6 =	vpack.i.b32.b16 v10, v7;
	v7 =	vunpack.i.u.s16.s32 v3;
	v3 =	vunpack.i.l.s16.s32 v3;
	v11 =	vld [tilespmem:s20+$0x40];
	[tilespmem:s18+$0xFFFFFFF0] =	vst v4  }
.Ltmp3:
0x3c: {  	v5 =	vpack.i.b32.b16 v8, v5;
	[tilespmem:s18+$0xFFFFFF90] =	vst v6;
	v8 =	vunpack.i.u.s16.s32 v2;
	v2 =	vunpack.i.l.s16.s32 v2;
	v4 =	vld [tilespmem:s20+$0xFFFFFE50];
	(pc) =	sbr.rel @p0 .LBB1_4-.Ltmp3, $4  }
0x3d: {  	[tilespmem:s18+$0x10] =	vst v5;
	v2 =	vpack.i.b32.b16 v2, v3;
	v10 =	vunpack.i.u.s16.s32 v9;
	v3 =	vunpack.i.l.s16.s32 v9;
	v6 =	vld [tilespmem:s20+$0x50]  }
0x3e: {  	v5 =	vpack.i.b32.b16 v8, v7;
	[tilespmem:s18+$0xFFFFFFA0] =	vst v2;
	v9 =	vunpack.i.u.s16.s32 v13;
	v7 =	vunpack.i.l.s16.s32 v13;
	v2 =	vld [tilespmem:s20+$0xFFFFFE60]  }
0x3f: {  	[tilespmem:s18+$0x20] =	vst v5;
	v13 =	vpack.i.b32.b16 v7, v3;
	v7 =	vunpack.i.u.s16.s32 v12;
	v8 =	vunpack.i.l.s16.s32 v12;
	v3 =	vld [tilespmem:s20+$0x60]  }
0x40: {  	v10 =	vpack.i.b32.b16 v9, v10;
	v5 =	vld [tilespmem:s20+$0xFFFFFE00];
	[tilespmem:s18+$0xFFFFFFB0] =	vst v13;
	v9 =	vunpack.i.u.s16.s32 v11;
	v11 =	vunpack.i.l.s16.s32 v11;
	s20 =	sadd.s32 $0x80, s20  }
0x41: {  	[tilespmem:s18+$0x30] =	vst v10;
	v8 =	vpack.i.b32.b16 v11, v8  }
0x42: {  	v51 =	vunpack.i.l.s16.s32 v4;
	v7 =	vpack.i.b32.b16 v9, v7;
	[tilespmem:s18+$0xFFFFFFC0] =	vst v8;
	v52 =	vunpack.i.l.s16.s32 v6  }
0x43: {  	v53 =	vunpack.i.u.s16.s32 v4;
	s16 =	sadd.s32 $0x1, s16;
	v54 =	vunpack.i.u.s16.s32 v6;
	[tilespmem:s18+$0x40] =	vst v7;
	v55 =	vpack.i.b32.b16 v52, v51  }
0x44: {  	p0 =	sne.s32 s16, $0x10;
	v56 =	vunpack.i.l.s16.s32 v2;
	v4 =	vpack.i.b32.b16 v54, v53;
	[tilespmem:s18+$0xFFFFFFD0] =	vst v55;
	v57 =	vunpack.i.l.s16.s32 v3  }
.Ltmp4:
0x45: {  	[tilespmem:s18+$0x50] =	vst v4;
	v58 =	vunpack.i.l.s16.s32 v5;
	v59 =	vpack.i.b32.b16 v57, v56;
	(pc) =	sbr.rel @p0 .LBB1_3-.Ltmp4, $4  }
0x46: {  	v61 =	vunpack.i.u.s16.s32 v2;
	v62 =	vunpack.i.u.s16.s32 v3;
	v1 =	vpack.i.b32.b16 v1, v58;
	[tilespmem:s18+$0xFFFFFFE0] =	vst v59  }
0x47: {  	v60 =	vunpack.i.u.s16.s32 v5;
	v63 =	vpack.i.b32.b16 v62, v61;
	[tilespmem:s18+$0xFFFFFF80] =	vst v1  }
0x48: {  	v0 =	vpack.i.b32.b16 v0, v60;
	[tilespmem:s17+$0x60] =	vst v63  }
0x49: {  	s13 =	sadd.s32 $0x400, s13;
	s14 =	sadd.s32 $0x400, s14;
	[tilespmem:s17+$0x0] =	vst v0  }
.Ltmp5:
0x4a: {  	(pc) =	sbr.rel .LBB1_7-.Ltmp5, $4  }
0x4b: {  	_ = 	snop  }
0x4c: {  	s12 =	sshll.u32 s12, $0x7  }
0x4d: {  	s12 =	sadd.s32 s4, s12  }
0x4e: {  	[hbm4b:s12+s8] =	stream.linear.scatter [tilespmem:s15], [sflag:$0x2], $0x4000, $0x38;
	[tilespmem:$0x10000] =	vst v63  }
.LBB1_8:
0x4f: {  	_ =	sfence.sel $0x180000  }
0x50: {  	s2 =	simm.s32 $0x1;
	[bflag:$0x0] =	sbarrier.arrive $0xFFFF  }
0x51: {  	s31 =	simm.s32 $0x2;
	[sflag:s2] =	ssyncpa.u1 $0x1  }
0x52: {  	[sflag:s31] =	ssyncpa.u1 $0x1  }
0x53: {  	p0 =	sne.s32 s0, $0x0;
	_ =	strace $0x90000047  }
0x54: {  	s0 =	sadd.s32 @!p0 $0x100000, s1;
	[bflag:$0x2] =	sbarrier.arrive $0xFFFF  }
0x55: {  	[sflag:s0] =	ssyncadd.tile.s32 @!p0 $0x1;
	_ =	shalt  }
.Lfunc_end1:
_tile_overlayer_lowered:
.L_overlay_start_2:
0x56: {  	(tag) =	ssettag $0x2  }
0x57: {  	s0 =	rddreg [dreg:$0x0];
	s2 =	stileid.u32  }
0x58: {  	s1 =	rddreg [dreg:$0x1];
	p0 =	sne.s32 s2, $0x0  }
0x59: {  	s3 =	rddreg [dreg:$0x2];
	[bflag:$0x3] =	sbarrier.arrive $0xFFFF;
	s2 =	simm.s32 @!p0 $0x1C01  }
0x5a: {  	[timem:s3], [sflag:s2] =	dma.local @!p0 [hbm:s0], s1  }
0x5b: {  	s0 =	simm.s32 @!p0 $0x1  }
0x5c: {  	_ =	swait.ge @!p0 [sflag:s0], s1  }
0x5d: {  	s1 =	ssub.s32 @!p0 $0x0, s1;
	[sflag:s0] =	ssyncset.done @!p0 $0x0  }
0x5e: {  	[sflag:s0] =	ssyncadd.s32 @!p0 s1  }
0x5f: {  	[bflag:$0x3] =	sbarrier.arrive $0xFFFF  }
0x60: {  	_ =	shalt  }

</sc_bundles>
